<compile_context>
chip_gen: v7x
topology: tpu7x:2x2x1
jax: 0.10.2.dev20260603
libtpu: 0.0.44.dev20260713+nightly
codegen_flags: <defaults>
</compile_context>

<pallas_src>
import functools

import jax
import jax.numpy as jnp
from jax import lax
from jax.experimental import pallas as pl
from jax.experimental.pallas import tpu as pltpu
from jax.experimental.pallas import tpu_sc as plsc

B, C, H, W = 64, 2, 128, 128
HW = H * W
K = 500
KP = 512
L = 16
NC, NS = 2, 16
NW = NC * NS
BPW = B // NW
ROW = 4 * KP


def _make_sc_loss():
    mesh = plsc.VectorSubcoreMesh(core_axis_name="c", subcore_axis_name="s")

    @functools.partial(
        pl.kernel,
        out_type=jax.ShapeDtypeStruct((NW, 2 * L), jnp.float32),
        mesh=mesh,
        compiler_params=pltpu.CompilerParams(needs_layout_passes=False),
        scratch_types=[
            pltpu.VMEM((C, H, W), jnp.float32),
            pltpu.VMEM((C, H, W), jnp.float32),
            pltpu.VMEM((ROW,), jnp.float32),
            pltpu.VMEM((ROW,), jnp.float32),
            pltpu.VMEM((2 * L,), jnp.float32),
            pltpu.SemaphoreType.DMA,
            pltpu.SemaphoreType.DMA,
        ],
    )
    def sc_loss(feat_hbm, packed_hbm, out_hbm,
                feat0_v, feat1_v, row0_v, row1_v, stage_v, sem0, sem1):
        cid = lax.axis_index("c")
        sid = lax.axis_index("s")
        wid = sid * NC + cid
        b0 = wid * BPW

        cp0 = pltpu.async_copy(feat_hbm.at[b0], feat0_v, sem0)
        cp1 = pltpu.async_copy(feat_hbm.at[b0 + 1], feat1_v, sem1)
        pltpu.sync_copy(packed_hbm.at[b0], row0_v)
        pltpu.sync_copy(packed_hbm.at[b0 + 1], row1_v)

        zero = jnp.zeros((L,), jnp.int32)
        one = zero + 1
        num = jnp.zeros((L,), jnp.float32)
        msum = jnp.zeros((L,), jnp.float32)
        for cp, feat_v, row_v in ((cp0, feat0_v, row0_v),
                                  (cp1, feat1_v, row1_v)):
            cp.wait()
            for j in range(KP // L):
                s = j * L
                idx = plsc.bitcast(row_v[pl.ds(s, L)], jnp.int32)
                m = row_v[pl.ds(KP + s, L)]
                t0 = row_v[pl.ds(2 * KP + s, L)]
                t1 = row_v[pl.ds(3 * KP + s, L)]
                hi = lax.shift_right_logical(idx, 7)
                wi = lax.bitwise_and(idx, W - 1)
                x0 = plsc.load_gather(feat_v, [zero, hi, wi])
                x1 = plsc.load_gather(feat_v, [one, hi, wi])
                num = num + m * (jnp.abs(x0 - t0) + jnp.abs(x1 - t1))
                msum = msum + m

        stage_v[pl.ds(0, L)] = num
        stage_v[pl.ds(L, L)] = msum
        pltpu.sync_copy(stage_v, out_hbm.at[wid])

    return sc_loss


_SC_LOSS = _make_sc_loss()


def kernel(output, mask, ind, target):
    feat = output.astype(jnp.float32)
    pad = ((0, 0), (0, KP - K))
    packed = jnp.concatenate(
        [
            jnp.pad(lax.bitcast_convert_type(ind.astype(jnp.int32),
                                             jnp.float32), pad),
            jnp.pad(mask.astype(jnp.float32), pad),
            jnp.pad(target[:, :, 0].astype(jnp.float32), pad),
            jnp.pad(target[:, :, 1].astype(jnp.float32), pad),
        ],
        axis=1,
    )
    res = _SC_LOSS(feat, packed)
    num = jnp.sum(res[:, :L])
    msum = jnp.sum(res[:, L:])
    return num / (C * msum + 0.0001)

# --- scband reference (transcript-rebuilt; emitter-appended) ---
"""Pipeline reference for scband-reg-l1-loss-9646496547312 (READ-ONLY COPY).

The authoritative reference and input builder live on the scoring server;
editing this copy changes nothing except your own understanding.
"""

import jax, jax.numpy as jnp
import numpy as np

B, C, H, W = 64, 2, 128, 128
K = 500

def setup_inputs(seed: int = 0) -> dict:
    key = jax.random.key(seed)
    k1, k2, k3 = jax.random.split(key, 3)
    output = jax.random.normal(k1, (B, C, H, W), dtype=jnp.float32)
    mask = jnp.ones((B, K), dtype=jnp.float32)
    ind = jax.random.randint(k2, (B, K), 0, H * W, dtype=jnp.int64)
    target = jax.random.normal(k3, (B, K, C), dtype=jnp.float32)
    return {"output": output, "mask": mask, "ind": ind, "target": target}

def _tranpose_and_gather_feat(feat, ind):
    b, c, h, w = feat.shape
    feat = jnp.transpose(feat, (0, 2, 3, 1)).reshape(b, h * w, c)
    idx = jnp.broadcast_to(ind[:, :, None], (b, ind.shape[1], c))
    return jnp.take_along_axis(feat, idx, axis=1)

def reference(output, mask, ind, target):
    pred = _tranpose_and_gather_feat(output, ind)
    m = jnp.broadcast_to(mask[:, :, None], pred.shape).astype(jnp.float32)
    loss = jnp.sum(jnp.abs(pred * m - target * m))
    loss = loss / (jnp.sum(m) + 0.0001)
    return loss

if __name__ == "__main__":
    import jax
    _d = setup_inputs()
    print(jax.jit(kernel)(*tuple(_d.values())))

</pallas_src>

<mosaic_0001>
#map = affine_map<(d0, d1) -> (0, 0, 0, 0)>
#map1 = affine_map<(d0, d1) -> (0, 0)>
module attributes {stable_mosaic.version = 14 : i64} {
  func.func @sc_loss(%arg0: i32, %arg1: i32, %arg2: memref<64x2x128x128xf32, #tpu.memory_space<hbm>>, %arg3: memref<64x2048xf32, #tpu.memory_space<hbm>>, %arg4: memref<32x32xf32, #tpu.memory_space<hbm>>, %arg5: memref<2x128x128xf32, #tpu.memory_space<vmem>>, %arg6: memref<2x128x128xf32, #tpu.memory_space<vmem>>, %arg7: memref<2048xf32, #tpu.memory_space<vmem>>, %arg8: memref<2048xf32, #tpu.memory_space<vmem>>, %arg9: memref<32xf32, #tpu.memory_space<vmem>>, %arg10: memref<!tpu.dma_semaphore, #tpu.memory_space<semaphore_mem>>, %arg11: memref<!tpu.dma_semaphore, #tpu.memory_space<semaphore_mem>>) attributes {dimension_semantics = [#tpu.dimension_semantics<core_parallel>, #tpu.dimension_semantics<subcore_parallel>], iteration_bounds = array<i64: 2, 16>, scalar_prefetch = 0 : i64, scratch_operands = 7 : i64, tpu.core_type = #tpu.core_type<sc_vector_subcore>, window_params = [{transform_indices = #map}, {transform_indices = #map1}, {transform_indices = #map1}]} {
    %mul3A = arith.constant 2 : i32
    %mul3A_0 = arith.muli %arg1, %mul3A : i32
    %add3A = arith.addi %mul3A_0, %arg0 : i32
    %mul3A_1 = arith.constant 2 : i32
    %mul3A_2 = arith.muli %add3A, %mul3A_1 : i32
    %dma_start3A = arith.constant 0 : i32
    %dma_start3A_3 = arith.constant 0 : i32
    %dma_start3A_4 = arith.constant 0 : i32
    %dma_start3A_5 = tpu.memref_slice %arg2[%mul3A_2, %dma_start3A, %dma_start3A_3, %dma_start3A_4] : memref<64x2x128x128xf32, #tpu.memory_space<hbm>> -> memref<1x2x128x128xf32, #tpu.memory_space<hbm>>
    %dma_start3A_6 = tpu.memref_squeeze %dma_start3A_5 : memref<1x2x128x128xf32, #tpu.memory_space<hbm>> -> memref<2x128x128xf32, #tpu.memory_space<hbm>>
    %dma_start3A_7 = arith.constant 0 : i32
    %dma_start3A_8 = arith.constant 0 : i32
    %dma_start3A_9 = arith.constant 0 : i32
    %dma_start3A_10 = tpu.memref_slice %arg2[%mul3A_2, %dma_start3A_7, %dma_start3A_8, %dma_start3A_9] : memref<64x2x128x128xf32, #tpu.memory_space<hbm>> -> memref<1x2x128x128xf32, #tpu.memory_space<hbm>>
    %dma_start3A_11 = tpu.memref_squeeze %dma_start3A_10 : memref<1x2x128x128xf32, #tpu.memory_space<hbm>> -> memref<2x128x128xf32, #tpu.memory_space<hbm>>
    tpu.enqueue_dma source(%dma_start3A_11 : memref<2x128x128xf32, #tpu.memory_space<hbm>>) target(%arg5 : memref<2x128x128xf32, #tpu.memory_space<vmem>>) target_semaphore(%arg10 : memref<!tpu.dma_semaphore, #tpu.memory_space<semaphore_mem>>)
    %add3A_12 = arith.constant 1 : i32
    %add3A_13 = arith.addi %mul3A_2, %add3A_12 : i32
    %dma_start3A_14 = arith.constant 0 : i32
    %dma_start3A_15 = arith.constant 0 : i32
    %dma_start3A_16 = arith.constant 0 : i32
    %dma_start3A_17 = tpu.memref_slice %arg2[%add3A_13, %dma_start3A_14, %dma_start3A_15, %dma_start3A_16] : memref<64x2x128x128xf32, #tpu.memory_space<hbm>> -> memref<1x2x128x128xf32, #tpu.memory_space<hbm>>
    %dma_start3A_18 = tpu.memref_squeeze %dma_start3A_17 : memref<1x2x128x128xf32, #tpu.memory_space<hbm>> -> memref<2x128x128xf32, #tpu.memory_space<hbm>>
    %dma_start3A_19 = arith.constant 0 : i32
    %dma_start3A_20 = arith.constant 0 : i32
    %dma_start3A_21 = arith.constant 0 : i32
    %dma_start3A_22 = tpu.memref_slice %arg2[%add3A_13, %dma_start3A_19, %dma_start3A_20, %dma_start3A_21] : memref<64x2x128x128xf32, #tpu.memory_space<hbm>> -> memref<1x2x128x128xf32, #tpu.memory_space<hbm>>
    %dma_start3A_23 = tpu.memref_squeeze %dma_start3A_22 : memref<1x2x128x128xf32, #tpu.memory_space<hbm>> -> memref<2x128x128xf32, #tpu.memory_space<hbm>>
    tpu.enqueue_dma source(%dma_start3A_23 : memref<2x128x128xf32, #tpu.memory_space<hbm>>) target(%arg6 : memref<2x128x128xf32, #tpu.memory_space<vmem>>) target_semaphore(%arg11 : memref<!tpu.dma_semaphore, #tpu.memory_space<semaphore_mem>>)
    "tpu.region"() ({
      %run_scoped3A = tpu.sem_alloc : memref<!tpu.dma_semaphore, #tpu.memory_space<semaphore_mem>>
      %dma_start3A_1649 = arith.constant 0 : i32
      %dma_start3A_1650 = tpu.memref_slice %arg3[%mul3A_2, %dma_start3A_1649] : memref<64x2048xf32, #tpu.memory_space<hbm>> -> memref<1x2048xf32, #tpu.memory_space<hbm>>
      %dma_start3A_1651 = tpu.memref_squeeze %dma_start3A_1650 : memref<1x2048xf32, #tpu.memory_space<hbm>> -> memref<2048xf32, #tpu.memory_space<hbm>>
      %dma_start3A_1652 = arith.constant 0 : i32
      %dma_start3A_1653 = tpu.memref_slice %arg3[%mul3A_2, %dma_start3A_1652] : memref<64x2048xf32, #tpu.memory_space<hbm>> -> memref<1x2048xf32, #tpu.memory_space<hbm>>
      %dma_start3A_1654 = tpu.memref_squeeze %dma_start3A_1653 : memref<1x2048xf32, #tpu.memory_space<hbm>> -> memref<2048xf32, #tpu.memory_space<hbm>>
      tpu.enqueue_dma source(%dma_start3A_1654 : memref<2048xf32, #tpu.memory_space<hbm>>) target(%arg7 : memref<2048xf32, #tpu.memory_space<vmem>>) target_semaphore(%run_scoped3A : memref<!tpu.dma_semaphore, #tpu.memory_space<semaphore_mem>>)
      %dma_wait3A_1655 = arith.constant 0 : i32
      %dma_wait3A_1656 = tpu.memref_slice %arg3[%mul3A_2, %dma_wait3A_1655] : memref<64x2048xf32, #tpu.memory_space<hbm>> -> memref<1x2048xf32, #tpu.memory_space<hbm>>
      %dma_wait3A_1657 = tpu.memref_squeeze %dma_wait3A_1656 : memref<1x2048xf32, #tpu.memory_space<hbm>> -> memref<2048xf32, #tpu.memory_space<hbm>>
      %dma_wait3A_1658 = arith.constant 0 : i32
      %dma_wait3A_1659 = tpu.memref_slice %arg3[%mul3A_2, %dma_wait3A_1658] : memref<64x2048xf32, #tpu.memory_space<hbm>> -> memref<1x2048xf32, #tpu.memory_space<hbm>>
      %dma_wait3A_1660 = tpu.memref_squeeze %dma_wait3A_1659 : memref<1x2048xf32, #tpu.memory_space<hbm>> -> memref<2048xf32, #tpu.memory_space<hbm>>
      tpu.wait_dma2 semaphore(%run_scoped3A : memref<!tpu.dma_semaphore, #tpu.memory_space<semaphore_mem>>) src(%dma_wait3A_1660 : memref<2048xf32, #tpu.memory_space<hbm>>) dst(%arg7 : memref<2048xf32, #tpu.memory_space<vmem>>)
      tpu.yield
    }) : () -> ()
    %add3A_24 = arith.constant 1 : i32
    %add3A_25 = arith.addi %mul3A_2, %add3A_24 : i32
    "tpu.region"() ({
      %run_scoped3A = tpu.sem_alloc : memref<!tpu.dma_semaphore, #tpu.memory_space<semaphore_mem>>
      %dma_start3A_1649 = arith.constant 0 : i32
      %dma_start3A_1650 = tpu.memref_slice %arg3[%add3A_25, %dma_start3A_1649] : memref<64x2048xf32, #tpu.memory_space<hbm>> -> memref<1x2048xf32, #tpu.memory_space<hbm>>
      %dma_start3A_1651 = tpu.memref_squeeze %dma_start3A_1650 : memref<1x2048xf32, #tpu.memory_space<hbm>> -> memref<2048xf32, #tpu.memory_space<hbm>>
      %dma_start3A_1652 = arith.constant 0 : i32
      %dma_start3A_1653 = tpu.memref_slice %arg3[%add3A_25, %dma_start3A_1652] : memref<64x2048xf32, #tpu.memory_space<hbm>> -> memref<1x2048xf32, #tpu.memory_space<hbm>>
      %dma_start3A_1654 = tpu.memref_squeeze %dma_start3A_1653 : memref<1x2048xf32, #tpu.memory_space<hbm>> -> memref<2048xf32, #tpu.memory_space<hbm>>
      tpu.enqueue_dma source(%dma_start3A_1654 : memref<2048xf32, #tpu.memory_space<hbm>>) target(%arg8 : memref<2048xf32, #tpu.memory_space<vmem>>) target_semaphore(%run_scoped3A : memref<!tpu.dma_semaphore, #tpu.memory_space<semaphore_mem>>)
      %dma_wait3A_1655 = arith.constant 0 : i32
      %dma_wait3A_1656 = tpu.memref_slice %arg3[%add3A_25, %dma_wait3A_1655] : memref<64x2048xf32, #tpu.memory_space<hbm>> -> memref<1x2048xf32, #tpu.memory_space<hbm>>
      %dma_wait3A_1657 = tpu.memref_squeeze %dma_wait3A_1656 : memref<1x2048xf32, #tpu.memory_space<hbm>> -> memref<2048xf32, #tpu.memory_space<hbm>>
      %dma_wait3A_1658 = arith.constant 0 : i32
      %dma_wait3A_1659 = tpu.memref_slice %arg3[%add3A_25, %dma_wait3A_1658] : memref<64x2048xf32, #tpu.memory_space<hbm>> -> memref<1x2048xf32, #tpu.memory_space<hbm>>
      %dma_wait3A_1660 = tpu.memref_squeeze %dma_wait3A_1659 : memref<1x2048xf32, #tpu.memory_space<hbm>> -> memref<2048xf32, #tpu.memory_space<hbm>>
      tpu.wait_dma2 semaphore(%run_scoped3A : memref<!tpu.dma_semaphore, #tpu.memory_space<semaphore_mem>>) src(%dma_wait3A_1660 : memref<2048xf32, #tpu.memory_space<hbm>>) dst(%arg8 : memref<2048xf32, #tpu.memory_space<vmem>>)
      tpu.yield
    }) : () -> ()
    %broadcast_in_dim3A = arith.constant 0 : i32
    %broadcast_in_dim3A_26 = vector.broadcast %broadcast_in_dim3A : i32 to vector<16xi32>
    %add3A_27 = arith.constant 1 : i32
    %add3A_28 = vector.broadcast %add3A_27 : i32 to vector<16xi32>
    %add3A_29 = arith.addi %broadcast_in_dim3A_26, %add3A_28 : vector<16xi32>
    %broadcast_in_dim3A_30 = arith.constant 0.000000e+00 : f32
    %broadcast_in_dim3A_31 = vector.broadcast %broadcast_in_dim3A_30 : f32 to vector<16xf32>
    %broadcast_in_dim3A_32 = arith.constant 0.000000e+00 : f32
    %broadcast_in_dim3A_33 = vector.broadcast %broadcast_in_dim3A_32 : f32 to vector<16xf32>
    %dma_wait3A = arith.constant 0 : i32
    %dma_wait3A_34 = arith.constant 0 : i32
    %dma_wait3A_35 = arith.constant 0 : i32
    %dma_wait3A_36 = tpu.memref_slice %arg2[%mul3A_2, %dma_wait3A, %dma_wait3A_34, %dma_wait3A_35] : memref<64x2x128x128xf32, #tpu.memory_space<hbm>> -> memref<1x2x128x128xf32, #tpu.memory_space<hbm>>
    %dma_wait3A_37 = tpu.memref_squeeze %dma_wait3A_36 : memref<1x2x128x128xf32, #tpu.memory_space<hbm>> -> memref<2x128x128xf32, #tpu.memory_space<hbm>>
    %dma_wait3A_38 = arith.constant 0 : i32
    %dma_wait3A_39 = arith.constant 0 : i32
    %dma_wait3A_40 = arith.constant 0 : i32
    %dma_wait3A_41 = tpu.memref_slice %arg2[%mul3A_2, %dma_wait3A_38, %dma_wait3A_39, %dma_wait3A_40] : memref<64x2x128x128xf32, #tpu.memory_space<hbm>> -> memref<1x2x128x128xf32, #tpu.memory_space<hbm>>
    %dma_wait3A_42 = tpu.memref_squeeze %dma_wait3A_41 : memref<1x2x128x128xf32, #tpu.memory_space<hbm>> -> memref<2x128x128xf32, #tpu.memory_space<hbm>>
    tpu.wait_dma2 semaphore(%arg10 : memref<!tpu.dma_semaphore, #tpu.memory_space<semaphore_mem>>) src(%dma_wait3A_42 : memref<2x128x128xf32, #tpu.memory_space<hbm>>) dst(%arg5 : memref<2x128x128xf32, #tpu.memory_space<vmem>>)
    %get3A = arith.constant 0 : index
    %get3A_43 = tpu.vector_load %arg7[%get3A] {strides = array<i32>} : memref<2048xf32, #tpu.memory_space<vmem>>, vector<16xf32>,
    %bitcast3A = vector.bitcast %get3A_43 : vector<16xf32> to vector<16xi32>
    %get3A_44 = arith.constant 512 : index
    %get3A_45 = tpu.vector_load %arg7[%get3A_44] {strides = array<i32>} : memref<2048xf32, #tpu.memory_space<vmem>>, vector<16xf32>,
    %get3A_46 = arith.constant 1024 : index
    %get3A_47 = tpu.vector_load %arg7[%get3A_46] {strides = array<i32>} : memref<2048xf32, #tpu.memory_space<vmem>>, vector<16xf32>,
    %get3A_48 = arith.constant 1536 : index
    %get3A_49 = tpu.vector_load %arg7[%get3A_48] {strides = array<i32>} : memref<2048xf32, #tpu.memory_space<vmem>>, vector<16xf32>,
    %shift_right_logical3A = arith.constant 7 : i32
    %shift_right_logical3A_50 = vector.broadcast %shift_right_logical3A : i32 to vector<16xi32>
    %shift_right_logical3A_51 = arith.shrui %bitcast3A, %shift_right_logical3A_50 : vector<16xi32>
    %and3A = arith.constant 127 : i32
    %and3A_52 = vector.broadcast %and3A : i32 to vector<16xi32>
    %and3A_53 = arith.andi %bitcast3A, %and3A_52 : vector<16xi32>
    %gather3A = tpu.vector_load_idx %arg5[%broadcast_in_dim3A_26, %shift_right_logical3A_51, %and3A_53] : memref<2x128x128xf32, #tpu.memory_space<vmem>>[vector<16xi32>, vector<16xi32>, vector<16xi32>], vector<16xf32>,
    %gather3A_54 = tpu.vector_load_idx %arg5[%add3A_29, %shift_right_logical3A_51, %and3A_53] : memref<2x128x128xf32, #tpu.memory_space<vmem>>[vector<16xi32>, vector<16xi32>, vector<16xi32>], vector<16xf32>,
    %sub3A = arith.subf %gather3A, %get3A_47 : vector<16xf32>
    %abs3A = math.absf %sub3A : vector<16xf32>
    %sub3A_55 = arith.subf %gather3A_54, %get3A_49 : vector<16xf32>
    %abs3A_56 = math.absf %sub3A_55 : vector<16xf32>
    %add3A_57 = arith.addf %abs3A, %abs3A_56 : vector<16xf32>
    %mul3A_58 = arith.mulf %get3A_45, %add3A_57 : vector<16xf32>
    %add3A_59 = arith.addf %broadcast_in_dim3A_31, %mul3A_58 : vector<16xf32>
    %add3A_60 = arith.addf %broadcast_in_dim3A_33, %get3A_45 : vector<16xf32>
    %get3A_61 = arith.constant 16 : index
    %get3A_62 = tpu.vector_load %arg7[%get3A_61] {strides = array<i32>} : memref<2048xf32, #tpu.memory_space<vmem>>, vector<16xf32>,
    %bitcast3A_63 = vector.bitcast %get3A_62 : vector<16xf32> to vector<16xi32>
    %get3A_64 = arith.constant 528 : index
    %get3A_65 = tpu.vector_load %arg7[%get3A_64] {strides = array<i32>} : memref<2048xf32, #tpu.memory_space<vmem>>, vector<16xf32>,
    %get3A_66 = arith.constant 1040 : index
    %get3A_67 = tpu.vector_load %arg7[%get3A_66] {strides = array<i32>} : memref<2048xf32, #tpu.memory_space<vmem>>, vector<16xf32>,
    %get3A_68 = arith.constant 1552 : index
    %get3A_69 = tpu.vector_load %arg7[%get3A_68] {strides = array<i32>} : memref<2048xf32, #tpu.memory_space<vmem>>, vector<16xf32>,
    %shift_right_logical3A_70 = arith.constant 7 : i32
    %shift_right_logical3A_71 = vector.broadcast %shift_right_logical3A_70 : i32 to vector<16xi32>
    %shift_right_logical3A_72 = arith.shrui %bitcast3A_63, %shift_right_logical3A_71 : vector<16xi32>
    %and3A_73 = arith.constant 127 : i32
    %and3A_74 = vector.broadcast %and3A_73 : i32 to vector<16xi32>
    %and3A_75 = arith.andi %bitcast3A_63, %and3A_74 : vector<16xi32>
    %gather3A_76 = tpu.vector_load_idx %arg5[%broadcast_in_dim3A_26, %shift_right_logical3A_72, %and3A_75] : memref<2x128x128xf32, #tpu.memory_space<vmem>>[vector<16xi32>, vector<16xi32>, vector<16xi32>], vector<16xf32>,
    %gather3A_77 = tpu.vector_load_idx %arg5[%add3A_29, %shift_right_logical3A_72, %and3A_75] : memref<2x128x128xf32, #tpu.memory_space<vmem>>[vector<16xi32>, vector<16xi32>, vector<16xi32>], vector<16xf32>,
    %sub3A_78 = arith.subf %gather3A_76, %get3A_67 : vector<16xf32>
    %abs3A_79 = math.absf %sub3A_78 : vector<16xf32>
    %sub3A_80 = arith.subf %gather3A_77, %get3A_69 : vector<16xf32>
    %abs3A_81 = math.absf %sub3A_80 : vector<16xf32>
    %add3A_82 = arith.addf %abs3A_79, %abs3A_81 : vector<16xf32>
    %mul3A_83 = arith.mulf %get3A_65, %add3A_82 : vector<16xf32>
    %add3A_84 = arith.addf %add3A_59, %mul3A_83 : vector<16xf32>
    %add3A_85 = arith.addf %add3A_60, %get3A_65 : vector<16xf32>
    %get3A_86 = arith.constant 32 : index
    %get3A_87 = tpu.vector_load %arg7[%get3A_86] {strides = array<i32>} : memref<2048xf32, #tpu.memory_space<vmem>>, vector<16xf32>,
    %bitcast3A_88 = vector.bitcast %get3A_87 : vector<16xf32> to vector<16xi32>
    %get3A_89 = arith.constant 544 : index
    %get3A_90 = tpu.vector_load %arg7[%get3A_89] {strides = array<i32>} : memref<2048xf32, #tpu.memory_space<vmem>>, vector<16xf32>,
    %get3A_91 = arith.constant 1056 : index
    %get3A_92 = tpu.vector_load %arg7[%get3A_91] {strides = array<i32>} : memref<2048xf32, #tpu.memory_space<vmem>>, vector<16xf32>,
    %get3A_93 = arith.constant 1568 : index
    %get3A_94 = tpu.vector_load %arg7[%get3A_93] {strides = array<i32>} : memref<2048xf32, #tpu.memory_space<vmem>>, vector<16xf32>,
    %shift_right_logical3A_95 = arith.constant 7 : i32
    %shift_right_logical3A_96 = vector.broadcast %shift_right_logical3A_95 : i32 to vector<16xi32>
    %shift_right_logical3A_97 = arith.shrui %bitcast3A_88, %shift_right_logical3A_96 : vector<16xi32>
    %and3A_98 = arith.constant 127 : i32
    %and3A_99 = vector.broadcast %and3A_98 : i32 to vector<16xi32>
    %and3A_100 = arith.andi %bitcast3A_88, %and3A_99 : vector<16xi32>
    %gather3A_101 = tpu.vector_load_idx %arg5[%broadcast_in_dim3A_26, %shift_right_logical3A_97, %and3A_100] : memref<2x128x128xf32, #tpu.memory_space<vmem>>[vector<16xi32>, vector<16xi32>, vector<16xi32>], vector<16xf32>,
    %gather3A_102 = tpu.vector_load_idx %arg5[%add3A_29, %shift_right_logical3A_97, %and3A_100] : memref<2x128x128xf32, #tpu.memory_space<vmem>>[vector<16xi32>, vector<16xi32>, vector<16xi32>], vector<16xf32>,
    %sub3A_103 = arith.subf %gather3A_101, %get3A_92 : vector<16xf32>
    %abs3A_104 = math.absf %sub3A_103 : vector<16xf32>
    %sub3A_105 = arith.subf %gather3A_102, %get3A_94 : vector<16xf32>
    %abs3A_106 = math.absf %sub3A_105 : vector<16xf32>
    %add3A_107 = arith.addf %abs3A_104, %abs3A_106 : vector<16xf32>
    %mul3A_108 = arith.mulf %get3A_90, %add3A_107 : vector<16xf32>
    %add3A_109 = arith.addf %add3A_84, %mul3A_108 : vector<16xf32>
    %add3A_110 = arith.addf %add3A_85, %get3A_90 : vector<16xf32>
    %get3A_111 = arith.constant 48 : index
    %get3A_112 = tpu.vector_load %arg7[%get3A_111] {strides = array<i32>} : memref<2048xf32, #tpu.memory_space<vmem>>, vector<16xf32>,
    %bitcast3A_113 = vector.bitcast %get3A_112 : vector<16xf32> to vector<16xi32>
    %get3A_114 = arith.constant 560 : index
    %get3A_115 = tpu.vector_load %arg7[%get3A_114] {strides = array<i32>} : memref<2048xf32, #tpu.memory_space<vmem>>, vector<16xf32>,
    %get3A_116 = arith.constant 1072 : index
    %get3A_117 = tpu.vector_load %arg7[%get3A_116] {strides = array<i32>} : memref<2048xf32, #tpu.memory_space<vmem>>, vector<16xf32>,
    %get3A_118 = arith.constant 1584 : index
    %get3A_119 = tpu.vector_load %arg7[%get3A_118] {strides = array<i32>} : memref<2048xf32, #tpu.memory_space<vmem>>, vector<16xf32>,
    %shift_right_logical3A_120 = arith.constant 7 : i32
    %shift_right_logical3A_121 = vector.broadcast %shift_right_logical3A_120 : i32 to vector<16xi32>
    %shift_right_logical3A_122 = arith.shrui %bitcast3A_113, %shift_right_logical3A_121 : vector<16xi32>
    %and3A_123 = arith.constant 127 : i32
    %and3A_124 = vector.broadcast %and3A_123 : i32 to vector<16xi32>
    %and3A_125 = arith.andi %bitcast3A_113, %and3A_124 : vector<16xi32>
    %gather3A_126 = tpu.vector_load_idx %arg5[%broadcast_in_dim3A_26, %shift_right_logical3A_122, %and3A_125] : memref<2x128x128xf32, #tpu.memory_space<vmem>>[vector<16xi32>, vector<16xi32>, vector<16xi32>], vector<16xf32>,
    %gather3A_127 = tpu.vector_load_idx %arg5[%add3A_29, %shift_right_logical3A_122, %and3A_125] : memref<2x128x128xf32, #tpu.memory_space<vmem>>[vector<16xi32>, vector<16xi32>, vector<16xi32>], vector<16xf32>,
    %sub3A_128 = arith.subf %gather3A_126, %get3A_117 : vector<16xf32>
    %abs3A_129 = math.absf %sub3A_128 : vector<16xf32>
    %sub3A_130 = arith.subf %gather3A_127, %get3A_119 : vector<16xf32>
    %abs3A_131 = math.absf %sub3A_130 : vector<16xf32>
    %add3A_132 = arith.addf %abs3A_129, %abs3A_131 : vector<16xf32>
    %mul3A_133 = arith.mulf %get3A_115, %add3A_132 : vector<16xf32>
    %add3A_134 = arith.addf %add3A_109, %mul3A_133 : vector<16xf32>
    %add3A_135 = arith.addf %add3A_110, %get3A_115 : vector<16xf32>
    %get3A_136 = arith.constant 64 : index
    %get3A_137 = tpu.vector_load %arg7[%get3A_136] {strides = array<i32>} : memref<2048xf32, #tpu.memory_space<vmem>>, vector<16xf32>,
    %bitcast3A_138 = vector.bitcast %get3A_137 : vector<16xf32> to vector<16xi32>
    %get3A_139 = arith.constant 576 : index
    %get3A_140 = tpu.vector_load %arg7[%get3A_139] {strides = array<i32>} : memref<2048xf32, #tpu.memory_space<vmem>>, vector<16xf32>,
    %get3A_141 = arith.constant 1088 : index
    %get3A_142 = tpu.vector_load %arg7[%get3A_141] {strides = array<i32>} : memref<2048xf32, #tpu.memory_space<vmem>>, vector<16xf32>,
    %get3A_143 = arith.constant 1600 : index
    %get3A_144 = tpu.vector_load %arg7[%get3A_143] {strides = array<i32>} : memref<2048xf32, #tpu.memory_space<vmem>>, vector<16xf32>,
    %shift_right_logical3A_145 = arith.constant 7 : i32
    %shift_right_logical3A_146 = vector.broadcast %shift_right_logical3A_145 : i32 to vector<16xi32>
    %shift_right_logical3A_147 = arith.shrui %bitcast3A_138, %shift_right_logical3A_146 : vector<16xi32>
    %and3A_148 = arith.constant 127 : i32
    %and3A_149 = vector.broadcast %and3A_148 : i32 to vector<16xi32>
    %and3A_150 = arith.andi %bitcast3A_138, %and3A_149 : vector<16xi32>
    %gather3A_151 = tpu.vector_load_idx %arg5[%broadcast_in_dim3A_26, %shift_right_logical3A_147, %and3A_150] : memref<2x128x128xf32, #tpu.memory_space<vmem>>[vector<16xi32>, vector<16xi32>, vector<16xi32>], vector<16xf32>,
    %gather3A_152 = tpu.vector_load_idx %arg5[%add3A_29, %shift_right_logical3A_147, %and3A_150] : memref<2x128x128xf32, #tpu.memory_space<vmem>>[vector<16xi32>, vector<16xi32>, vector<16xi32>], vector<16xf32>,
    %sub3A_153 = arith.subf %gather3A_151, %get3A_142 : vector<16xf32>
    %abs3A_154 = math.absf %sub3A_153 : vector<16xf32>
    %sub3A_155 = arith.subf %gather3A_152, %get3A_144 : vector<16xf32>
    %abs3A_156 = math.absf %sub3A_155 : vector<16xf32>
    %add3A_157 = arith.addf %abs3A_154, %abs3A_156 : vector<16xf32>
    %mul3A_158 = arith.mulf %get3A_140, %add3A_157 : vector<16xf32>
    %add3A_159 = arith.addf %add3A_134, %mul3A_158 : vector<16xf32>
    %add3A_160 = arith.addf %add3A_135, %get3A_140 : vector<16xf32>
    %get3A_161 = arith.constant 80 : index
    %get3A_162 = tpu.vector_load %arg7[%get3A_161] {strides = array<i32>} : memref<2048xf32, #tpu.memory_space<vmem>>, vector<16xf32>,
    %bitcast3A_163 = vector.bitcast %get3A_162 : vector<16xf32> to vector<16xi32>
    %get3A_164 = arith.constant 592 : index
    %get3A_165 = tpu.vector_load %arg7[%get3A_164] {strides = array<i32>} : memref<2048xf32, #tpu.memory_space<vmem>>, vector<16xf32>,
    %get3A_166 = arith.constant 1104 : index
    %get3A_167 = tpu.vector_load %arg7[%get3A_166] {strides = array<i32>} : memref<2048xf32, #tpu.memory_space<vmem>>, vector<16xf32>,
    %get3A_168 = arith.constant 1616 : index
    %get3A_169 = tpu.vector_load %arg7[%get3A_168] {strides = array<i32>} : memref<2048xf32, #tpu.memory_space<vmem>>, vector<16xf32>,
    %shift_right_logical3A_170 = arith.constant 7 : i32
    %shift_right_logical3A_171 = vector.broadcast %shift_right_logical3A_170 : i32 to vector<16xi32>
    %shift_right_logical3A_172 = arith.shrui %bitcast3A_163, %shift_right_logical3A_171 : vector<16xi32>
    %and3A_173 = arith.constant 127 : i32
    %and3A_174 = vector.broadcast %and3A_173 : i32 to vector<16xi32>
    %and3A_175 = arith.andi %bitcast3A_163, %and3A_174 : vector<16xi32>
    %gather3A_176 = tpu.vector_load_idx %arg5[%broadcast_in_dim3A_26, %shift_right_logical3A_172, %and3A_175] : memref<2x128x128xf32, #tpu.memory_space<vmem>>[vector<16xi32>, vector<16xi32>, vector<16xi32>], vector<16xf32>,
    %gather3A_177 = tpu.vector_load_idx %arg5[%add3A_29, %shift_right_logical3A_172, %and3A_175] : memref<2x128x128xf32, #tpu.memory_space<vmem>>[vector<16xi32>, vector<16xi32>, vector<16xi32>], vector<16xf32>,
    %sub3A_178 = arith.subf %gather3A_176, %get3A_167 : vector<16xf32>
    %abs3A_179 = math.absf %sub3A_178 : vector<16xf32>
    %sub3A_180 = arith.subf %gather3A_177, %get3A_169 : vector<16xf32>
    %abs3A_181 = math.absf %sub3A_180 : vector<16xf32>
    %add3A_182 = arith.addf %abs3A_179, %abs3A_181 : vector<16xf32>
    %mul3A_183 = arith.mulf %get3A_165, %add3A_182 : vector<16xf32>
    %add3A_184 = arith.addf %add3A_159, %mul3A_183 : vector<16xf32>
    %add3A_185 = arith.addf %add3A_160, %get3A_165 : vector<16xf32>
    %get3A_186 = arith.constant 96 : index
    %get3A_187 = tpu.vector_load %arg7[%get3A_186] {strides = array<i32>} : memref<2048xf32, #tpu.memory_space<vmem>>, vector<16xf32>,
    %bitcast3A_188 = vector.bitcast %get3A_187 : vector<16xf32> to vector<16xi32>
    %get3A_189 = arith.constant 608 : index
    %get3A_190 = tpu.vector_load %arg7[%get3A_189] {strides = array<i32>} : memref<2048xf32, #tpu.memory_space<vmem>>, vector<16xf32>,
    %get3A_191 = arith.constant 1120 : index
    %get3A_192 = tpu.vector_load %arg7[%get3A_191] {strides = array<i32>} : memref<2048xf32, #tpu.memory_space<vmem>>, vector<16xf32>,
    %get3A_193 = arith.constant 1632 : index
    %get3A_194 = tpu.vector_load %arg7[%get3A_193] {strides = array<i32>} : memref<2048xf32, #tpu.memory_space<vmem>>, vector<16xf32>,
    %shift_right_logical3A_195 = arith.constant 7 : i32
    %shift_right_logical3A_196 = vector.broadcast %shift_right_logical3A_195 : i32 to vector<16xi32>
    %shift_right_logical3A_197 = arith.shrui %bitcast3A_188, %shift_right_logical3A_196 : vector<16xi32>
    %and3A_198 = arith.constant 127 : i32
    %and3A_199 = vector.broadcast %and3A_198 : i32 to vector<16xi32>
    %and3A_200 = arith.andi %bitcast3A_188, %and3A_199 : vector<16xi32>
    %gather3A_201 = tpu.vector_load_idx %arg5[%broadcast_in_dim3A_26, %shift_right_logical3A_197, %and3A_200] : memref<2x128x128xf32, #tpu.memory_space<vmem>>[vector<16xi32>, vector<16xi32>, vector<16xi32>], vector<16xf32>,
    %gather3A_202 = tpu.vector_load_idx %arg5[%add3A_29, %shift_right_logical3A_197, %and3A_200] : memref<2x128x128xf32, #tpu.memory_space<vmem>>[vector<16xi32>, vector<16xi32>, vector<16xi32>], vector<16xf32>,
    %sub3A_203 = arith.subf %gather3A_201, %get3A_192 : vector<16xf32>
    %abs3A_204 = math.absf %sub3A_203 : vector<16xf32>
    %sub3A_205 = arith.subf %gather3A_202, %get3A_194 : vector<16xf32>
    %abs3A_206 = math.absf %sub3A_205 : vector<16xf32>
    %add3A_207 = arith.addf %abs3A_204, %abs3A_206 : vector<16xf32>
    %mul3A_208 = arith.mulf %get3A_190, %add3A_207 : vector<16xf32>
    %add3A_209 = arith.addf %add3A_184, %mul3A_208 : vector<16xf32>
    %add3A_210 = arith.addf %add3A_185, %get3A_190 : vector<16xf32>
    %get3A_211 = arith.constant 112 : index
    %get3A_212 = tpu.vector_load %arg7[%get3A_211] {strides = array<i32>} : memref<2048xf32, #tpu.memory_space<vmem>>, vector<16xf32>,
    %bitcast3A_213 = vector.bitcast %get3A_212 : vector<16xf32> to vector<16xi32>
    %get3A_214 = arith.constant 624 : index
    %get3A_215 = tpu.vector_load %arg7[%get3A_214] {strides = array<i32>} : memref<2048xf32, #tpu.memory_space<vmem>>, vector<16xf32>,
    %get3A_216 = arith.constant 1136 : index
    %get3A_217 = tpu.vector_load %arg7[%get3A_216] {strides = array<i32>} : memref<2048xf32, #tpu.memory_space<vmem>>, vector<16xf32>,
    %get3A_218 = arith.constant 1648 : index
    %get3A_219 = tpu.vector_load %arg7[%get3A_218] {strides = array<i32>} : memref<2048xf32, #tpu.memory_space<vmem>>, vector<16xf32>,
    %shift_right_logical3A_220 = arith.constant 7 : i32
    %shift_right_logical3A_221 = vector.broadcast %shift_right_logical3A_220 : i32 to vector<16xi32>
    %shift_right_logical3A_222 = arith.shrui %bitcast3A_213, %shift_right_logical3A_221 : vector<16xi32>
    %and3A_223 = arith.constant 127 : i32
    %and3A_224 = vector.broadcast %and3A_223 : i32 to vector<16xi32>
    %and3A_225 = arith.andi %bitcast3A_213, %and3A_224 : vector<16xi32>
    %gather3A_226 = tpu.vector_load_idx %arg5[%broadcast_in_dim3A_26, %shift_right_logical3A_222, %and3A_225] : memref<2x128x128xf32, #tpu.memory_space<vmem>>[vector<16xi32>, vector<16xi32>, vector<16xi32>], vector<16xf32>,
    %gather3A_227 = tpu.vector_load_idx %arg5[%add3A_29, %shift_right_logical3A_222, %and3A_225] : memref<2x128x128xf32, #tpu.memory_space<vmem>>[vector<16xi32>, vector<16xi32>, vector<16xi32>], vector<16xf32>,
    %sub3A_228 = arith.subf %gather3A_226, %get3A_217 : vector<16xf32>
    %abs3A_229 = math.absf %sub3A_228 : vector<16xf32>
    %sub3A_230 = arith.subf %gather3A_227, %get3A_219 : vector<16xf32>
    %abs3A_231 = math.absf %sub3A_230 : vector<16xf32>
    %add3A_232 = arith.addf %abs3A_229, %abs3A_231 : vector<16xf32>
    %mul3A_233 = arith.mulf %get3A_215, %add3A_232 : vector<16xf32>
    %add3A_234 = arith.addf %add3A_209, %mul3A_233 : vector<16xf32>
    %add3A_235 = arith.addf %add3A_210, %get3A_215 : vector<16xf32>
    %get3A_236 = arith.constant 128 : index
    %get3A_237 = tpu.vector_load %arg7[%get3A_236] {strides = array<i32>} : memref<2048xf32, #tpu.memory_space<vmem>>, vector<16xf32>,
    %bitcast3A_238 = vector.bitcast %get3A_237 : vector<16xf32> to vector<16xi32>
    %get3A_239 = arith.constant 640 : index
    %get3A_240 = tpu.vector_load %arg7[%get3A_239] {strides = array<i32>} : memref<2048xf32, #tpu.memory_space<vmem>>, vector<16xf32>,
    %get3A_241 = arith.constant 1152 : index
    %get3A_242 = tpu.vector_load %arg7[%get3A_241] {strides = array<i32>} : memref<2048xf32, #tpu.memory_space<vmem>>, vector<16xf32>,
    %get3A_243 = arith.constant 1664 : index
    %get3A_244 = tpu.vector_load %arg7[%get3A_243] {strides = array<i32>} : memref<2048xf32, #tpu.memory_space<vmem>>, vector<16xf32>,
    %shift_right_logical3A_245 = arith.constant 7 : i32
    %shift_right_logical3A_246 = vector.broadcast %shift_right_logical3A_245 : i32 to vector<16xi32>
    %shift_right_logical3A_247 = arith.shrui %bitcast3A_238, %shift_right_logical3A_246 : vector<16xi32>
    %and3A_248 = arith.constant 127 : i32
    %and3A_249 = vector.broadcast %and3A_248 : i32 to vector<16xi32>
    %and3A_250 = arith.andi %bitcast3A_238, %and3A_249 : vector<16xi32>
    %gather3A_251 = tpu.vector_load_idx %arg5[%broadcast_in_dim3A_26, %shift_right_logical3A_247, %and3A_250] : memref<2x128x128xf32, #tpu.memory_space<vmem>>[vector<16xi32>, vector<16xi32>, vector<16xi32>], vector<16xf32>,
    %gather3A_252 = tpu.vector_load_idx %arg5[%add3A_29, %shift_right_logical3A_247, %and3A_250] : memref<2x128x128xf32, #tpu.memory_space<vmem>>[vector<16xi32>, vector<16xi32>, vector<16xi32>], vector<16xf32>,
    %sub3A_253 = arith.subf %gather3A_251, %get3A_242 : vector<16xf32>
    %abs3A_254 = math.absf %sub3A_253 : vector<16xf32>
    %sub3A_255 = arith.subf %gather3A_252, %get3A_244 : vector<16xf32>
    %abs3A_256 = math.absf %sub3A_255 : vector<16xf32>
    %add3A_257 = arith.addf %abs3A_254, %abs3A_256 : vector<16xf32>
    %mul3A_258 = arith.mulf %get3A_240, %add3A_257 : vector<16xf32>
    %add3A_259 = arith.addf %add3A_234, %mul3A_258 : vector<16xf32>
    %add3A_260 = arith.addf %add3A_235, %get3A_240 : vector<16xf32>
    %get3A_261 = arith.constant 144 : index
    %get3A_262 = tpu.vector_load %arg7[%get3A_261] {strides = array<i32>} : memref<2048xf32, #tpu.memory_space<vmem>>, vector<16xf32>,
    %bitcast3A_263 = vector.bitcast %get3A_262 : vector<16xf32> to vector<16xi32>
    %get3A_264 = arith.constant 656 : index
    %get3A_265 = tpu.vector_load %arg7[%get3A_264] {strides = array<i32>} : memref<2048xf32, #tpu.memory_space<vmem>>, vector<16xf32>,
    %get3A_266 = arith.constant 1168 : index
    %get3A_267 = tpu.vector_load %arg7[%get3A_266] {strides = array<i32>} : memref<2048xf32, #tpu.memory_space<vmem>>, vector<16xf32>,
    %get3A_268 = arith.constant 1680 : index
    %get3A_269 = tpu.vector_load %arg7[%get3A_268] {strides = array<i32>} : memref<2048xf32, #tpu.memory_space<vmem>>, vector<16xf32>,
    %shift_right_logical3A_270 = arith.constant 7 : i32
    %shift_right_logical3A_271 = vector.broadcast %shift_right_logical3A_270 : i32 to vector<16xi32>
    %shift_right_logical3A_272 = arith.shrui %bitcast3A_263, %shift_right_logical3A_271 : vector<16xi32>
    %and3A_273 = arith.constant 127 : i32
    %and3A_274 = vector.broadcast %and3A_273 : i32 to vector<16xi32>
    %and3A_275 = arith.andi %bitcast3A_263, %and3A_274 : vector<16xi32>
    %gather3A_276 = tpu.vector_load_idx %arg5[%broadcast_in_dim3A_26, %shift_right_logical3A_272, %and3A_275] : memref<2x128x128xf32, #tpu.memory_space<vmem>>[vector<16xi32>, vector<16xi32>, vector<16xi32>], vector<16xf32>,
    %gather3A_277 = tpu.vector_load_idx %arg5[%add3A_29, %shift_right_logical3A_272, %and3A_275] : memref<2x128x128xf32, #tpu.memory_space<vmem>>[vector<16xi32>, vector<16xi32>, vector<16xi32>], vector<16xf32>,
    %sub3A_278 = arith.subf %gather3A_276, %get3A_267 : vector<16xf32>
    %abs3A_279 = math.absf %sub3A_278 : vector<16xf32>
    %sub3A_280 = arith.subf %gather3A_277, %get3A_269 : vector<16xf32>
    %abs3A_281 = math.absf %sub3A_280 : vector<16xf32>
    %add3A_282 = arith.addf %abs3A_279, %abs3A_281 : vector<16xf32>
    %mul3A_283 = arith.mulf %get3A_265, %add3A_282 : vector<16xf32>
    %add3A_284 = arith.addf %add3A_259, %mul3A_283 : vector<16xf32>
    %add3A_285 = arith.addf %add3A_260, %get3A_265 : vector<16xf32>
    %get3A_286 = arith.constant 160 : index
    %get3A_287 = tpu.vector_load %arg7[%get3A_286] {strides = array<i32>} : memref<2048xf32, #tpu.memory_space<vmem>>, vector<16xf32>,
    %bitcast3A_288 = vector.bitcast %get3A_287 : vector<16xf32> to vector<16xi32>
    %get3A_289 = arith.constant 672 : index
    %get3A_290 = tpu.vector_load %arg7[%get3A_289] {strides = array<i32>} : memref<2048xf32, #tpu.memory_space<vmem>>, vector<16xf32>,
    %get3A_291 = arith.constant 1184 : index
    %get3A_292 = tpu.vector_load %arg7[%get3A_291] {strides = array<i32>} : memref<2048xf32, #tpu.memory_space<vmem>>, vector<16xf32>,
    %get3A_293 = arith.constant 1696 : index
    %get3A_294 = tpu.vector_load %arg7[%get3A_293] {strides = array<i32>} : memref<2048xf32, #tpu.memory_space<vmem>>, vector<16xf32>,
    %shift_right_logical3A_295 = arith.constant 7 : i32
    %shift_right_logical3A_296 = vector.broadcast %shift_right_logical3A_295 : i32 to vector<16xi32>
    %shift_right_logical3A_297 = arith.shrui %bitcast3A_288, %shift_right_logical3A_296 : vector<16xi32>
    %and3A_298 = arith.constant 127 : i32
    %and3A_299 = vector.broadcast %and3A_298 : i32 to vector<16xi32>
    %and3A_300 = arith.andi %bitcast3A_288, %and3A_299 : vector<16xi32>
    %gather3A_301 = tpu.vector_load_idx %arg5[%broadcast_in_dim3A_26, %shift_right_logical3A_297, %and3A_300] : memref<2x128x128xf32, #tpu.memory_space<vmem>>[vector<16xi32>, vector<16xi32>, vector<16xi32>], vector<16xf32>,
    %gather3A_302 = tpu.vector_load_idx %arg5[%add3A_29, %shift_right_logical3A_297, %and3A_300] : memref<2x128x128xf32, #tpu.memory_space<vmem>>[vector<16xi32>, vector<16xi32>, vector<16xi32>], vector<16xf32>,
    %sub3A_303 = arith.subf %gather3A_301, %get3A_292 : vector<16xf32>
    %abs3A_304 = math.absf %sub3A_303 : vector<16xf32>
    %sub3A_305 = arith.subf %gather3A_302, %get3A_294 : vector<16xf32>
    %abs3A_306 = math.absf %sub3A_305 : vector<16xf32>
    %add3A_307 = arith.addf %abs3A_304, %abs3A_306 : vector<16xf32>
    %mul3A_308 = arith.mulf %get3A_290, %add3A_307 : vector<16xf32>
    %add3A_309 = arith.addf %add3A_284, %mul3A_308 : vector<16xf32>
    %add3A_310 = arith.addf %add3A_285, %get3A_290 : vector<16xf32>
    %get3A_311 = arith.constant 176 : index
    %get3A_312 = tpu.vector_load %arg7[%get3A_311] {strides = array<i32>} : memref<2048xf32, #tpu.memory_space<vmem>>, vector<16xf32>,
    %bitcast3A_313 = vector.bitcast %get3A_312 : vector<16xf32> to vector<16xi32>
    %get3A_314 = arith.constant 688 : index
    %get3A_315 = tpu.vector_load %arg7[%get3A_314] {strides = array<i32>} : memref<2048xf32, #tpu.memory_space<vmem>>, vector<16xf32>,
    %get3A_316 = arith.constant 1200 : index
    %get3A_317 = tpu.vector_load %arg7[%get3A_316] {strides = array<i32>} : memref<2048xf32, #tpu.memory_space<vmem>>, vector<16xf32>,
    %get3A_318 = arith.constant 1712 : index
    %get3A_319 = tpu.vector_load %arg7[%get3A_318] {strides = array<i32>} : memref<2048xf32, #tpu.memory_space<vmem>>, vector<16xf32>,
    %shift_right_logical3A_320 = arith.constant 7 : i32
    %shift_right_logical3A_321 = vector.broadcast %shift_right_logical3A_320 : i32 to vector<16xi32>
    %shift_right_logical3A_322 = arith.shrui %bitcast3A_313, %shift_right_logical3A_321 : vector<16xi32>
    %and3A_323 = arith.constant 127 : i32
    %and3A_324 = vector.broadcast %and3A_323 : i32 to vector<16xi32>
    %and3A_325 = arith.andi %bitcast3A_313, %and3A_324 : vector<16xi32>
    %gather3A_326 = tpu.vector_load_idx %arg5[%broadcast_in_dim3A_26, %shift_right_logical3A_322, %and3A_325] : memref<2x128x128xf32, #tpu.memory_space<vmem>>[vector<16xi32>, vector<16xi32>, vector<16xi32>], vector<16xf32>,
    %gather3A_327 = tpu.vector_load_idx %arg5[%add3A_29, %shift_right_logical3A_322, %and3A_325] : memref<2x128x128xf32, #tpu.memory_space<vmem>>[vector<16xi32>, vector<16xi32>, vector<16xi32>], vector<16xf32>,
    %sub3A_328 = arith.subf %gather3A_326, %get3A_317 : vector<16xf32>
    %abs3A_329 = math.absf %sub3A_328 : vector<16xf32>
    %sub3A_330 = arith.subf %gather3A_327, %get3A_319 : vector<16xf32>
    %abs3A_331 = math.absf %sub3A_330 : vector<16xf32>
    %add3A_332 = arith.addf %abs3A_329, %abs3A_331 : vector<16xf32>
    %mul3A_333 = arith.mulf %get3A_315, %add3A_332 : vector<16xf32>
    %add3A_334 = arith.addf %add3A_309, %mul3A_333 : vector<16xf32>
    %add3A_335 = arith.addf %add3A_310, %get3A_315 : vector<16xf32>
    %get3A_336 = arith.constant 192 : index
    %get3A_337 = tpu.vector_load %arg7[%get3A_336] {strides = array<i32>} : memref<2048xf32, #tpu.memory_space<vmem>>, vector<16xf32>,
    %bitcast3A_338 = vector.bitcast %get3A_337 : vector<16xf32> to vector<16xi32>
    %get3A_339 = arith.constant 704 : index
    %get3A_340 = tpu.vector_load %arg7[%get3A_339] {strides = array<i32>} : memref<2048xf32, #tpu.memory_space<vmem>>, vector<16xf32>,
    %get3A_341 = arith.constant 1216 : index
    %get3A_342 = tpu.vector_load %arg7[%get3A_341] {strides = array<i32>} : memref<2048xf32, #tpu.memory_space<vmem>>, vector<16xf32>,
    %get3A_343 = arith.constant 1728 : index
    %get3A_344 = tpu.vector_load %arg7[%get3A_343] {strides = array<i32>} : memref<2048xf32, #tpu.memory_space<vmem>>, vector<16xf32>,
    %shift_right_logical3A_345 = arith.constant 7 : i32
    %shift_right_logical3A_346 = vector.broadcast %shift_right_logical3A_345 : i32 to vector<16xi32>
    %shift_right_logical3A_347 = arith.shrui %bitcast3A_338, %shift_right_logical3A_346 : vector<16xi32>
    %and3A_348 = arith.constant 127 : i32
    %and3A_349 = vector.broadcast %and3A_348 : i32 to vector<16xi32>
    %and3A_350 = arith.andi %bitcast3A_338, %and3A_349 : vector<16xi32>
    %gather3A_351 = tpu.vector_load_idx %arg5[%broadcast_in_dim3A_26, %shift_right_logical3A_347, %and3A_350] : memref<2x128x128xf32, #tpu.memory_space<vmem>>[vector<16xi32>, vector<16xi32>, vector<16xi32>], vector<16xf32>,
    %gather3A_352 = tpu.vector_load_idx %arg5[%add3A_29, %shift_right_logical3A_347, %and3A_350] : memref<2x128x128xf32, #tpu.memory_space<vmem>>[vector<16xi32>, vector<16xi32>, vector<16xi32>], vector<16xf32>,
    %sub3A_353 = arith.subf %gather3A_351, %get3A_342 : vector<16xf32>
    %abs3A_354 = math.absf %sub3A_353 : vector<16xf32>
    %sub3A_355 = arith.subf %gather3A_352, %get3A_344 : vector<16xf32>
    %abs3A_356 = math.absf %sub3A_355 : vector<16xf32>
    %add3A_357 = arith.addf %abs3A_354, %abs3A_356 : vector<16xf32>
    %mul3A_358 = arith.mulf %get3A_340, %add3A_357 : vector<16xf32>
    %add3A_359 = arith.addf %add3A_334, %mul3A_358 : vector<16xf32>
    %add3A_360 = arith.addf %add3A_335, %get3A_340 : vector<16xf32>
    %get3A_361 = arith.constant 208 : index
    %get3A_362 = tpu.vector_load %arg7[%get3A_361] {strides = array<i32>} : memref<2048xf32, #tpu.memory_space<vmem>>, vector<16xf32>,
    %bitcast3A_363 = vector.bitcast %get3A_362 : vector<16xf32> to vector<16xi32>
    %get3A_364 = arith.constant 720 : index
    %get3A_365 = tpu.vector_load %arg7[%get3A_364] {strides = array<i32>} : memref<2048xf32, #tpu.memory_space<vmem>>, vector<16xf32>,
    %get3A_366 = arith.constant 1232 : index
    %get3A_367 = tpu.vector_load %arg7[%get3A_366] {strides = array<i32>} : memref<2048xf32, #tpu.memory_space<vmem>>, vector<16xf32>,
    %get3A_368 = arith.constant 1744 : index
    %get3A_369 = tpu.vector_load %arg7[%get3A_368] {strides = array<i32>} : memref<2048xf32, #tpu.memory_space<vmem>>, vector<16xf32>,
    %shift_right_logical3A_370 = arith.constant 7 : i32
    %shift_right_logical3A_371 = vector.broadcast %shift_right_logical3A_370 : i32 to vector<16xi32>
    %shift_right_logical3A_372 = arith.shrui %bitcast3A_363, %shift_right_logical3A_371 : vector<16xi32>
    %and3A_373 = arith.constant 127 : i32
    %and3A_374 = vector.broadcast %and3A_373 : i32 to vector<16xi32>
    %and3A_375 = arith.andi %bitcast3A_363, %and3A_374 : vector<16xi32>
    %gather3A_376 = tpu.vector_load_idx %arg5[%broadcast_in_dim3A_26, %shift_right_logical3A_372, %and3A_375] : memref<2x128x128xf32, #tpu.memory_space<vmem>>[vector<16xi32>, vector<16xi32>, vector<16xi32>], vector<16xf32>,
    %gather3A_377 = tpu.vector_load_idx %arg5[%add3A_29, %shift_right_logical3A_372, %and3A_375] : memref<2x128x128xf32, #tpu.memory_space<vmem>>[vector<16xi32>, vector<16xi32>, vector<16xi32>], vector<16xf32>,
    %sub3A_378 = arith.subf %gather3A_376, %get3A_367 : vector<16xf32>
    %abs3A_379 = math.absf %sub3A_378 : vector<16xf32>
    %sub3A_380 = arith.subf %gather3A_377, %get3A_369 : vector<16xf32>
    %abs3A_381 = math.absf %sub3A_380 : vector<16xf32>
    %add3A_382 = arith.addf %abs3A_379, %abs3A_381 : vector<16xf32>
    %mul3A_383 = arith.mulf %get3A_365, %add3A_382 : vector<16xf32>
    %add3A_384 = arith.addf %add3A_359, %mul3A_383 : vector<16xf32>
    %add3A_385 = arith.addf %add3A_360, %get3A_365 : vector<16xf32>
    %get3A_386 = arith.constant 224 : index
    %get3A_387 = tpu.vector_load %arg7[%get3A_386] {strides = array<i32>} : memref<2048xf32, #tpu.memory_space<vmem>>, vector<16xf32>,
    %bitcast3A_388 = vector.bitcast %get3A_387 : vector<16xf32> to vector<16xi32>
    %get3A_389 = arith.constant 736 : index
    %get3A_390 = tpu.vector_load %arg7[%get3A_389] {strides = array<i32>} : memref<2048xf32, #tpu.memory_space<vmem>>, vector<16xf32>,
    %get3A_391 = arith.constant 1248 : index
    %get3A_392 = tpu.vector_load %arg7[%get3A_391] {strides = array<i32>} : memref<2048xf32, #tpu.memory_space<vmem>>, vector<16xf32>,
    %get3A_393 = arith.constant 1760 : index
    %get3A_394 = tpu.vector_load %arg7[%get3A_393] {strides = array<i32>} : memref<2048xf32, #tpu.memory_space<vmem>>, vector<16xf32>,
    %shift_right_logical3A_395 = arith.constant 7 : i32
    %shift_right_logical3A_396 = vector.broadcast %shift_right_logical3A_395 : i32 to vector<16xi32>
    %shift_right_logical3A_397 = arith.shrui %bitcast3A_388, %shift_right_logical3A_396 : vector<16xi32>
    %and3A_398 = arith.constant 127 : i32
    %and3A_399 = vector.broadcast %and3A_398 : i32 to vector<16xi32>
    %and3A_400 = arith.andi %bitcast3A_388, %and3A_399 : vector<16xi32>
    %gather3A_401 = tpu.vector_load_idx %arg5[%broadcast_in_dim3A_26, %shift_right_logical3A_397, %and3A_400] : memref<2x128x128xf32, #tpu.memory_space<vmem>>[vector<16xi32>, vector<16xi32>, vector<16xi32>], vector<16xf32>,
    %gather3A_402 = tpu.vector_load_idx %arg5[%add3A_29, %shift_right_logical3A_397, %and3A_400] : memref<2x128x128xf32, #tpu.memory_space<vmem>>[vector<16xi32>, vector<16xi32>, vector<16xi32>], vector<16xf32>,
    %sub3A_403 = arith.subf %gather3A_401, %get3A_392 : vector<16xf32>
    %abs3A_404 = math.absf %sub3A_403 : vector<16xf32>
    %sub3A_405 = arith.subf %gather3A_402, %get3A_394 : vector<16xf32>
    %abs3A_406 = math.absf %sub3A_405 : vector<16xf32>
    %add3A_407 = arith.addf %abs3A_404, %abs3A_406 : vector<16xf32>
    %mul3A_408 = arith.mulf %get3A_390, %add3A_407 : vector<16xf32>
    %add3A_409 = arith.addf %add3A_384, %mul3A_408 : vector<16xf32>
    %add3A_410 = arith.addf %add3A_385, %get3A_390 : vector<16xf32>
    %get3A_411 = arith.constant 240 : index
    %get3A_412 = tpu.vector_load %arg7[%get3A_411] {strides = array<i32>} : memref<2048xf32, #tpu.memory_space<vmem>>, vector<16xf32>,
    %bitcast3A_413 = vector.bitcast %get3A_412 : vector<16xf32> to vector<16xi32>
    %get3A_414 = arith.constant 752 : index
    %get3A_415 = tpu.vector_load %arg7[%get3A_414] {strides = array<i32>} : memref<2048xf32, #tpu.memory_space<vmem>>, vector<16xf32>,
    %get3A_416 = arith.constant 1264 : index
    %get3A_417 = tpu.vector_load %arg7[%get3A_416] {strides = array<i32>} : memref<2048xf32, #tpu.memory_space<vmem>>, vector<16xf32>,
    %get3A_418 = arith.constant 1776 : index
    %get3A_419 = tpu.vector_load %arg7[%get3A_418] {strides = array<i32>} : memref<2048xf32, #tpu.memory_space<vmem>>, vector<16xf32>,
    %shift_right_logical3A_420 = arith.constant 7 : i32
    %shift_right_logical3A_421 = vector.broadcast %shift_right_logical3A_420 : i32 to vector<16xi32>
    %shift_right_logical3A_422 = arith.shrui %bitcast3A_413, %shift_right_logical3A_421 : vector<16xi32>
    %and3A_423 = arith.constant 127 : i32
    %and3A_424 = vector.broadcast %and3A_423 : i32 to vector<16xi32>
    %and3A_425 = arith.andi %bitcast3A_413, %and3A_424 : vector<16xi32>
    %gather3A_426 = tpu.vector_load_idx %arg5[%broadcast_in_dim3A_26, %shift_right_logical3A_422, %and3A_425] : memref<2x128x128xf32, #tpu.memory_space<vmem>>[vector<16xi32>, vector<16xi32>, vector<16xi32>], vector<16xf32>,
    %gather3A_427 = tpu.vector_load_idx %arg5[%add3A_29, %shift_right_logical3A_422, %and3A_425] : memref<2x128x128xf32, #tpu.memory_space<vmem>>[vector<16xi32>, vector<16xi32>, vector<16xi32>], vector<16xf32>,
    %sub3A_428 = arith.subf %gather3A_426, %get3A_417 : vector<16xf32>
    %abs3A_429 = math.absf %sub3A_428 : vector<16xf32>
    %sub3A_430 = arith.subf %gather3A_427, %get3A_419 : vector<16xf32>
    %abs3A_431 = math.absf %sub3A_430 : vector<16xf32>
    %add3A_432 = arith.addf %abs3A_429, %abs3A_431 : vector<16xf32>
    %mul3A_433 = arith.mulf %get3A_415, %add3A_432 : vector<16xf32>
    %add3A_434 = arith.addf %add3A_409, %mul3A_433 : vector<16xf32>
    %add3A_435 = arith.addf %add3A_410, %get3A_415 : vector<16xf32>
    %get3A_436 = arith.constant 256 : index
    %get3A_437 = tpu.vector_load %arg7[%get3A_436] {strides = array<i32>} : memref<2048xf32, #tpu.memory_space<vmem>>, vector<16xf32>,
    %bitcast3A_438 = vector.bitcast %get3A_437 : vector<16xf32> to vector<16xi32>
    %get3A_439 = arith.constant 768 : index
    %get3A_440 = tpu.vector_load %arg7[%get3A_439] {strides = array<i32>} : memref<2048xf32, #tpu.memory_space<vmem>>, vector<16xf32>,
    %get3A_441 = arith.constant 1280 : index
    %get3A_442 = tpu.vector_load %arg7[%get3A_441] {strides = array<i32>} : memref<2048xf32, #tpu.memory_space<vmem>>, vector<16xf32>,
    %get3A_443 = arith.constant 1792 : index
    %get3A_444 = tpu.vector_load %arg7[%get3A_443] {strides = array<i32>} : memref<2048xf32, #tpu.memory_space<vmem>>, vector<16xf32>,
    %shift_right_logical3A_445 = arith.constant 7 : i32
    %shift_right_logical3A_446 = vector.broadcast %shift_right_logical3A_445 : i32 to vector<16xi32>
    %shift_right_logical3A_447 = arith.shrui %bitcast3A_438, %shift_right_logical3A_446 : vector<16xi32>
    %and3A_448 = arith.constant 127 : i32
    %and3A_449 = vector.broadcast %and3A_448 : i32 to vector<16xi32>
    %and3A_450 = arith.andi %bitcast3A_438, %and3A_449 : vector<16xi32>
    %gather3A_451 = tpu.vector_load_idx %arg5[%broadcast_in_dim3A_26, %shift_right_logical3A_447, %and3A_450] : memref<2x128x128xf32, #tpu.memory_space<vmem>>[vector<16xi32>, vector<16xi32>, vector<16xi32>], vector<16xf32>,
    %gather3A_452 = tpu.vector_load_idx %arg5[%add3A_29, %shift_right_logical3A_447, %and3A_450] : memref<2x128x128xf32, #tpu.memory_space<vmem>>[vector<16xi32>, vector<16xi32>, vector<16xi32>], vector<16xf32>,
    %sub3A_453 = arith.subf %gather3A_451, %get3A_442 : vector<16xf32>
    %abs3A_454 = math.absf %sub3A_453 : vector<16xf32>
    %sub3A_455 = arith.subf %gather3A_452, %get3A_444 : vector<16xf32>
    %abs3A_456 = math.absf %sub3A_455 : vector<16xf32>
    %add3A_457 = arith.addf %abs3A_454, %abs3A_456 : vector<16xf32>
    %mul3A_458 = arith.mulf %get3A_440, %add3A_457 : vector<16xf32>
    %add3A_459 = arith.addf %add3A_434, %mul3A_458 : vector<16xf32>
    %add3A_460 = arith.addf %add3A_435, %get3A_440 : vector<16xf32>
    %get3A_461 = arith.constant 272 : index
    %get3A_462 = tpu.vector_load %arg7[%get3A_461] {strides = array<i32>} : memref<2048xf32, #tpu.memory_space<vmem>>, vector<16xf32>,
    %bitcast3A_463 = vector.bitcast %get3A_462 : vector<16xf32> to vector<16xi32>
    %get3A_464 = arith.constant 784 : index
    %get3A_465 = tpu.vector_load %arg7[%get3A_464] {strides = array<i32>} : memref<2048xf32, #tpu.memory_space<vmem>>, vector<16xf32>,
    %get3A_466 = arith.constant 1296 : index
    %get3A_467 = tpu.vector_load %arg7[%get3A_466] {strides = array<i32>} : memref<2048xf32, #tpu.memory_space<vmem>>, vector<16xf32>,
    %get3A_468 = arith.constant 1808 : index
    %get3A_469 = tpu.vector_load %arg7[%get3A_468] {strides = array<i32>} : memref<2048xf32, #tpu.memory_space<vmem>>, vector<16xf32>,
    %shift_right_logical3A_470 = arith.constant 7 : i32
    %shift_right_logical3A_471 = vector.broadcast %shift_right_logical3A_470 : i32 to vector<16xi32>
    %shift_right_logical3A_472 = arith.shrui %bitcast3A_463, %shift_right_logical3A_471 : vector<16xi32>
    %and3A_473 = arith.constant 127 : i32
    %and3A_474 = vector.broadcast %and3A_473 : i32 to vector<16xi32>
    %and3A_475 = arith.andi %bitcast3A_463, %and3A_474 : vector<16xi32>
    %gather3A_476 = tpu.vector_load_idx %arg5[%broadcast_in_dim3A_26, %shift_right_logical3A_472, %and3A_475] : memref<2x128x128xf32, #tpu.memory_space<vmem>>[vector<16xi32>, vector<16xi32>, vector<16xi32>], vector<16xf32>,
    %gather3A_477 = tpu.vector_load_idx %arg5[%add3A_29, %shift_right_logical3A_472, %and3A_475] : memref<2x128x128xf32, #tpu.memory_space<vmem>>[vector<16xi32>, vector<16xi32>, vector<16xi32>], vector<16xf32>,
    %sub3A_478 = arith.subf %gather3A_476, %get3A_467 : vector<16xf32>
    %abs3A_479 = math.absf %sub3A_478 : vector<16xf32>
    %sub3A_480 = arith.subf %gather3A_477, %get3A_469 : vector<16xf32>
    %abs3A_481 = math.absf %sub3A_480 : vector<16xf32>
    %add3A_482 = arith.addf %abs3A_479, %abs3A_481 : vector<16xf32>
    %mul3A_483 = arith.mulf %get3A_465, %add3A_482 : vector<16xf32>
    %add3A_484 = arith.addf %add3A_459, %mul3A_483 : vector<16xf32>
    %add3A_485 = arith.addf %add3A_460, %get3A_465 : vector<16xf32>
    %get3A_486 = arith.constant 288 : index
    %get3A_487 = tpu.vector_load %arg7[%get3A_486] {strides = array<i32>} : memref<2048xf32, #tpu.memory_space<vmem>>, vector<16xf32>,
    %bitcast3A_488 = vector.bitcast %get3A_487 : vector<16xf32> to vector<16xi32>
    %get3A_489 = arith.constant 800 : index
    %get3A_490 = tpu.vector_load %arg7[%get3A_489] {strides = array<i32>} : memref<2048xf32, #tpu.memory_space<vmem>>, vector<16xf32>,
    %get3A_491 = arith.constant 1312 : index
    %get3A_492 = tpu.vector_load %arg7[%get3A_491] {strides = array<i32>} : memref<2048xf32, #tpu.memory_space<vmem>>, vector<16xf32>,
    %get3A_493 = arith.constant 1824 : index
    %get3A_494 = tpu.vector_load %arg7[%get3A_493] {strides = array<i32>} : memref<2048xf32, #tpu.memory_space<vmem>>, vector<16xf32>,
    %shift_right_logical3A_495 = arith.constant 7 : i32
    %shift_right_logical3A_496 = vector.broadcast %shift_right_logical3A_495 : i32 to vector<16xi32>
    %shift_right_logical3A_497 = arith.shrui %bitcast3A_488, %shift_right_logical3A_496 : vector<16xi32>
    %and3A_498 = arith.constant 127 : i32
    %and3A_499 = vector.broadcast %and3A_498 : i32 to vector<16xi32>
    %and3A_500 = arith.andi %bitcast3A_488, %and3A_499 : vector<16xi32>
    %gather3A_501 = tpu.vector_load_idx %arg5[%broadcast_in_dim3A_26, %shift_right_logical3A_497, %and3A_500] : memref<2x128x128xf32, #tpu.memory_space<vmem>>[vector<16xi32>, vector<16xi32>, vector<16xi32>], vector<16xf32>,
    %gather3A_502 = tpu.vector_load_idx %arg5[%add3A_29, %shift_right_logical3A_497, %and3A_500] : memref<2x128x128xf32, #tpu.memory_space<vmem>>[vector<16xi32>, vector<16xi32>, vector<16xi32>], vector<16xf32>,
    %sub3A_503 = arith.subf %gather3A_501, %get3A_492 : vector<16xf32>
    %abs3A_504 = math.absf %sub3A_503 : vector<16xf32>
    %sub3A_505 = arith.subf %gather3A_502, %get3A_494 : vector<16xf32>
    %abs3A_506 = math.absf %sub3A_505 : vector<16xf32>
    %add3A_507 = arith.addf %abs3A_504, %abs3A_506 : vector<16xf32>
    %mul3A_508 = arith.mulf %get3A_490, %add3A_507 : vector<16xf32>
    %add3A_509 = arith.addf %add3A_484, %mul3A_508 : vector<16xf32>
    %add3A_510 = arith.addf %add3A_485, %get3A_490 : vector<16xf32>
    %get3A_511 = arith.constant 304 : index
    %get3A_512 = tpu.vector_load %arg7[%get3A_511] {strides = array<i32>} : memref<2048xf32, #tpu.memory_space<vmem>>, vector<16xf32>,
    %bitcast3A_513 = vector.bitcast %get3A_512 : vector<16xf32> to vector<16xi32>
    %get3A_514 = arith.constant 816 : index
    %get3A_515 = tpu.vector_load %arg7[%get3A_514] {strides = array<i32>} : memref<2048xf32, #tpu.memory_space<vmem>>, vector<16xf32>,
    %get3A_516 = arith.constant 1328 : index
    %get3A_517 = tpu.vector_load %arg7[%get3A_516] {strides = array<i32>} : memref<2048xf32, #tpu.memory_space<vmem>>, vector<16xf32>,
    %get3A_518 = arith.constant 1840 : index
    %get3A_519 = tpu.vector_load %arg7[%get3A_518] {strides = array<i32>} : memref<2048xf32, #tpu.memory_space<vmem>>, vector<16xf32>,
    %shift_right_logical3A_520 = arith.constant 7 : i32
    %shift_right_logical3A_521 = vector.broadcast %shift_right_logical3A_520 : i32 to vector<16xi32>
    %shift_right_logical3A_522 = arith.shrui %bitcast3A_513, %shift_right_logical3A_521 : vector<16xi32>
    %and3A_523 = arith.constant 127 : i32
    %and3A_524 = vector.broadcast %and3A_523 : i32 to vector<16xi32>
    %and3A_525 = arith.andi %bitcast3A_513, %and3A_524 : vector<16xi32>
    %gather3A_526 = tpu.vector_load_idx %arg5[%broadcast_in_dim3A_26, %shift_right_logical3A_522, %and3A_525] : memref<2x128x128xf32, #tpu.memory_space<vmem>>[vector<16xi32>, vector<16xi32>, vector<16xi32>], vector<16xf32>,
    %gather3A_527 = tpu.vector_load_idx %arg5[%add3A_29, %shift_right_logical3A_522, %and3A_525] : memref<2x128x128xf32, #tpu.memory_space<vmem>>[vector<16xi32>, vector<16xi32>, vector<16xi32>], vector<16xf32>,
    %sub3A_528 = arith.subf %gather3A_526, %get3A_517 : vector<16xf32>
    %abs3A_529 = math.absf %sub3A_528 : vector<16xf32>
    %sub3A_530 = arith.subf %gather3A_527, %get3A_519 : vector<16xf32>
    %abs3A_531 = math.absf %sub3A_530 : vector<16xf32>
    %add3A_532 = arith.addf %abs3A_529, %abs3A_531 : vector<16xf32>
    %mul3A_533 = arith.mulf %get3A_515, %add3A_532 : vector<16xf32>
    %add3A_534 = arith.addf %add3A_509, %mul3A_533 : vector<16xf32>
    %add3A_535 = arith.addf %add3A_510, %get3A_515 : vector<16xf32>
    %get3A_536 = arith.constant 320 : index
    %get3A_537 = tpu.vector_load %arg7[%get3A_536] {strides = array<i32>} : memref<2048xf32, #tpu.memory_space<vmem>>, vector<16xf32>,
    %bitcast3A_538 = vector.bitcast %get3A_537 : vector<16xf32> to vector<16xi32>
    %get3A_539 = arith.constant 832 : index
    %get3A_540 = tpu.vector_load %arg7[%get3A_539] {strides = array<i32>} : memref<2048xf32, #tpu.memory_space<vmem>>, vector<16xf32>,
    %get3A_541 = arith.constant 1344 : index
    %get3A_542 = tpu.vector_load %arg7[%get3A_541] {strides = array<i32>} : memref<2048xf32, #tpu.memory_space<vmem>>, vector<16xf32>,
    %get3A_543 = arith.constant 1856 : index
    %get3A_544 = tpu.vector_load %arg7[%get3A_543] {strides = array<i32>} : memref<2048xf32, #tpu.memory_space<vmem>>, vector<16xf32>,
    %shift_right_logical3A_545 = arith.constant 7 : i32
    %shift_right_logical3A_546 = vector.broadcast %shift_right_logical3A_545 : i32 to vector<16xi32>
    %shift_right_logical3A_547 = arith.shrui %bitcast3A_538, %shift_right_logical3A_546 : vector<16xi32>
    %and3A_548 = arith.constant 127 : i32
    %and3A_549 = vector.broadcast %and3A_548 : i32 to vector<16xi32>
    %and3A_550 = arith.andi %bitcast3A_538, %and3A_549 : vector<16xi32>
    %gather3A_551 = tpu.vector_load_idx %arg5[%broadcast_in_dim3A_26, %shift_right_logical3A_547, %and3A_550] : memref<2x128x128xf32, #tpu.memory_space<vmem>>[vector<16xi32>, vector<16xi32>, vector<16xi32>], vector<16xf32>,
    %gather3A_552 = tpu.vector_load_idx %arg5[%add3A_29, %shift_right_logical3A_547, %and3A_550] : memref<2x128x128xf32, #tpu.memory_space<vmem>>[vector<16xi32>, vector<16xi32>, vector<16xi32>], vector<16xf32>,
    %sub3A_553 = arith.subf %gather3A_551, %get3A_542 : vector<16xf32>
    %abs3A_554 = math.absf %sub3A_553 : vector<16xf32>
    %sub3A_555 = arith.subf %gather3A_552, %get3A_544 : vector<16xf32>
    %abs3A_556 = math.absf %sub3A_555 : vector<16xf32>
    %add3A_557 = arith.addf %abs3A_554, %abs3A_556 : vector<16xf32>
    %mul3A_558 = arith.mulf %get3A_540, %add3A_557 : vector<16xf32>
    %add3A_559 = arith.addf %add3A_534, %mul3A_558 : vector<16xf32>
    %add3A_560 = arith.addf %add3A_535, %get3A_540 : vector<16xf32>
    %get3A_561 = arith.constant 336 : index
    %get3A_562 = tpu.vector_load %arg7[%get3A_561] {strides = array<i32>} : memref<2048xf32, #tpu.memory_space<vmem>>, vector<16xf32>,
    %bitcast3A_563 = vector.bitcast %get3A_562 : vector<16xf32> to vector<16xi32>
    %get3A_564 = arith.constant 848 : index
    %get3A_565 = tpu.vector_load %arg7[%get3A_564] {strides = array<i32>} : memref<2048xf32, #tpu.memory_space<vmem>>, vector<16xf32>,
    %get3A_566 = arith.constant 1360 : index
    %get3A_567 = tpu.vector_load %arg7[%get3A_566] {strides = array<i32>} : memref<2048xf32, #tpu.memory_space<vmem>>, vector<16xf32>,
    %get3A_568 = arith.constant 1872 : index
    %get3A_569 = tpu.vector_load %arg7[%get3A_568] {strides = array<i32>} : memref<2048xf32, #tpu.memory_space<vmem>>, vector<16xf32>,
    %shift_right_logical3A_570 = arith.constant 7 : i32
    %shift_right_logical3A_571 = vector.broadcast %shift_right_logical3A_570 : i32 to vector<16xi32>
    %shift_right_logical3A_572 = arith.shrui %bitcast3A_563, %shift_right_logical3A_571 : vector<16xi32>
    %and3A_573 = arith.constant 127 : i32
    %and3A_574 = vector.broadcast %and3A_573 : i32 to vector<16xi32>
    %and3A_575 = arith.andi %bitcast3A_563, %and3A_574 : vector<16xi32>
    %gather3A_576 = tpu.vector_load_idx %arg5[%broadcast_in_dim3A_26, %shift_right_logical3A_572, %and3A_575] : memref<2x128x128xf32, #tpu.memory_space<vmem>>[vector<16xi32>, vector<16xi32>, vector<16xi32>], vector<16xf32>,
    %gather3A_577 = tpu.vector_load_idx %arg5[%add3A_29, %shift_right_logical3A_572, %and3A_575] : memref<2x128x128xf32, #tpu.memory_space<vmem>>[vector<16xi32>, vector<16xi32>, vector<16xi32>], vector<16xf32>,
    %sub3A_578 = arith.subf %gather3A_576, %get3A_567 : vector<16xf32>
    %abs3A_579 = math.absf %sub3A_578 : vector<16xf32>
    %sub3A_580 = arith.subf %gather3A_577, %get3A_569 : vector<16xf32>
    %abs3A_581 = math.absf %sub3A_580 : vector<16xf32>
    %add3A_582 = arith.addf %abs3A_579, %abs3A_581 : vector<16xf32>
    %mul3A_583 = arith.mulf %get3A_565, %add3A_582 : vector<16xf32>
    %add3A_584 = arith.addf %add3A_559, %mul3A_583 : vector<16xf32>
    %add3A_585 = arith.addf %add3A_560, %get3A_565 : vector<16xf32>
    %get3A_586 = arith.constant 352 : index
    %get3A_587 = tpu.vector_load %arg7[%get3A_586] {strides = array<i32>} : memref<2048xf32, #tpu.memory_space<vmem>>, vector<16xf32>,
    %bitcast3A_588 = vector.bitcast %get3A_587 : vector<16xf32> to vector<16xi32>
    %get3A_589 = arith.constant 864 : index
    %get3A_590 = tpu.vector_load %arg7[%get3A_589] {strides = array<i32>} : memref<2048xf32, #tpu.memory_space<vmem>>, vector<16xf32>,
    %get3A_591 = arith.constant 1376 : index
    %get3A_592 = tpu.vector_load %arg7[%get3A_591] {strides = array<i32>} : memref<2048xf32, #tpu.memory_space<vmem>>, vector<16xf32>,
    %get3A_593 = arith.constant 1888 : index
    %get3A_594 = tpu.vector_load %arg7[%get3A_593] {strides = array<i32>} : memref<2048xf32, #tpu.memory_space<vmem>>, vector<16xf32>,
    %shift_right_logical3A_595 = arith.constant 7 : i32
    %shift_right_logical3A_596 = vector.broadcast %shift_right_logical3A_595 : i32 to vector<16xi32>
    %shift_right_logical3A_597 = arith.shrui %bitcast3A_588, %shift_right_logical3A_596 : vector<16xi32>
    %and3A_598 = arith.constant 127 : i32
    %and3A_599 = vector.broadcast %and3A_598 : i32 to vector<16xi32>
    %and3A_600 = arith.andi %bitcast3A_588, %and3A_599 : vector<16xi32>
    %gather3A_601 = tpu.vector_load_idx %arg5[%broadcast_in_dim3A_26, %shift_right_logical3A_597, %and3A_600] : memref<2x128x128xf32, #tpu.memory_space<vmem>>[vector<16xi32>, vector<16xi32>, vector<16xi32>], vector<16xf32>,
    %gather3A_602 = tpu.vector_load_idx %arg5[%add3A_29, %shift_right_logical3A_597, %and3A_600] : memref<2x128x128xf32, #tpu.memory_space<vmem>>[vector<16xi32>, vector<16xi32>, vector<16xi32>], vector<16xf32>,
    %sub3A_603 = arith.subf %gather3A_601, %get3A_592 : vector<16xf32>
    %abs3A_604 = math.absf %sub3A_603 : vector<16xf32>
    %sub3A_605 = arith.subf %gather3A_602, %get3A_594 : vector<16xf32>
    %abs3A_606 = math.absf %sub3A_605 : vector<16xf32>
    %add3A_607 = arith.addf %abs3A_604, %abs3A_606 : vector<16xf32>
    %mul3A_608 = arith.mulf %get3A_590, %add3A_607 : vector<16xf32>
    %add3A_609 = arith.addf %add3A_584, %mul3A_608 : vector<16xf32>
    %add3A_610 = arith.addf %add3A_585, %get3A_590 : vector<16xf32>
    %get3A_611 = arith.constant 368 : index
    %get3A_612 = tpu.vector_load %arg7[%get3A_611] {strides = array<i32>} : memref<2048xf32, #tpu.memory_space<vmem>>, vector<16xf32>,
    %bitcast3A_613 = vector.bitcast %get3A_612 : vector<16xf32> to vector<16xi32>
    %get3A_614 = arith.constant 880 : index
    %get3A_615 = tpu.vector_load %arg7[%get3A_614] {strides = array<i32>} : memref<2048xf32, #tpu.memory_space<vmem>>, vector<16xf32>,
    %get3A_616 = arith.constant 1392 : index
    %get3A_617 = tpu.vector_load %arg7[%get3A_616] {strides = array<i32>} : memref<2048xf32, #tpu.memory_space<vmem>>, vector<16xf32>,
    %get3A_618 = arith.constant 1904 : index
    %get3A_619 = tpu.vector_load %arg7[%get3A_618] {strides = array<i32>} : memref<2048xf32, #tpu.memory_space<vmem>>, vector<16xf32>,
    %shift_right_logical3A_620 = arith.constant 7 : i32
    %shift_right_logical3A_621 = vector.broadcast %shift_right_logical3A_620 : i32 to vector<16xi32>
    %shift_right_logical3A_622 = arith.shrui %bitcast3A_613, %shift_right_logical3A_621 : vector<16xi32>
    %and3A_623 = arith.constant 127 : i32
    %and3A_624 = vector.broadcast %and3A_623 : i32 to vector<16xi32>
    %and3A_625 = arith.andi %bitcast3A_613, %and3A_624 : vector<16xi32>
    %gather3A_626 = tpu.vector_load_idx %arg5[%broadcast_in_dim3A_26, %shift_right_logical3A_622, %and3A_625] : memref<2x128x128xf32, #tpu.memory_space<vmem>>[vector<16xi32>, vector<16xi32>, vector<16xi32>], vector<16xf32>,
    %gather3A_627 = tpu.vector_load_idx %arg5[%add3A_29, %shift_right_logical3A_622, %and3A_625] : memref<2x128x128xf32, #tpu.memory_space<vmem>>[vector<16xi32>, vector<16xi32>, vector<16xi32>], vector<16xf32>,
    %sub3A_628 = arith.subf %gather3A_626, %get3A_617 : vector<16xf32>
    %abs3A_629 = math.absf %sub3A_628 : vector<16xf32>
    %sub3A_630 = arith.subf %gather3A_627, %get3A_619 : vector<16xf32>
    %abs3A_631 = math.absf %sub3A_630 : vector<16xf32>
    %add3A_632 = arith.addf %abs3A_629, %abs3A_631 : vector<16xf32>
    %mul3A_633 = arith.mulf %get3A_615, %add3A_632 : vector<16xf32>
    %add3A_634 = arith.addf %add3A_609, %mul3A_633 : vector<16xf32>
    %add3A_635 = arith.addf %add3A_610, %get3A_615 : vector<16xf32>
    %get3A_636 = arith.constant 384 : index
    %get3A_637 = tpu.vector_load %arg7[%get3A_636] {strides = array<i32>} : memref<2048xf32, #tpu.memory_space<vmem>>, vector<16xf32>,
    %bitcast3A_638 = vector.bitcast %get3A_637 : vector<16xf32> to vector<16xi32>
    %get3A_639 = arith.constant 896 : index
    %get3A_640 = tpu.vector_load %arg7[%get3A_639] {strides = array<i32>} : memref<2048xf32, #tpu.memory_space<vmem>>, vector<16xf32>,
    %get3A_641 = arith.constant 1408 : index
    %get3A_642 = tpu.vector_load %arg7[%get3A_641] {strides = array<i32>} : memref<2048xf32, #tpu.memory_space<vmem>>, vector<16xf32>,
    %get3A_643 = arith.constant 1920 : index
    %get3A_644 = tpu.vector_load %arg7[%get3A_643] {strides = array<i32>} : memref<2048xf32, #tpu.memory_space<vmem>>, vector<16xf32>,
    %shift_right_logical3A_645 = arith.constant 7 : i32
    %shift_right_logical3A_646 = vector.broadcast %shift_right_logical3A_645 : i32 to vector<16xi32>
    %shift_right_logical3A_647 = arith.shrui %bitcast3A_638, %shift_right_logical3A_646 : vector<16xi32>
    %and3A_648 = arith.constant 127 : i32
    %and3A_649 = vector.broadcast %and3A_648 : i32 to vector<16xi32>
    %and3A_650 = arith.andi %bitcast3A_638, %and3A_649 : vector<16xi32>
    %gather3A_651 = tpu.vector_load_idx %arg5[%broadcast_in_dim3A_26, %shift_right_logical3A_647, %and3A_650] : memref<2x128x128xf32, #tpu.memory_space<vmem>>[vector<16xi32>, vector<16xi32>, vector<16xi32>], vector<16xf32>,
    %gather3A_652 = tpu.vector_load_idx %arg5[%add3A_29, %shift_right_logical3A_647, %and3A_650] : memref<2x128x128xf32, #tpu.memory_space<vmem>>[vector<16xi32>, vector<16xi32>, vector<16xi32>], vector<16xf32>,
    %sub3A_653 = arith.subf %gather3A_651, %get3A_642 : vector<16xf32>
    %abs3A_654 = math.absf %sub3A_653 : vector<16xf32>
    %sub3A_655 = arith.subf %gather3A_652, %get3A_644 : vector<16xf32>
    %abs3A_656 = math.absf %sub3A_655 : vector<16xf32>
    %add3A_657 = arith.addf %abs3A_654, %abs3A_656 : vector<16xf32>
    %mul3A_658 = arith.mulf %get3A_640, %add3A_657 : vector<16xf32>
    %add3A_659 = arith.addf %add3A_634, %mul3A_658 : vector<16xf32>
    %add3A_660 = arith.addf %add3A_635, %get3A_640 : vector<16xf32>
    %get3A_661 = arith.constant 400 : index
    %get3A_662 = tpu.vector_load %arg7[%get3A_661] {strides = array<i32>} : memref<2048xf32, #tpu.memory_space<vmem>>, vector<16xf32>,
    %bitcast3A_663 = vector.bitcast %get3A_662 : vector<16xf32> to vector<16xi32>
    %get3A_664 = arith.constant 912 : index
    %get3A_665 = tpu.vector_load %arg7[%get3A_664] {strides = array<i32>} : memref<2048xf32, #tpu.memory_space<vmem>>, vector<16xf32>,
    %get3A_666 = arith.constant 1424 : index
    %get3A_667 = tpu.vector_load %arg7[%get3A_666] {strides = array<i32>} : memref<2048xf32, #tpu.memory_space<vmem>>, vector<16xf32>,
    %get3A_668 = arith.constant 1936 : index
    %get3A_669 = tpu.vector_load %arg7[%get3A_668] {strides = array<i32>} : memref<2048xf32, #tpu.memory_space<vmem>>, vector<16xf32>,
    %shift_right_logical3A_670 = arith.constant 7 : i32
    %shift_right_logical3A_671 = vector.broadcast %shift_right_logical3A_670 : i32 to vector<16xi32>
    %shift_right_logical3A_672 = arith.shrui %bitcast3A_663, %shift_right_logical3A_671 : vector<16xi32>
    %and3A_673 = arith.constant 127 : i32
    %and3A_674 = vector.broadcast %and3A_673 : i32 to vector<16xi32>
    %and3A_675 = arith.andi %bitcast3A_663, %and3A_674 : vector<16xi32>
    %gather3A_676 = tpu.vector_load_idx %arg5[%broadcast_in_dim3A_26, %shift_right_logical3A_672, %and3A_675] : memref<2x128x128xf32, #tpu.memory_space<vmem>>[vector<16xi32>, vector<16xi32>, vector<16xi32>], vector<16xf32>,
    %gather3A_677 = tpu.vector_load_idx %arg5[%add3A_29, %shift_right_logical3A_672, %and3A_675] : memref<2x128x128xf32, #tpu.memory_space<vmem>>[vector<16xi32>, vector<16xi32>, vector<16xi32>], vector<16xf32>,
    %sub3A_678 = arith.subf %gather3A_676, %get3A_667 : vector<16xf32>
    %abs3A_679 = math.absf %sub3A_678 : vector<16xf32>
    %sub3A_680 = arith.subf %gather3A_677, %get3A_669 : vector<16xf32>
    %abs3A_681 = math.absf %sub3A_680 : vector<16xf32>
    %add3A_682 = arith.addf %abs3A_679, %abs3A_681 : vector<16xf32>
    %mul3A_683 = arith.mulf %get3A_665, %add3A_682 : vector<16xf32>
    %add3A_684 = arith.addf %add3A_659, %mul3A_683 : vector<16xf32>
    %add3A_685 = arith.addf %add3A_660, %get3A_665 : vector<16xf32>
    %get3A_686 = arith.constant 416 : index
    %get3A_687 = tpu.vector_load %arg7[%get3A_686] {strides = array<i32>} : memref<2048xf32, #tpu.memory_space<vmem>>, vector<16xf32>,
    %bitcast3A_688 = vector.bitcast %get3A_687 : vector<16xf32> to vector<16xi32>
    %get3A_689 = arith.constant 928 : index
    %get3A_690 = tpu.vector_load %arg7[%get3A_689] {strides = array<i32>} : memref<2048xf32, #tpu.memory_space<vmem>>, vector<16xf32>,
    %get3A_691 = arith.constant 1440 : index
    %get3A_692 = tpu.vector_load %arg7[%get3A_691] {strides = array<i32>} : memref<2048xf32, #tpu.memory_space<vmem>>, vector<16xf32>,
    %get3A_693 = arith.constant 1952 : index
    %get3A_694 = tpu.vector_load %arg7[%get3A_693] {strides = array<i32>} : memref<2048xf32, #tpu.memory_space<vmem>>, vector<16xf32>,
    %shift_right_logical3A_695 = arith.constant 7 : i32
    %shift_right_logical3A_696 = vector.broadcast %shift_right_logical3A_695 : i32 to vector<16xi32>
    %shift_right_logical3A_697 = arith.shrui %bitcast3A_688, %shift_right_logical3A_696 : vector<16xi32>
    %and3A_698 = arith.constant 127 : i32
    %and3A_699 = vector.broadcast %and3A_698 : i32 to vector<16xi32>
    %and3A_700 = arith.andi %bitcast3A_688, %and3A_699 : vector<16xi32>
    %gather3A_701 = tpu.vector_load_idx %arg5[%broadcast_in_dim3A_26, %shift_right_logical3A_697, %and3A_700] : memref<2x128x128xf32, #tpu.memory_space<vmem>>[vector<16xi32>, vector<16xi32>, vector<16xi32>], vector<16xf32>,
    %gather3A_702 = tpu.vector_load_idx %arg5[%add3A_29, %shift_right_logical3A_697, %and3A_700] : memref<2x128x128xf32, #tpu.memory_space<vmem>>[vector<16xi32>, vector<16xi32>, vector<16xi32>], vector<16xf32>,
    %sub3A_703 = arith.subf %gather3A_701, %get3A_692 : vector<16xf32>
    %abs3A_704 = math.absf %sub3A_703 : vector<16xf32>
    %sub3A_705 = arith.subf %gather3A_702, %get3A_694 : vector<16xf32>
    %abs3A_706 = math.absf %sub3A_705 : vector<16xf32>
    %add3A_707 = arith.addf %abs3A_704, %abs3A_706 : vector<16xf32>
    %mul3A_708 = arith.mulf %get3A_690, %add3A_707 : vector<16xf32>
    %add3A_709 = arith.addf %add3A_684, %mul3A_708 : vector<16xf32>
    %add3A_710 = arith.addf %add3A_685, %get3A_690 : vector<16xf32>
    %get3A_711 = arith.constant 432 : index
    %get3A_712 = tpu.vector_load %arg7[%get3A_711] {strides = array<i32>} : memref<2048xf32, #tpu.memory_space<vmem>>, vector<16xf32>,
    %bitcast3A_713 = vector.bitcast %get3A_712 : vector<16xf32> to vector<16xi32>
    %get3A_714 = arith.constant 944 : index
    %get3A_715 = tpu.vector_load %arg7[%get3A_714] {strides = array<i32>} : memref<2048xf32, #tpu.memory_space<vmem>>, vector<16xf32>,
    %get3A_716 = arith.constant 1456 : index
    %get3A_717 = tpu.vector_load %arg7[%get3A_716] {strides = array<i32>} : memref<2048xf32, #tpu.memory_space<vmem>>, vector<16xf32>,
    %get3A_718 = arith.constant 1968 : index
    %get3A_719 = tpu.vector_load %arg7[%get3A_718] {strides = array<i32>} : memref<2048xf32, #tpu.memory_space<vmem>>, vector<16xf32>,
    %shift_right_logical3A_720 = arith.constant 7 : i32
    %shift_right_logical3A_721 = vector.broadcast %shift_right_logical3A_720 : i32 to vector<16xi32>
    %shift_right_logical3A_722 = arith.shrui %bitcast3A_713, %shift_right_logical3A_721 : vector<16xi32>
    %and3A_723 = arith.constant 127 : i32
    %and3A_724 = vector.broadcast %and3A_723 : i32 to vector<16xi32>
    %and3A_725 = arith.andi %bitcast3A_713, %and3A_724 : vector<16xi32>
    %gather3A_726 = tpu.vector_load_idx %arg5[%broadcast_in_dim3A_26, %shift_right_logical3A_722, %and3A_725] : memref<2x128x128xf32, #tpu.memory_space<vmem>>[vector<16xi32>, vector<16xi32>, vector<16xi32>], vector<16xf32>,
    %gather3A_727 = tpu.vector_load_idx %arg5[%add3A_29, %shift_right_logical3A_722, %and3A_725] : memref<2x128x128xf32, #tpu.memory_space<vmem>>[vector<16xi32>, vector<16xi32>, vector<16xi32>], vector<16xf32>,
    %sub3A_728 = arith.subf %gather3A_726, %get3A_717 : vector<16xf32>
    %abs3A_729 = math.absf %sub3A_728 : vector<16xf32>
    %sub3A_730 = arith.subf %gather3A_727, %get3A_719 : vector<16xf32>
    %abs3A_731 = math.absf %sub3A_730 : vector<16xf32>
    %add3A_732 = arith.addf %abs3A_729, %abs3A_731 : vector<16xf32>
    %mul3A_733 = arith.mulf %get3A_715, %add3A_732 : vector<16xf32>
    %add3A_734 = arith.addf %add3A_709, %mul3A_733 : vector<16xf32>
    %add3A_735 = arith.addf %add3A_710, %get3A_715 : vector<16xf32>
    %get3A_736 = arith.constant 448 : index
    %get3A_737 = tpu.vector_load %arg7[%get3A_736] {strides = array<i32>} : memref<2048xf32, #tpu.memory_space<vmem>>, vector<16xf32>,
    %bitcast3A_738 = vector.bitcast %get3A_737 : vector<16xf32> to vector<16xi32>
    %get3A_739 = arith.constant 960 : index
    %get3A_740 = tpu.vector_load %arg7[%get3A_739] {strides = array<i32>} : memref<2048xf32, #tpu.memory_space<vmem>>, vector<16xf32>,
    %get3A_741 = arith.constant 1472 : index
    %get3A_742 = tpu.vector_load %arg7[%get3A_741] {strides = array<i32>} : memref<2048xf32, #tpu.memory_space<vmem>>, vector<16xf32>,
    %get3A_743 = arith.constant 1984 : index
    %get3A_744 = tpu.vector_load %arg7[%get3A_743] {strides = array<i32>} : memref<2048xf32, #tpu.memory_space<vmem>>, vector<16xf32>,
    %shift_right_logical3A_745 = arith.constant 7 : i32
    %shift_right_logical3A_746 = vector.broadcast %shift_right_logical3A_745 : i32 to vector<16xi32>
    %shift_right_logical3A_747 = arith.shrui %bitcast3A_738, %shift_right_logical3A_746 : vector<16xi32>
    %and3A_748 = arith.constant 127 : i32
    %and3A_749 = vector.broadcast %and3A_748 : i32 to vector<16xi32>
    %and3A_750 = arith.andi %bitcast3A_738, %and3A_749 : vector<16xi32>
    %gather3A_751 = tpu.vector_load_idx %arg5[%broadcast_in_dim3A_26, %shift_right_logical3A_747, %and3A_750] : memref<2x128x128xf32, #tpu.memory_space<vmem>>[vector<16xi32>, vector<16xi32>, vector<16xi32>], vector<16xf32>,
    %gather3A_752 = tpu.vector_load_idx %arg5[%add3A_29, %shift_right_logical3A_747, %and3A_750] : memref<2x128x128xf32, #tpu.memory_space<vmem>>[vector<16xi32>, vector<16xi32>, vector<16xi32>], vector<16xf32>,
    %sub3A_753 = arith.subf %gather3A_751, %get3A_742 : vector<16xf32>
    %abs3A_754 = math.absf %sub3A_753 : vector<16xf32>
    %sub3A_755 = arith.subf %gather3A_752, %get3A_744 : vector<16xf32>
    %abs3A_756 = math.absf %sub3A_755 : vector<16xf32>
    %add3A_757 = arith.addf %abs3A_754, %abs3A_756 : vector<16xf32>
    %mul3A_758 = arith.mulf %get3A_740, %add3A_757 : vector<16xf32>
    %add3A_759 = arith.addf %add3A_734, %mul3A_758 : vector<16xf32>
    %add3A_760 = arith.addf %add3A_735, %get3A_740 : vector<16xf32>
    %get3A_761 = arith.constant 464 : index
    %get3A_762 = tpu.vector_load %arg7[%get3A_761] {strides = array<i32>} : memref<2048xf32, #tpu.memory_space<vmem>>, vector<16xf32>,
    %bitcast3A_763 = vector.bitcast %get3A_762 : vector<16xf32> to vector<16xi32>
    %get3A_764 = arith.constant 976 : index
    %get3A_765 = tpu.vector_load %arg7[%get3A_764] {strides = array<i32>} : memref<2048xf32, #tpu.memory_space<vmem>>, vector<16xf32>,
    %get3A_766 = arith.constant 1488 : index
    %get3A_767 = tpu.vector_load %arg7[%get3A_766] {strides = array<i32>} : memref<2048xf32, #tpu.memory_space<vmem>>, vector<16xf32>,
    %get3A_768 = arith.constant 2000 : index
    %get3A_769 = tpu.vector_load %arg7[%get3A_768] {strides = array<i32>} : memref<2048xf32, #tpu.memory_space<vmem>>, vector<16xf32>,
    %shift_right_logical3A_770 = arith.constant 7 : i32
    %shift_right_logical3A_771 = vector.broadcast %shift_right_logical3A_770 : i32 to vector<16xi32>
    %shift_right_logical3A_772 = arith.shrui %bitcast3A_763, %shift_right_logical3A_771 : vector<16xi32>
    %and3A_773 = arith.constant 127 : i32
    %and3A_774 = vector.broadcast %and3A_773 : i32 to vector<16xi32>
    %and3A_775 = arith.andi %bitcast3A_763, %and3A_774 : vector<16xi32>
    %gather3A_776 = tpu.vector_load_idx %arg5[%broadcast_in_dim3A_26, %shift_right_logical3A_772, %and3A_775] : memref<2x128x128xf32, #tpu.memory_space<vmem>>[vector<16xi32>, vector<16xi32>, vector<16xi32>], vector<16xf32>,
    %gather3A_777 = tpu.vector_load_idx %arg5[%add3A_29, %shift_right_logical3A_772, %and3A_775] : memref<2x128x128xf32, #tpu.memory_space<vmem>>[vector<16xi32>, vector<16xi32>, vector<16xi32>], vector<16xf32>,
    %sub3A_778 = arith.subf %gather3A_776, %get3A_767 : vector<16xf32>
    %abs3A_779 = math.absf %sub3A_778 : vector<16xf32>
    %sub3A_780 = arith.subf %gather3A_777, %get3A_769 : vector<16xf32>
    %abs3A_781 = math.absf %sub3A_780 : vector<16xf32>
    %add3A_782 = arith.addf %abs3A_779, %abs3A_781 : vector<16xf32>
    %mul3A_783 = arith.mulf %get3A_765, %add3A_782 : vector<16xf32>
    %add3A_784 = arith.addf %add3A_759, %mul3A_783 : vector<16xf32>
    %add3A_785 = arith.addf %add3A_760, %get3A_765 : vector<16xf32>
    %get3A_786 = arith.constant 480 : index
    %get3A_787 = tpu.vector_load %arg7[%get3A_786] {strides = array<i32>} : memref<2048xf32, #tpu.memory_space<vmem>>, vector<16xf32>,
    %bitcast3A_788 = vector.bitcast %get3A_787 : vector<16xf32> to vector<16xi32>
    %get3A_789 = arith.constant 992 : index
    %get3A_790 = tpu.vector_load %arg7[%get3A_789] {strides = array<i32>} : memref<2048xf32, #tpu.memory_space<vmem>>, vector<16xf32>,
    %get3A_791 = arith.constant 1504 : index
    %get3A_792 = tpu.vector_load %arg7[%get3A_791] {strides = array<i32>} : memref<2048xf32, #tpu.memory_space<vmem>>, vector<16xf32>,
    %get3A_793 = arith.constant 2016 : index
    %get3A_794 = tpu.vector_load %arg7[%get3A_793] {strides = array<i32>} : memref<2048xf32, #tpu.memory_space<vmem>>, vector<16xf32>,
    %shift_right_logical3A_795 = arith.constant 7 : i32
    %shift_right_logical3A_796 = vector.broadcast %shift_right_logical3A_795 : i32 to vector<16xi32>
    %shift_right_logical3A_797 = arith.shrui %bitcast3A_788, %shift_right_logical3A_796 : vector<16xi32>
    %and3A_798 = arith.constant 127 : i32
    %and3A_799 = vector.broadcast %and3A_798 : i32 to vector<16xi32>
    %and3A_800 = arith.andi %bitcast3A_788, %and3A_799 : vector<16xi32>
    %gather3A_801 = tpu.vector_load_idx %arg5[%broadcast_in_dim3A_26, %shift_right_logical3A_797, %and3A_800] : memref<2x128x128xf32, #tpu.memory_space<vmem>>[vector<16xi32>, vector<16xi32>, vector<16xi32>], vector<16xf32>,
    %gather3A_802 = tpu.vector_load_idx %arg5[%add3A_29, %shift_right_logical3A_797, %and3A_800] : memref<2x128x128xf32, #tpu.memory_space<vmem>>[vector<16xi32>, vector<16xi32>, vector<16xi32>], vector<16xf32>,
    %sub3A_803 = arith.subf %gather3A_801, %get3A_792 : vector<16xf32>
    %abs3A_804 = math.absf %sub3A_803 : vector<16xf32>
    %sub3A_805 = arith.subf %gather3A_802, %get3A_794 : vector<16xf32>
    %abs3A_806 = math.absf %sub3A_805 : vector<16xf32>
    %add3A_807 = arith.addf %abs3A_804, %abs3A_806 : vector<16xf32>
    %mul3A_808 = arith.mulf %get3A_790, %add3A_807 : vector<16xf32>
    %add3A_809 = arith.addf %add3A_784, %mul3A_808 : vector<16xf32>
    %add3A_810 = arith.addf %add3A_785, %get3A_790 : vector<16xf32>
    %get3A_811 = arith.constant 496 : index
    %get3A_812 = tpu.vector_load %arg7[%get3A_811] {strides = array<i32>} : memref<2048xf32, #tpu.memory_space<vmem>>, vector<16xf32>,
    %bitcast3A_813 = vector.bitcast %get3A_812 : vector<16xf32> to vector<16xi32>
    %get3A_814 = arith.constant 1008 : index
    %get3A_815 = tpu.vector_load %arg7[%get3A_814] {strides = array<i32>} : memref<2048xf32, #tpu.memory_space<vmem>>, vector<16xf32>,
    %get3A_816 = arith.constant 1520 : index
    %get3A_817 = tpu.vector_load %arg7[%get3A_816] {strides = array<i32>} : memref<2048xf32, #tpu.memory_space<vmem>>, vector<16xf32>,
    %get3A_818 = arith.constant 2032 : index
    %get3A_819 = tpu.vector_load %arg7[%get3A_818] {strides = array<i32>} : memref<2048xf32, #tpu.memory_space<vmem>>, vector<16xf32>,
    %shift_right_logical3A_820 = arith.constant 7 : i32
    %shift_right_logical3A_821 = vector.broadcast %shift_right_logical3A_820 : i32 to vector<16xi32>
    %shift_right_logical3A_822 = arith.shrui %bitcast3A_813, %shift_right_logical3A_821 : vector<16xi32>
    %and3A_823 = arith.constant 127 : i32
    %and3A_824 = vector.broadcast %and3A_823 : i32 to vector<16xi32>
    %and3A_825 = arith.andi %bitcast3A_813, %and3A_824 : vector<16xi32>
    %gather3A_826 = tpu.vector_load_idx %arg5[%broadcast_in_dim3A_26, %shift_right_logical3A_822, %and3A_825] : memref<2x128x128xf32, #tpu.memory_space<vmem>>[vector<16xi32>, vector<16xi32>, vector<16xi32>], vector<16xf32>,
    %gather3A_827 = tpu.vector_load_idx %arg5[%add3A_29, %shift_right_logical3A_822, %and3A_825] : memref<2x128x128xf32, #tpu.memory_space<vmem>>[vector<16xi32>, vector<16xi32>, vector<16xi32>], vector<16xf32>,
    %sub3A_828 = arith.subf %gather3A_826, %get3A_817 : vector<16xf32>
    %abs3A_829 = math.absf %sub3A_828 : vector<16xf32>
    %sub3A_830 = arith.subf %gather3A_827, %get3A_819 : vector<16xf32>
    %abs3A_831 = math.absf %sub3A_830 : vector<16xf32>
    %add3A_832 = arith.addf %abs3A_829, %abs3A_831 : vector<16xf32>
    %mul3A_833 = arith.mulf %get3A_815, %add3A_832 : vector<16xf32>
    %add3A_834 = arith.addf %add3A_809, %mul3A_833 : vector<16xf32>
    %add3A_835 = arith.addf %add3A_810, %get3A_815 : vector<16xf32>
    %dma_wait3A_836 = arith.constant 0 : i32
    %dma_wait3A_837 = arith.constant 0 : i32
    %dma_wait3A_838 = arith.constant 0 : i32
    %dma_wait3A_839 = tpu.memref_slice %arg2[%add3A_13, %dma_wait3A_836, %dma_wait3A_837, %dma_wait3A_838] : memref<64x2x128x128xf32, #tpu.memory_space<hbm>> -> memref<1x2x128x128xf32, #tpu.memory_space<hbm>>
    %dma_wait3A_840 = tpu.memref_squeeze %dma_wait3A_839 : memref<1x2x128x128xf32, #tpu.memory_space<hbm>> -> memref<2x128x128xf32, #tpu.memory_space<hbm>>
    %dma_wait3A_841 = arith.constant 0 : i32
    %dma_wait3A_842 = arith.constant 0 : i32
    %dma_wait3A_843 = arith.constant 0 : i32
    %dma_wait3A_844 = tpu.memref_slice %arg2[%add3A_13, %dma_wait3A_841, %dma_wait3A_842, %dma_wait3A_843] : memref<64x2x128x128xf32, #tpu.memory_space<hbm>> -> memref<1x2x128x128xf32, #tpu.memory_space<hbm>>
    %dma_wait3A_845 = tpu.memref_squeeze %dma_wait3A_844 : memref<1x2x128x128xf32, #tpu.memory_space<hbm>> -> memref<2x128x128xf32, #tpu.memory_space<hbm>>
    tpu.wait_dma2 semaphore(%arg11 : memref<!tpu.dma_semaphore, #tpu.memory_space<semaphore_mem>>) src(%dma_wait3A_845 : memref<2x128x128xf32, #tpu.memory_space<hbm>>) dst(%arg6 : memref<2x128x128xf32, #tpu.memory_space<vmem>>)
    %get3A_846 = arith.constant 0 : index
    %get3A_847 = tpu.vector_load %arg8[%get3A_846] {strides = array<i32>} : memref<2048xf32, #tpu.memory_space<vmem>>, vector<16xf32>,
    %bitcast3A_848 = vector.bitcast %get3A_847 : vector<16xf32> to vector<16xi32>
    %get3A_849 = arith.constant 512 : index
    %get3A_850 = tpu.vector_load %arg8[%get3A_849] {strides = array<i32>} : memref<2048xf32, #tpu.memory_space<vmem>>, vector<16xf32>,
    %get3A_851 = arith.constant 1024 : index
    %get3A_852 = tpu.vector_load %arg8[%get3A_851] {strides = array<i32>} : memref<2048xf32, #tpu.memory_space<vmem>>, vector<16xf32>,
    %get3A_853 = arith.constant 1536 : index
    %get3A_854 = tpu.vector_load %arg8[%get3A_853] {strides = array<i32>} : memref<2048xf32, #tpu.memory_space<vmem>>, vector<16xf32>,
    %shift_right_logical3A_855 = arith.constant 7 : i32
    %shift_right_logical3A_856 = vector.broadcast %shift_right_logical3A_855 : i32 to vector<16xi32>
    %shift_right_logical3A_857 = arith.shrui %bitcast3A_848, %shift_right_logical3A_856 : vector<16xi32>
    %and3A_858 = arith.constant 127 : i32
    %and3A_859 = vector.broadcast %and3A_858 : i32 to vector<16xi32>
    %and3A_860 = arith.andi %bitcast3A_848, %and3A_859 : vector<16xi32>
    %gather3A_861 = tpu.vector_load_idx %arg6[%broadcast_in_dim3A_26, %shift_right_logical3A_857, %and3A_860] : memref<2x128x128xf32, #tpu.memory_space<vmem>>[vector<16xi32>, vector<16xi32>, vector<16xi32>], vector<16xf32>,
    %gather3A_862 = tpu.vector_load_idx %arg6[%add3A_29, %shift_right_logical3A_857, %and3A_860] : memref<2x128x128xf32, #tpu.memory_space<vmem>>[vector<16xi32>, vector<16xi32>, vector<16xi32>], vector<16xf32>,
    %sub3A_863 = arith.subf %gather3A_861, %get3A_852 : vector<16xf32>
    %abs3A_864 = math.absf %sub3A_863 : vector<16xf32>
    %sub3A_865 = arith.subf %gather3A_862, %get3A_854 : vector<16xf32>
    %abs3A_866 = math.absf %sub3A_865 : vector<16xf32>
    %add3A_867 = arith.addf %abs3A_864, %abs3A_866 : vector<16xf32>
    %mul3A_868 = arith.mulf %get3A_850, %add3A_867 : vector<16xf32>
    %add3A_869 = arith.addf %add3A_834, %mul3A_868 : vector<16xf32>
    %add3A_870 = arith.addf %add3A_835, %get3A_850 : vector<16xf32>
    %get3A_871 = arith.constant 16 : index
    %get3A_872 = tpu.vector_load %arg8[%get3A_871] {strides = array<i32>} : memref<2048xf32, #tpu.memory_space<vmem>>, vector<16xf32>,
    %bitcast3A_873 = vector.bitcast %get3A_872 : vector<16xf32> to vector<16xi32>
    %get3A_874 = arith.constant 528 : index
    %get3A_875 = tpu.vector_load %arg8[%get3A_874] {strides = array<i32>} : memref<2048xf32, #tpu.memory_space<vmem>>, vector<16xf32>,
    %get3A_876 = arith.constant 1040 : index
    %get3A_877 = tpu.vector_load %arg8[%get3A_876] {strides = array<i32>} : memref<2048xf32, #tpu.memory_space<vmem>>, vector<16xf32>,
    %get3A_878 = arith.constant 1552 : index
    %get3A_879 = tpu.vector_load %arg8[%get3A_878] {strides = array<i32>} : memref<2048xf32, #tpu.memory_space<vmem>>, vector<16xf32>,
    %shift_right_logical3A_880 = arith.constant 7 : i32
    %shift_right_logical3A_881 = vector.broadcast %shift_right_logical3A_880 : i32 to vector<16xi32>
    %shift_right_logical3A_882 = arith.shrui %bitcast3A_873, %shift_right_logical3A_881 : vector<16xi32>
    %and3A_883 = arith.constant 127 : i32
    %and3A_884 = vector.broadcast %and3A_883 : i32 to vector<16xi32>
    %and3A_885 = arith.andi %bitcast3A_873, %and3A_884 : vector<16xi32>
    %gather3A_886 = tpu.vector_load_idx %arg6[%broadcast_in_dim3A_26, %shift_right_logical3A_882, %and3A_885] : memref<2x128x128xf32, #tpu.memory_space<vmem>>[vector<16xi32>, vector<16xi32>, vector<16xi32>], vector<16xf32>,
    %gather3A_887 = tpu.vector_load_idx %arg6[%add3A_29, %shift_right_logical3A_882, %and3A_885] : memref<2x128x128xf32, #tpu.memory_space<vmem>>[vector<16xi32>, vector<16xi32>, vector<16xi32>], vector<16xf32>,
    %sub3A_888 = arith.subf %gather3A_886, %get3A_877 : vector<16xf32>
    %abs3A_889 = math.absf %sub3A_888 : vector<16xf32>
    %sub3A_890 = arith.subf %gather3A_887, %get3A_879 : vector<16xf32>
    %abs3A_891 = math.absf %sub3A_890 : vector<16xf32>
    %add3A_892 = arith.addf %abs3A_889, %abs3A_891 : vector<16xf32>
    %mul3A_893 = arith.mulf %get3A_875, %add3A_892 : vector<16xf32>
    %add3A_894 = arith.addf %add3A_869, %mul3A_893 : vector<16xf32>
    %add3A_895 = arith.addf %add3A_870, %get3A_875 : vector<16xf32>
    %get3A_896 = arith.constant 32 : index
    %get3A_897 = tpu.vector_load %arg8[%get3A_896] {strides = array<i32>} : memref<2048xf32, #tpu.memory_space<vmem>>, vector<16xf32>,
    %bitcast3A_898 = vector.bitcast %get3A_897 : vector<16xf32> to vector<16xi32>
    %get3A_899 = arith.constant 544 : index
    %get3A_900 = tpu.vector_load %arg8[%get3A_899] {strides = array<i32>} : memref<2048xf32, #tpu.memory_space<vmem>>, vector<16xf32>,
    %get3A_901 = arith.constant 1056 : index
    %get3A_902 = tpu.vector_load %arg8[%get3A_901] {strides = array<i32>} : memref<2048xf32, #tpu.memory_space<vmem>>, vector<16xf32>,
    %get3A_903 = arith.constant 1568 : index
    %get3A_904 = tpu.vector_load %arg8[%get3A_903] {strides = array<i32>} : memref<2048xf32, #tpu.memory_space<vmem>>, vector<16xf32>,
    %shift_right_logical3A_905 = arith.constant 7 : i32
    %shift_right_logical3A_906 = vector.broadcast %shift_right_logical3A_905 : i32 to vector<16xi32>
    %shift_right_logical3A_907 = arith.shrui %bitcast3A_898, %shift_right_logical3A_906 : vector<16xi32>
    %and3A_908 = arith.constant 127 : i32
    %and3A_909 = vector.broadcast %and3A_908 : i32 to vector<16xi32>
    %and3A_910 = arith.andi %bitcast3A_898, %and3A_909 : vector<16xi32>
    %gather3A_911 = tpu.vector_load_idx %arg6[%broadcast_in_dim3A_26, %shift_right_logical3A_907, %and3A_910] : memref<2x128x128xf32, #tpu.memory_space<vmem>>[vector<16xi32>, vector<16xi32>, vector<16xi32>], vector<16xf32>,
    %gather3A_912 = tpu.vector_load_idx %arg6[%add3A_29, %shift_right_logical3A_907, %and3A_910] : memref<2x128x128xf32, #tpu.memory_space<vmem>>[vector<16xi32>, vector<16xi32>, vector<16xi32>], vector<16xf32>,
    %sub3A_913 = arith.subf %gather3A_911, %get3A_902 : vector<16xf32>
    %abs3A_914 = math.absf %sub3A_913 : vector<16xf32>
    %sub3A_915 = arith.subf %gather3A_912, %get3A_904 : vector<16xf32>
    %abs3A_916 = math.absf %sub3A_915 : vector<16xf32>
    %add3A_917 = arith.addf %abs3A_914, %abs3A_916 : vector<16xf32>
    %mul3A_918 = arith.mulf %get3A_900, %add3A_917 : vector<16xf32>
    %add3A_919 = arith.addf %add3A_894, %mul3A_918 : vector<16xf32>
    %add3A_920 = arith.addf %add3A_895, %get3A_900 : vector<16xf32>
    %get3A_921 = arith.constant 48 : index
    %get3A_922 = tpu.vector_load %arg8[%get3A_921] {strides = array<i32>} : memref<2048xf32, #tpu.memory_space<vmem>>, vector<16xf32>,
    %bitcast3A_923 = vector.bitcast %get3A_922 : vector<16xf32> to vector<16xi32>
    %get3A_924 = arith.constant 560 : index
    %get3A_925 = tpu.vector_load %arg8[%get3A_924] {strides = array<i32>} : memref<2048xf32, #tpu.memory_space<vmem>>, vector<16xf32>,
    %get3A_926 = arith.constant 1072 : index
    %get3A_927 = tpu.vector_load %arg8[%get3A_926] {strides = array<i32>} : memref<2048xf32, #tpu.memory_space<vmem>>, vector<16xf32>,
    %get3A_928 = arith.constant 1584 : index
    %get3A_929 = tpu.vector_load %arg8[%get3A_928] {strides = array<i32>} : memref<2048xf32, #tpu.memory_space<vmem>>, vector<16xf32>,
    %shift_right_logical3A_930 = arith.constant 7 : i32
    %shift_right_logical3A_931 = vector.broadcast %shift_right_logical3A_930 : i32 to vector<16xi32>
    %shift_right_logical3A_932 = arith.shrui %bitcast3A_923, %shift_right_logical3A_931 : vector<16xi32>
    %and3A_933 = arith.constant 127 : i32
    %and3A_934 = vector.broadcast %and3A_933 : i32 to vector<16xi32>
    %and3A_935 = arith.andi %bitcast3A_923, %and3A_934 : vector<16xi32>
    %gather3A_936 = tpu.vector_load_idx %arg6[%broadcast_in_dim3A_26, %shift_right_logical3A_932, %and3A_935] : memref<2x128x128xf32, #tpu.memory_space<vmem>>[vector<16xi32>, vector<16xi32>, vector<16xi32>], vector<16xf32>,
    %gather3A_937 = tpu.vector_load_idx %arg6[%add3A_29, %shift_right_logical3A_932, %and3A_935] : memref<2x128x128xf32, #tpu.memory_space<vmem>>[vector<16xi32>, vector<16xi32>, vector<16xi32>], vector<16xf32>,
    %sub3A_938 = arith.subf %gather3A_936, %get3A_927 : vector<16xf32>
    %abs3A_939 = math.absf %sub3A_938 : vector<16xf32>
    %sub3A_940 = arith.subf %gather3A_937, %get3A_929 : vector<16xf32>
    %abs3A_941 = math.absf %sub3A_940 : vector<16xf32>
    %add3A_942 = arith.addf %abs3A_939, %abs3A_941 : vector<16xf32>
    %mul3A_943 = arith.mulf %get3A_925, %add3A_942 : vector<16xf32>
    %add3A_944 = arith.addf %add3A_919, %mul3A_943 : vector<16xf32>
    %add3A_945 = arith.addf %add3A_920, %get3A_925 : vector<16xf32>
    %get3A_946 = arith.constant 64 : index
    %get3A_947 = tpu.vector_load %arg8[%get3A_946] {strides = array<i32>} : memref<2048xf32, #tpu.memory_space<vmem>>, vector<16xf32>,
    %bitcast3A_948 = vector.bitcast %get3A_947 : vector<16xf32> to vector<16xi32>
    %get3A_949 = arith.constant 576 : index
    %get3A_950 = tpu.vector_load %arg8[%get3A_949] {strides = array<i32>} : memref<2048xf32, #tpu.memory_space<vmem>>, vector<16xf32>,
    %get3A_951 = arith.constant 1088 : index
    %get3A_952 = tpu.vector_load %arg8[%get3A_951] {strides = array<i32>} : memref<2048xf32, #tpu.memory_space<vmem>>, vector<16xf32>,
    %get3A_953 = arith.constant 1600 : index
    %get3A_954 = tpu.vector_load %arg8[%get3A_953] {strides = array<i32>} : memref<2048xf32, #tpu.memory_space<vmem>>, vector<16xf32>,
    %shift_right_logical3A_955 = arith.constant 7 : i32
    %shift_right_logical3A_956 = vector.broadcast %shift_right_logical3A_955 : i32 to vector<16xi32>
    %shift_right_logical3A_957 = arith.shrui %bitcast3A_948, %shift_right_logical3A_956 : vector<16xi32>
    %and3A_958 = arith.constant 127 : i32
    %and3A_959 = vector.broadcast %and3A_958 : i32 to vector<16xi32>
    %and3A_960 = arith.andi %bitcast3A_948, %and3A_959 : vector<16xi32>
    %gather3A_961 = tpu.vector_load_idx %arg6[%broadcast_in_dim3A_26, %shift_right_logical3A_957, %and3A_960] : memref<2x128x128xf32, #tpu.memory_space<vmem>>[vector<16xi32>, vector<16xi32>, vector<16xi32>], vector<16xf32>,
    %gather3A_962 = tpu.vector_load_idx %arg6[%add3A_29, %shift_right_logical3A_957, %and3A_960] : memref<2x128x128xf32, #tpu.memory_space<vmem>>[vector<16xi32>, vector<16xi32>, vector<16xi32>], vector<16xf32>,
    %sub3A_963 = arith.subf %gather3A_961, %get3A_952 : vector<16xf32>
    %abs3A_964 = math.absf %sub3A_963 : vector<16xf32>
    %sub3A_965 = arith.subf %gather3A_962, %get3A_954 : vector<16xf32>
    %abs3A_966 = math.absf %sub3A_965 : vector<16xf32>
    %add3A_967 = arith.addf %abs3A_964, %abs3A_966 : vector<16xf32>
    %mul3A_968 = arith.mulf %get3A_950, %add3A_967 : vector<16xf32>
    %add3A_969 = arith.addf %add3A_944, %mul3A_968 : vector<16xf32>
    %add3A_970 = arith.addf %add3A_945, %get3A_950 : vector<16xf32>
    %get3A_971 = arith.constant 80 : index
    %get3A_972 = tpu.vector_load %arg8[%get3A_971] {strides = array<i32>} : memref<2048xf32, #tpu.memory_space<vmem>>, vector<16xf32>,
    %bitcast3A_973 = vector.bitcast %get3A_972 : vector<16xf32> to vector<16xi32>
    %get3A_974 = arith.constant 592 : index
    %get3A_975 = tpu.vector_load %arg8[%get3A_974] {strides = array<i32>} : memref<2048xf32, #tpu.memory_space<vmem>>, vector<16xf32>,
    %get3A_976 = arith.constant 1104 : index
    %get3A_977 = tpu.vector_load %arg8[%get3A_976] {strides = array<i32>} : memref<2048xf32, #tpu.memory_space<vmem>>, vector<16xf32>,
    %get3A_978 = arith.constant 1616 : index
    %get3A_979 = tpu.vector_load %arg8[%get3A_978] {strides = array<i32>} : memref<2048xf32, #tpu.memory_space<vmem>>, vector<16xf32>,
    %shift_right_logical3A_980 = arith.constant 7 : i32
    %shift_right_logical3A_981 = vector.broadcast %shift_right_logical3A_980 : i32 to vector<16xi32>
    %shift_right_logical3A_982 = arith.shrui %bitcast3A_973, %shift_right_logical3A_981 : vector<16xi32>
    %and3A_983 = arith.constant 127 : i32
    %and3A_984 = vector.broadcast %and3A_983 : i32 to vector<16xi32>
    %and3A_985 = arith.andi %bitcast3A_973, %and3A_984 : vector<16xi32>
    %gather3A_986 = tpu.vector_load_idx %arg6[%broadcast_in_dim3A_26, %shift_right_logical3A_982, %and3A_985] : memref<2x128x128xf32, #tpu.memory_space<vmem>>[vector<16xi32>, vector<16xi32>, vector<16xi32>], vector<16xf32>,
    %gather3A_987 = tpu.vector_load_idx %arg6[%add3A_29, %shift_right_logical3A_982, %and3A_985] : memref<2x128x128xf32, #tpu.memory_space<vmem>>[vector<16xi32>, vector<16xi32>, vector<16xi32>], vector<16xf32>,
    %sub3A_988 = arith.subf %gather3A_986, %get3A_977 : vector<16xf32>
    %abs3A_989 = math.absf %sub3A_988 : vector<16xf32>
    %sub3A_990 = arith.subf %gather3A_987, %get3A_979 : vector<16xf32>
    %abs3A_991 = math.absf %sub3A_990 : vector<16xf32>
    %add3A_992 = arith.addf %abs3A_989, %abs3A_991 : vector<16xf32>
    %mul3A_993 = arith.mulf %get3A_975, %add3A_992 : vector<16xf32>
    %add3A_994 = arith.addf %add3A_969, %mul3A_993 : vector<16xf32>
    %add3A_995 = arith.addf %add3A_970, %get3A_975 : vector<16xf32>
    %get3A_996 = arith.constant 96 : index
    %get3A_997 = tpu.vector_load %arg8[%get3A_996] {strides = array<i32>} : memref<2048xf32, #tpu.memory_space<vmem>>, vector<16xf32>,
    %bitcast3A_998 = vector.bitcast %get3A_997 : vector<16xf32> to vector<16xi32>
    %get3A_999 = arith.constant 608 : index
    %get3A_1000 = tpu.vector_load %arg8[%get3A_999] {strides = array<i32>} : memref<2048xf32, #tpu.memory_space<vmem>>, vector<16xf32>,
    %get3A_1001 = arith.constant 1120 : index
    %get3A_1002 = tpu.vector_load %arg8[%get3A_1001] {strides = array<i32>} : memref<2048xf32, #tpu.memory_space<vmem>>, vector<16xf32>,
    %get3A_1003 = arith.constant 1632 : index
    %get3A_1004 = tpu.vector_load %arg8[%get3A_1003] {strides = array<i32>} : memref<2048xf32, #tpu.memory_space<vmem>>, vector<16xf32>,
    %shift_right_logical3A_1005 = arith.constant 7 : i32
    %shift_right_logical3A_1006 = vector.broadcast %shift_right_logical3A_1005 : i32 to vector<16xi32>
    %shift_right_logical3A_1007 = arith.shrui %bitcast3A_998, %shift_right_logical3A_1006 : vector<16xi32>
    %and3A_1008 = arith.constant 127 : i32
    %and3A_1009 = vector.broadcast %and3A_1008 : i32 to vector<16xi32>
    %and3A_1010 = arith.andi %bitcast3A_998, %and3A_1009 : vector<16xi32>
    %gather3A_1011 = tpu.vector_load_idx %arg6[%broadcast_in_dim3A_26, %shift_right_logical3A_1007, %and3A_1010] : memref<2x128x128xf32, #tpu.memory_space<vmem>>[vector<16xi32>, vector<16xi32>, vector<16xi32>], vector<16xf32>,
    %gather3A_1012 = tpu.vector_load_idx %arg6[%add3A_29, %shift_right_logical3A_1007, %and3A_1010] : memref<2x128x128xf32, #tpu.memory_space<vmem>>[vector<16xi32>, vector<16xi32>, vector<16xi32>], vector<16xf32>,
    %sub3A_1013 = arith.subf %gather3A_1011, %get3A_1002 : vector<16xf32>
    %abs3A_1014 = math.absf %sub3A_1013 : vector<16xf32>
    %sub3A_1015 = arith.subf %gather3A_1012, %get3A_1004 : vector<16xf32>
    %abs3A_1016 = math.absf %sub3A_1015 : vector<16xf32>
    %add3A_1017 = arith.addf %abs3A_1014, %abs3A_1016 : vector<16xf32>
    %mul3A_1018 = arith.mulf %get3A_1000, %add3A_1017 : vector<16xf32>
    %add3A_1019 = arith.addf %add3A_994, %mul3A_1018 : vector<16xf32>
    %add3A_1020 = arith.addf %add3A_995, %get3A_1000 : vector<16xf32>
    %get3A_1021 = arith.constant 112 : index
    %get3A_1022 = tpu.vector_load %arg8[%get3A_1021] {strides = array<i32>} : memref<2048xf32, #tpu.memory_space<vmem>>, vector<16xf32>,
    %bitcast3A_1023 = vector.bitcast %get3A_1022 : vector<16xf32> to vector<16xi32>
    %get3A_1024 = arith.constant 624 : index
    %get3A_1025 = tpu.vector_load %arg8[%get3A_1024] {strides = array<i32>} : memref<2048xf32, #tpu.memory_space<vmem>>, vector<16xf32>,
    %get3A_1026 = arith.constant 1136 : index
    %get3A_1027 = tpu.vector_load %arg8[%get3A_1026] {strides = array<i32>} : memref<2048xf32, #tpu.memory_space<vmem>>, vector<16xf32>,
    %get3A_1028 = arith.constant 1648 : index
    %get3A_1029 = tpu.vector_load %arg8[%get3A_1028] {strides = array<i32>} : memref<2048xf32, #tpu.memory_space<vmem>>, vector<16xf32>,
    %shift_right_logical3A_1030 = arith.constant 7 : i32
    %shift_right_logical3A_1031 = vector.broadcast %shift_right_logical3A_1030 : i32 to vector<16xi32>
    %shift_right_logical3A_1032 = arith.shrui %bitcast3A_1023, %shift_right_logical3A_1031 : vector<16xi32>
    %and3A_1033 = arith.constant 127 : i32
    %and3A_1034 = vector.broadcast %and3A_1033 : i32 to vector<16xi32>
    %and3A_1035 = arith.andi %bitcast3A_1023, %and3A_1034 : vector<16xi32>
    %gather3A_1036 = tpu.vector_load_idx %arg6[%broadcast_in_dim3A_26, %shift_right_logical3A_1032, %and3A_1035] : memref<2x128x128xf32, #tpu.memory_space<vmem>>[vector<16xi32>, vector<16xi32>, vector<16xi32>], vector<16xf32>,
    %gather3A_1037 = tpu.vector_load_idx %arg6[%add3A_29, %shift_right_logical3A_1032, %and3A_1035] : memref<2x128x128xf32, #tpu.memory_space<vmem>>[vector<16xi32>, vector<16xi32>, vector<16xi32>], vector<16xf32>,
    %sub3A_1038 = arith.subf %gather3A_1036, %get3A_1027 : vector<16xf32>
    %abs3A_1039 = math.absf %sub3A_1038 : vector<16xf32>
    %sub3A_1040 = arith.subf %gather3A_1037, %get3A_1029 : vector<16xf32>
    %abs3A_1041 = math.absf %sub3A_1040 : vector<16xf32>
    %add3A_1042 = arith.addf %abs3A_1039, %abs3A_1041 : vector<16xf32>
    %mul3A_1043 = arith.mulf %get3A_1025, %add3A_1042 : vector<16xf32>
    %add3A_1044 = arith.addf %add3A_1019, %mul3A_1043 : vector<16xf32>
    %add3A_1045 = arith.addf %add3A_1020, %get3A_1025 : vector<16xf32>
    %get3A_1046 = arith.constant 128 : index
    %get3A_1047 = tpu.vector_load %arg8[%get3A_1046] {strides = array<i32>} : memref<2048xf32, #tpu.memory_space<vmem>>, vector<16xf32>,
    %bitcast3A_1048 = vector.bitcast %get3A_1047 : vector<16xf32> to vector<16xi32>
    %get3A_1049 = arith.constant 640 : index
    %get3A_1050 = tpu.vector_load %arg8[%get3A_1049] {strides = array<i32>} : memref<2048xf32, #tpu.memory_space<vmem>>, vector<16xf32>,
    %get3A_1051 = arith.constant 1152 : index
    %get3A_1052 = tpu.vector_load %arg8[%get3A_1051] {strides = array<i32>} : memref<2048xf32, #tpu.memory_space<vmem>>, vector<16xf32>,
    %get3A_1053 = arith.constant 1664 : index
    %get3A_1054 = tpu.vector_load %arg8[%get3A_1053] {strides = array<i32>} : memref<2048xf32, #tpu.memory_space<vmem>>, vector<16xf32>,
    %shift_right_logical3A_1055 = arith.constant 7 : i32
    %shift_right_logical3A_1056 = vector.broadcast %shift_right_logical3A_1055 : i32 to vector<16xi32>
    %shift_right_logical3A_1057 = arith.shrui %bitcast3A_1048, %shift_right_logical3A_1056 : vector<16xi32>
    %and3A_1058 = arith.constant 127 : i32
    %and3A_1059 = vector.broadcast %and3A_1058 : i32 to vector<16xi32>
    %and3A_1060 = arith.andi %bitcast3A_1048, %and3A_1059 : vector<16xi32>
    %gather3A_1061 = tpu.vector_load_idx %arg6[%broadcast_in_dim3A_26, %shift_right_logical3A_1057, %and3A_1060] : memref<2x128x128xf32, #tpu.memory_space<vmem>>[vector<16xi32>, vector<16xi32>, vector<16xi32>], vector<16xf32>,
    %gather3A_1062 = tpu.vector_load_idx %arg6[%add3A_29, %shift_right_logical3A_1057, %and3A_1060] : memref<2x128x128xf32, #tpu.memory_space<vmem>>[vector<16xi32>, vector<16xi32>, vector<16xi32>], vector<16xf32>,
    %sub3A_1063 = arith.subf %gather3A_1061, %get3A_1052 : vector<16xf32>
    %abs3A_1064 = math.absf %sub3A_1063 : vector<16xf32>
    %sub3A_1065 = arith.subf %gather3A_1062, %get3A_1054 : vector<16xf32>
    %abs3A_1066 = math.absf %sub3A_1065 : vector<16xf32>
    %add3A_1067 = arith.addf %abs3A_1064, %abs3A_1066 : vector<16xf32>
    %mul3A_1068 = arith.mulf %get3A_1050, %add3A_1067 : vector<16xf32>
    %add3A_1069 = arith.addf %add3A_1044, %mul3A_1068 : vector<16xf32>
    %add3A_1070 = arith.addf %add3A_1045, %get3A_1050 : vector<16xf32>
    %get3A_1071 = arith.constant 144 : index
    %get3A_1072 = tpu.vector_load %arg8[%get3A_1071] {strides = array<i32>} : memref<2048xf32, #tpu.memory_space<vmem>>, vector<16xf32>,
    %bitcast3A_1073 = vector.bitcast %get3A_1072 : vector<16xf32> to vector<16xi32>
    %get3A_1074 = arith.constant 656 : index
    %get3A_1075 = tpu.vector_load %arg8[%get3A_1074] {strides = array<i32>} : memref<2048xf32, #tpu.memory_space<vmem>>, vector<16xf32>,
    %get3A_1076 = arith.constant 1168 : index
    %get3A_1077 = tpu.vector_load %arg8[%get3A_1076] {strides = array<i32>} : memref<2048xf32, #tpu.memory_space<vmem>>, vector<16xf32>,
    %get3A_1078 = arith.constant 1680 : index
    %get3A_1079 = tpu.vector_load %arg8[%get3A_1078] {strides = array<i32>} : memref<2048xf32, #tpu.memory_space<vmem>>, vector<16xf32>,
    %shift_right_logical3A_1080 = arith.constant 7 : i32
    %shift_right_logical3A_1081 = vector.broadcast %shift_right_logical3A_1080 : i32 to vector<16xi32>
    %shift_right_logical3A_1082 = arith.shrui %bitcast3A_1073, %shift_right_logical3A_1081 : vector<16xi32>
    %and3A_1083 = arith.constant 127 : i32
    %and3A_1084 = vector.broadcast %and3A_1083 : i32 to vector<16xi32>
    %and3A_1085 = arith.andi %bitcast3A_1073, %and3A_1084 : vector<16xi32>
    %gather3A_1086 = tpu.vector_load_idx %arg6[%broadcast_in_dim3A_26, %shift_right_logical3A_1082, %and3A_1085] : memref<2x128x128xf32, #tpu.memory_space<vmem>>[vector<16xi32>, vector<16xi32>, vector<16xi32>], vector<16xf32>,
    %gather3A_1087 = tpu.vector_load_idx %arg6[%add3A_29, %shift_right_logical3A_1082, %and3A_1085] : memref<2x128x128xf32, #tpu.memory_space<vmem>>[vector<16xi32>, vector<16xi32>, vector<16xi32>], vector<16xf32>,
    %sub3A_1088 = arith.subf %gather3A_1086, %get3A_1077 : vector<16xf32>
    %abs3A_1089 = math.absf %sub3A_1088 : vector<16xf32>
    %sub3A_1090 = arith.subf %gather3A_1087, %get3A_1079 : vector<16xf32>
    %abs3A_1091 = math.absf %sub3A_1090 : vector<16xf32>
    %add3A_1092 = arith.addf %abs3A_1089, %abs3A_1091 : vector<16xf32>
    %mul3A_1093 = arith.mulf %get3A_1075, %add3A_1092 : vector<16xf32>
    %add3A_1094 = arith.addf %add3A_1069, %mul3A_1093 : vector<16xf32>
    %add3A_1095 = arith.addf %add3A_1070, %get3A_1075 : vector<16xf32>
    %get3A_1096 = arith.constant 160 : index
    %get3A_1097 = tpu.vector_load %arg8[%get3A_1096] {strides = array<i32>} : memref<2048xf32, #tpu.memory_space<vmem>>, vector<16xf32>,
    %bitcast3A_1098 = vector.bitcast %get3A_1097 : vector<16xf32> to vector<16xi32>
    %get3A_1099 = arith.constant 672 : index
    %get3A_1100 = tpu.vector_load %arg8[%get3A_1099] {strides = array<i32>} : memref<2048xf32, #tpu.memory_space<vmem>>, vector<16xf32>,
    %get3A_1101 = arith.constant 1184 : index
    %get3A_1102 = tpu.vector_load %arg8[%get3A_1101] {strides = array<i32>} : memref<2048xf32, #tpu.memory_space<vmem>>, vector<16xf32>,
    %get3A_1103 = arith.constant 1696 : index
    %get3A_1104 = tpu.vector_load %arg8[%get3A_1103] {strides = array<i32>} : memref<2048xf32, #tpu.memory_space<vmem>>, vector<16xf32>,
    %shift_right_logical3A_1105 = arith.constant 7 : i32
    %shift_right_logical3A_1106 = vector.broadcast %shift_right_logical3A_1105 : i32 to vector<16xi32>
    %shift_right_logical3A_1107 = arith.shrui %bitcast3A_1098, %shift_right_logical3A_1106 : vector<16xi32>
    %and3A_1108 = arith.constant 127 : i32
    %and3A_1109 = vector.broadcast %and3A_1108 : i32 to vector<16xi32>
    %and3A_1110 = arith.andi %bitcast3A_1098, %and3A_1109 : vector<16xi32>
    %gather3A_1111 = tpu.vector_load_idx %arg6[%broadcast_in_dim3A_26, %shift_right_logical3A_1107, %and3A_1110] : memref<2x128x128xf32, #tpu.memory_space<vmem>>[vector<16xi32>, vector<16xi32>, vector<16xi32>], vector<16xf32>,
    %gather3A_1112 = tpu.vector_load_idx %arg6[%add3A_29, %shift_right_logical3A_1107, %and3A_1110] : memref<2x128x128xf32, #tpu.memory_space<vmem>>[vector<16xi32>, vector<16xi32>, vector<16xi32>], vector<16xf32>,
    %sub3A_1113 = arith.subf %gather3A_1111, %get3A_1102 : vector<16xf32>
    %abs3A_1114 = math.absf %sub3A_1113 : vector<16xf32>
    %sub3A_1115 = arith.subf %gather3A_1112, %get3A_1104 : vector<16xf32>
    %abs3A_1116 = math.absf %sub3A_1115 : vector<16xf32>
    %add3A_1117 = arith.addf %abs3A_1114, %abs3A_1116 : vector<16xf32>
    %mul3A_1118 = arith.mulf %get3A_1100, %add3A_1117 : vector<16xf32>
    %add3A_1119 = arith.addf %add3A_1094, %mul3A_1118 : vector<16xf32>
    %add3A_1120 = arith.addf %add3A_1095, %get3A_1100 : vector<16xf32>
    %get3A_1121 = arith.constant 176 : index
    %get3A_1122 = tpu.vector_load %arg8[%get3A_1121] {strides = array<i32>} : memref<2048xf32, #tpu.memory_space<vmem>>, vector<16xf32>,
    %bitcast3A_1123 = vector.bitcast %get3A_1122 : vector<16xf32> to vector<16xi32>
    %get3A_1124 = arith.constant 688 : index
    %get3A_1125 = tpu.vector_load %arg8[%get3A_1124] {strides = array<i32>} : memref<2048xf32, #tpu.memory_space<vmem>>, vector<16xf32>,
    %get3A_1126 = arith.constant 1200 : index
    %get3A_1127 = tpu.vector_load %arg8[%get3A_1126] {strides = array<i32>} : memref<2048xf32, #tpu.memory_space<vmem>>, vector<16xf32>,
    %get3A_1128 = arith.constant 1712 : index
    %get3A_1129 = tpu.vector_load %arg8[%get3A_1128] {strides = array<i32>} : memref<2048xf32, #tpu.memory_space<vmem>>, vector<16xf32>,
    %shift_right_logical3A_1130 = arith.constant 7 : i32
    %shift_right_logical3A_1131 = vector.broadcast %shift_right_logical3A_1130 : i32 to vector<16xi32>
    %shift_right_logical3A_1132 = arith.shrui %bitcast3A_1123, %shift_right_logical3A_1131 : vector<16xi32>
    %and3A_1133 = arith.constant 127 : i32
    %and3A_1134 = vector.broadcast %and3A_1133 : i32 to vector<16xi32>
    %and3A_1135 = arith.andi %bitcast3A_1123, %and3A_1134 : vector<16xi32>
    %gather3A_1136 = tpu.vector_load_idx %arg6[%broadcast_in_dim3A_26, %shift_right_logical3A_1132, %and3A_1135] : memref<2x128x128xf32, #tpu.memory_space<vmem>>[vector<16xi32>, vector<16xi32>, vector<16xi32>], vector<16xf32>,
    %gather3A_1137 = tpu.vector_load_idx %arg6[%add3A_29, %shift_right_logical3A_1132, %and3A_1135] : memref<2x128x128xf32, #tpu.memory_space<vmem>>[vector<16xi32>, vector<16xi32>, vector<16xi32>], vector<16xf32>,
    %sub3A_1138 = arith.subf %gather3A_1136, %get3A_1127 : vector<16xf32>
    %abs3A_1139 = math.absf %sub3A_1138 : vector<16xf32>
    %sub3A_1140 = arith.subf %gather3A_1137, %get3A_1129 : vector<16xf32>
    %abs3A_1141 = math.absf %sub3A_1140 : vector<16xf32>
    %add3A_1142 = arith.addf %abs3A_1139, %abs3A_1141 : vector<16xf32>
    %mul3A_1143 = arith.mulf %get3A_1125, %add3A_1142 : vector<16xf32>
    %add3A_1144 = arith.addf %add3A_1119, %mul3A_1143 : vector<16xf32>
    %add3A_1145 = arith.addf %add3A_1120, %get3A_1125 : vector<16xf32>
    %get3A_1146 = arith.constant 192 : index
    %get3A_1147 = tpu.vector_load %arg8[%get3A_1146] {strides = array<i32>} : memref<2048xf32, #tpu.memory_space<vmem>>, vector<16xf32>,
    %bitcast3A_1148 = vector.bitcast %get3A_1147 : vector<16xf32> to vector<16xi32>
    %get3A_1149 = arith.constant 704 : index
    %get3A_1150 = tpu.vector_load %arg8[%get3A_1149] {strides = array<i32>} : memref<2048xf32, #tpu.memory_space<vmem>>, vector<16xf32>,
    %get3A_1151 = arith.constant 1216 : index
    %get3A_1152 = tpu.vector_load %arg8[%get3A_1151] {strides = array<i32>} : memref<2048xf32, #tpu.memory_space<vmem>>, vector<16xf32>,
    %get3A_1153 = arith.constant 1728 : index
    %get3A_1154 = tpu.vector_load %arg8[%get3A_1153] {strides = array<i32>} : memref<2048xf32, #tpu.memory_space<vmem>>, vector<16xf32>,
    %shift_right_logical3A_1155 = arith.constant 7 : i32
    %shift_right_logical3A_1156 = vector.broadcast %shift_right_logical3A_1155 : i32 to vector<16xi32>
    %shift_right_logical3A_1157 = arith.shrui %bitcast3A_1148, %shift_right_logical3A_1156 : vector<16xi32>
    %and3A_1158 = arith.constant 127 : i32
    %and3A_1159 = vector.broadcast %and3A_1158 : i32 to vector<16xi32>
    %and3A_1160 = arith.andi %bitcast3A_1148, %and3A_1159 : vector<16xi32>
    %gather3A_1161 = tpu.vector_load_idx %arg6[%broadcast_in_dim3A_26, %shift_right_logical3A_1157, %and3A_1160] : memref<2x128x128xf32, #tpu.memory_space<vmem>>[vector<16xi32>, vector<16xi32>, vector<16xi32>], vector<16xf32>,
    %gather3A_1162 = tpu.vector_load_idx %arg6[%add3A_29, %shift_right_logical3A_1157, %and3A_1160] : memref<2x128x128xf32, #tpu.memory_space<vmem>>[vector<16xi32>, vector<16xi32>, vector<16xi32>], vector<16xf32>,
    %sub3A_1163 = arith.subf %gather3A_1161, %get3A_1152 : vector<16xf32>
    %abs3A_1164 = math.absf %sub3A_1163 : vector<16xf32>
    %sub3A_1165 = arith.subf %gather3A_1162, %get3A_1154 : vector<16xf32>
    %abs3A_1166 = math.absf %sub3A_1165 : vector<16xf32>
    %add3A_1167 = arith.addf %abs3A_1164, %abs3A_1166 : vector<16xf32>
    %mul3A_1168 = arith.mulf %get3A_1150, %add3A_1167 : vector<16xf32>
    %add3A_1169 = arith.addf %add3A_1144, %mul3A_1168 : vector<16xf32>
    %add3A_1170 = arith.addf %add3A_1145, %get3A_1150 : vector<16xf32>
    %get3A_1171 = arith.constant 208 : index
    %get3A_1172 = tpu.vector_load %arg8[%get3A_1171] {strides = array<i32>} : memref<2048xf32, #tpu.memory_space<vmem>>, vector<16xf32>,
    %bitcast3A_1173 = vector.bitcast %get3A_1172 : vector<16xf32> to vector<16xi32>
    %get3A_1174 = arith.constant 720 : index
    %get3A_1175 = tpu.vector_load %arg8[%get3A_1174] {strides = array<i32>} : memref<2048xf32, #tpu.memory_space<vmem>>, vector<16xf32>,
    %get3A_1176 = arith.constant 1232 : index
    %get3A_1177 = tpu.vector_load %arg8[%get3A_1176] {strides = array<i32>} : memref<2048xf32, #tpu.memory_space<vmem>>, vector<16xf32>,
    %get3A_1178 = arith.constant 1744 : index
    %get3A_1179 = tpu.vector_load %arg8[%get3A_1178] {strides = array<i32>} : memref<2048xf32, #tpu.memory_space<vmem>>, vector<16xf32>,
    %shift_right_logical3A_1180 = arith.constant 7 : i32
    %shift_right_logical3A_1181 = vector.broadcast %shift_right_logical3A_1180 : i32 to vector<16xi32>
    %shift_right_logical3A_1182 = arith.shrui %bitcast3A_1173, %shift_right_logical3A_1181 : vector<16xi32>
    %and3A_1183 = arith.constant 127 : i32
    %and3A_1184 = vector.broadcast %and3A_1183 : i32 to vector<16xi32>
    %and3A_1185 = arith.andi %bitcast3A_1173, %and3A_1184 : vector<16xi32>
    %gather3A_1186 = tpu.vector_load_idx %arg6[%broadcast_in_dim3A_26, %shift_right_logical3A_1182, %and3A_1185] : memref<2x128x128xf32, #tpu.memory_space<vmem>>[vector<16xi32>, vector<16xi32>, vector<16xi32>], vector<16xf32>,
    %gather3A_1187 = tpu.vector_load_idx %arg6[%add3A_29, %shift_right_logical3A_1182, %and3A_1185] : memref<2x128x128xf32, #tpu.memory_space<vmem>>[vector<16xi32>, vector<16xi32>, vector<16xi32>], vector<16xf32>,
    %sub3A_1188 = arith.subf %gather3A_1186, %get3A_1177 : vector<16xf32>
    %abs3A_1189 = math.absf %sub3A_1188 : vector<16xf32>
    %sub3A_1190 = arith.subf %gather3A_1187, %get3A_1179 : vector<16xf32>
    %abs3A_1191 = math.absf %sub3A_1190 : vector<16xf32>
    %add3A_1192 = arith.addf %abs3A_1189, %abs3A_1191 : vector<16xf32>
    %mul3A_1193 = arith.mulf %get3A_1175, %add3A_1192 : vector<16xf32>
    %add3A_1194 = arith.addf %add3A_1169, %mul3A_1193 : vector<16xf32>
    %add3A_1195 = arith.addf %add3A_1170, %get3A_1175 : vector<16xf32>
    %get3A_1196 = arith.constant 224 : index
    %get3A_1197 = tpu.vector_load %arg8[%get3A_1196] {strides = array<i32>} : memref<2048xf32, #tpu.memory_space<vmem>>, vector<16xf32>,
    %bitcast3A_1198 = vector.bitcast %get3A_1197 : vector<16xf32> to vector<16xi32>
    %get3A_1199 = arith.constant 736 : index
    %get3A_1200 = tpu.vector_load %arg8[%get3A_1199] {strides = array<i32>} : memref<2048xf32, #tpu.memory_space<vmem>>, vector<16xf32>,
    %get3A_1201 = arith.constant 1248 : index
    %get3A_1202 = tpu.vector_load %arg8[%get3A_1201] {strides = array<i32>} : memref<2048xf32, #tpu.memory_space<vmem>>, vector<16xf32>,
    %get3A_1203 = arith.constant 1760 : index
    %get3A_1204 = tpu.vector_load %arg8[%get3A_1203] {strides = array<i32>} : memref<2048xf32, #tpu.memory_space<vmem>>, vector<16xf32>,
    %shift_right_logical3A_1205 = arith.constant 7 : i32
    %shift_right_logical3A_1206 = vector.broadcast %shift_right_logical3A_1205 : i32 to vector<16xi32>
    %shift_right_logical3A_1207 = arith.shrui %bitcast3A_1198, %shift_right_logical3A_1206 : vector<16xi32>
    %and3A_1208 = arith.constant 127 : i32
    %and3A_1209 = vector.broadcast %and3A_1208 : i32 to vector<16xi32>
    %and3A_1210 = arith.andi %bitcast3A_1198, %and3A_1209 : vector<16xi32>
    %gather3A_1211 = tpu.vector_load_idx %arg6[%broadcast_in_dim3A_26, %shift_right_logical3A_1207, %and3A_1210] : memref<2x128x128xf32, #tpu.memory_space<vmem>>[vector<16xi32>, vector<16xi32>, vector<16xi32>], vector<16xf32>,
    %gather3A_1212 = tpu.vector_load_idx %arg6[%add3A_29, %shift_right_logical3A_1207, %and3A_1210] : memref<2x128x128xf32, #tpu.memory_space<vmem>>[vector<16xi32>, vector<16xi32>, vector<16xi32>], vector<16xf32>,
    %sub3A_1213 = arith.subf %gather3A_1211, %get3A_1202 : vector<16xf32>
    %abs3A_1214 = math.absf %sub3A_1213 : vector<16xf32>
    %sub3A_1215 = arith.subf %gather3A_1212, %get3A_1204 : vector<16xf32>
    %abs3A_1216 = math.absf %sub3A_1215 : vector<16xf32>
    %add3A_1217 = arith.addf %abs3A_1214, %abs3A_1216 : vector<16xf32>
    %mul3A_1218 = arith.mulf %get3A_1200, %add3A_1217 : vector<16xf32>
    %add3A_1219 = arith.addf %add3A_1194, %mul3A_1218 : vector<16xf32>
    %add3A_1220 = arith.addf %add3A_1195, %get3A_1200 : vector<16xf32>
    %get3A_1221 = arith.constant 240 : index
    %get3A_1222 = tpu.vector_load %arg8[%get3A_1221] {strides = array<i32>} : memref<2048xf32, #tpu.memory_space<vmem>>, vector<16xf32>,
    %bitcast3A_1223 = vector.bitcast %get3A_1222 : vector<16xf32> to vector<16xi32>
    %get3A_1224 = arith.constant 752 : index
    %get3A_1225 = tpu.vector_load %arg8[%get3A_1224] {strides = array<i32>} : memref<2048xf32, #tpu.memory_space<vmem>>, vector<16xf32>,
    %get3A_1226 = arith.constant 1264 : index
    %get3A_1227 = tpu.vector_load %arg8[%get3A_1226] {strides = array<i32>} : memref<2048xf32, #tpu.memory_space<vmem>>, vector<16xf32>,
    %get3A_1228 = arith.constant 1776 : index
    %get3A_1229 = tpu.vector_load %arg8[%get3A_1228] {strides = array<i32>} : memref<2048xf32, #tpu.memory_space<vmem>>, vector<16xf32>,
    %shift_right_logical3A_1230 = arith.constant 7 : i32
    %shift_right_logical3A_1231 = vector.broadcast %shift_right_logical3A_1230 : i32 to vector<16xi32>
    %shift_right_logical3A_1232 = arith.shrui %bitcast3A_1223, %shift_right_logical3A_1231 : vector<16xi32>
    %and3A_1233 = arith.constant 127 : i32
    %and3A_1234 = vector.broadcast %and3A_1233 : i32 to vector<16xi32>
    %and3A_1235 = arith.andi %bitcast3A_1223, %and3A_1234 : vector<16xi32>
    %gather3A_1236 = tpu.vector_load_idx %arg6[%broadcast_in_dim3A_26, %shift_right_logical3A_1232, %and3A_1235] : memref<2x128x128xf32, #tpu.memory_space<vmem>>[vector<16xi32>, vector<16xi32>, vector<16xi32>], vector<16xf32>,
    %gather3A_1237 = tpu.vector_load_idx %arg6[%add3A_29, %shift_right_logical3A_1232, %and3A_1235] : memref<2x128x128xf32, #tpu.memory_space<vmem>>[vector<16xi32>, vector<16xi32>, vector<16xi32>], vector<16xf32>,
    %sub3A_1238 = arith.subf %gather3A_1236, %get3A_1227 : vector<16xf32>
    %abs3A_1239 = math.absf %sub3A_1238 : vector<16xf32>
    %sub3A_1240 = arith.subf %gather3A_1237, %get3A_1229 : vector<16xf32>
    %abs3A_1241 = math.absf %sub3A_1240 : vector<16xf32>
    %add3A_1242 = arith.addf %abs3A_1239, %abs3A_1241 : vector<16xf32>
    %mul3A_1243 = arith.mulf %get3A_1225, %add3A_1242 : vector<16xf32>
    %add3A_1244 = arith.addf %add3A_1219, %mul3A_1243 : vector<16xf32>
    %add3A_1245 = arith.addf %add3A_1220, %get3A_1225 : vector<16xf32>
    %get3A_1246 = arith.constant 256 : index
    %get3A_1247 = tpu.vector_load %arg8[%get3A_1246] {strides = array<i32>} : memref<2048xf32, #tpu.memory_space<vmem>>, vector<16xf32>,
    %bitcast3A_1248 = vector.bitcast %get3A_1247 : vector<16xf32> to vector<16xi32>
    %get3A_1249 = arith.constant 768 : index
    %get3A_1250 = tpu.vector_load %arg8[%get3A_1249] {strides = array<i32>} : memref<2048xf32, #tpu.memory_space<vmem>>, vector<16xf32>,
    %get3A_1251 = arith.constant 1280 : index
    %get3A_1252 = tpu.vector_load %arg8[%get3A_1251] {strides = array<i32>} : memref<2048xf32, #tpu.memory_space<vmem>>, vector<16xf32>,
    %get3A_1253 = arith.constant 1792 : index
    %get3A_1254 = tpu.vector_load %arg8[%get3A_1253] {strides = array<i32>} : memref<2048xf32, #tpu.memory_space<vmem>>, vector<16xf32>,
    %shift_right_logical3A_1255 = arith.constant 7 : i32
    %shift_right_logical3A_1256 = vector.broadcast %shift_right_logical3A_1255 : i32 to vector<16xi32>
    %shift_right_logical3A_1257 = arith.shrui %bitcast3A_1248, %shift_right_logical3A_1256 : vector<16xi32>
    %and3A_1258 = arith.constant 127 : i32
    %and3A_1259 = vector.broadcast %and3A_1258 : i32 to vector<16xi32>
    %and3A_1260 = arith.andi %bitcast3A_1248, %and3A_1259 : vector<16xi32>
    %gather3A_1261 = tpu.vector_load_idx %arg6[%broadcast_in_dim3A_26, %shift_right_logical3A_1257, %and3A_1260] : memref<2x128x128xf32, #tpu.memory_space<vmem>>[vector<16xi32>, vector<16xi32>, vector<16xi32>], vector<16xf32>,
    %gather3A_1262 = tpu.vector_load_idx %arg6[%add3A_29, %shift_right_logical3A_1257, %and3A_1260] : memref<2x128x128xf32, #tpu.memory_space<vmem>>[vector<16xi32>, vector<16xi32>, vector<16xi32>], vector<16xf32>,
    %sub3A_1263 = arith.subf %gather3A_1261, %get3A_1252 : vector<16xf32>
    %abs3A_1264 = math.absf %sub3A_1263 : vector<16xf32>
    %sub3A_1265 = arith.subf %gather3A_1262, %get3A_1254 : vector<16xf32>
    %abs3A_1266 = math.absf %sub3A_1265 : vector<16xf32>
    %add3A_1267 = arith.addf %abs3A_1264, %abs3A_1266 : vector<16xf32>
    %mul3A_1268 = arith.mulf %get3A_1250, %add3A_1267 : vector<16xf32>
    %add3A_1269 = arith.addf %add3A_1244, %mul3A_1268 : vector<16xf32>
    %add3A_1270 = arith.addf %add3A_1245, %get3A_1250 : vector<16xf32>
    %get3A_1271 = arith.constant 272 : index
    %get3A_1272 = tpu.vector_load %arg8[%get3A_1271] {strides = array<i32>} : memref<2048xf32, #tpu.memory_space<vmem>>, vector<16xf32>,
    %bitcast3A_1273 = vector.bitcast %get3A_1272 : vector<16xf32> to vector<16xi32>
    %get3A_1274 = arith.constant 784 : index
    %get3A_1275 = tpu.vector_load %arg8[%get3A_1274] {strides = array<i32>} : memref<2048xf32, #tpu.memory_space<vmem>>, vector<16xf32>,
    %get3A_1276 = arith.constant 1296 : index
    %get3A_1277 = tpu.vector_load %arg8[%get3A_1276] {strides = array<i32>} : memref<2048xf32, #tpu.memory_space<vmem>>, vector<16xf32>,
    %get3A_1278 = arith.constant 1808 : index
    %get3A_1279 = tpu.vector_load %arg8[%get3A_1278] {strides = array<i32>} : memref<2048xf32, #tpu.memory_space<vmem>>, vector<16xf32>,
    %shift_right_logical3A_1280 = arith.constant 7 : i32
    %shift_right_logical3A_1281 = vector.broadcast %shift_right_logical3A_1280 : i32 to vector<16xi32>
    %shift_right_logical3A_1282 = arith.shrui %bitcast3A_1273, %shift_right_logical3A_1281 : vector<16xi32>
    %and3A_1283 = arith.constant 127 : i32
    %and3A_1284 = vector.broadcast %and3A_1283 : i32 to vector<16xi32>
    %and3A_1285 = arith.andi %bitcast3A_1273, %and3A_1284 : vector<16xi32>
    %gather3A_1286 = tpu.vector_load_idx %arg6[%broadcast_in_dim3A_26, %shift_right_logical3A_1282, %and3A_1285] : memref<2x128x128xf32, #tpu.memory_space<vmem>>[vector<16xi32>, vector<16xi32>, vector<16xi32>], vector<16xf32>,
    %gather3A_1287 = tpu.vector_load_idx %arg6[%add3A_29, %shift_right_logical3A_1282, %and3A_1285] : memref<2x128x128xf32, #tpu.memory_space<vmem>>[vector<16xi32>, vector<16xi32>, vector<16xi32>], vector<16xf32>,
    %sub3A_1288 = arith.subf %gather3A_1286, %get3A_1277 : vector<16xf32>
    %abs3A_1289 = math.absf %sub3A_1288 : vector<16xf32>
    %sub3A_1290 = arith.subf %gather3A_1287, %get3A_1279 : vector<16xf32>
    %abs3A_1291 = math.absf %sub3A_1290 : vector<16xf32>
    %add3A_1292 = arith.addf %abs3A_1289, %abs3A_1291 : vector<16xf32>
    %mul3A_1293 = arith.mulf %get3A_1275, %add3A_1292 : vector<16xf32>
    %add3A_1294 = arith.addf %add3A_1269, %mul3A_1293 : vector<16xf32>
    %add3A_1295 = arith.addf %add3A_1270, %get3A_1275 : vector<16xf32>
    %get3A_1296 = arith.constant 288 : index
    %get3A_1297 = tpu.vector_load %arg8[%get3A_1296] {strides = array<i32>} : memref<2048xf32, #tpu.memory_space<vmem>>, vector<16xf32>,
    %bitcast3A_1298 = vector.bitcast %get3A_1297 : vector<16xf32> to vector<16xi32>
    %get3A_1299 = arith.constant 800 : index
    %get3A_1300 = tpu.vector_load %arg8[%get3A_1299] {strides = array<i32>} : memref<2048xf32, #tpu.memory_space<vmem>>, vector<16xf32>,
    %get3A_1301 = arith.constant 1312 : index
    %get3A_1302 = tpu.vector_load %arg8[%get3A_1301] {strides = array<i32>} : memref<2048xf32, #tpu.memory_space<vmem>>, vector<16xf32>,
    %get3A_1303 = arith.constant 1824 : index
    %get3A_1304 = tpu.vector_load %arg8[%get3A_1303] {strides = array<i32>} : memref<2048xf32, #tpu.memory_space<vmem>>, vector<16xf32>,
    %shift_right_logical3A_1305 = arith.constant 7 : i32
    %shift_right_logical3A_1306 = vector.broadcast %shift_right_logical3A_1305 : i32 to vector<16xi32>
    %shift_right_logical3A_1307 = arith.shrui %bitcast3A_1298, %shift_right_logical3A_1306 : vector<16xi32>
    %and3A_1308 = arith.constant 127 : i32
    %and3A_1309 = vector.broadcast %and3A_1308 : i32 to vector<16xi32>
    %and3A_1310 = arith.andi %bitcast3A_1298, %and3A_1309 : vector<16xi32>
    %gather3A_1311 = tpu.vector_load_idx %arg6[%broadcast_in_dim3A_26, %shift_right_logical3A_1307, %and3A_1310] : memref<2x128x128xf32, #tpu.memory_space<vmem>>[vector<16xi32>, vector<16xi32>, vector<16xi32>], vector<16xf32>,
    %gather3A_1312 = tpu.vector_load_idx %arg6[%add3A_29, %shift_right_logical3A_1307, %and3A_1310] : memref<2x128x128xf32, #tpu.memory_space<vmem>>[vector<16xi32>, vector<16xi32>, vector<16xi32>], vector<16xf32>,
    %sub3A_1313 = arith.subf %gather3A_1311, %get3A_1302 : vector<16xf32>
    %abs3A_1314 = math.absf %sub3A_1313 : vector<16xf32>
    %sub3A_1315 = arith.subf %gather3A_1312, %get3A_1304 : vector<16xf32>
    %abs3A_1316 = math.absf %sub3A_1315 : vector<16xf32>
    %add3A_1317 = arith.addf %abs3A_1314, %abs3A_1316 : vector<16xf32>
    %mul3A_1318 = arith.mulf %get3A_1300, %add3A_1317 : vector<16xf32>
    %add3A_1319 = arith.addf %add3A_1294, %mul3A_1318 : vector<16xf32>
    %add3A_1320 = arith.addf %add3A_1295, %get3A_1300 : vector<16xf32>
    %get3A_1321 = arith.constant 304 : index
    %get3A_1322 = tpu.vector_load %arg8[%get3A_1321] {strides = array<i32>} : memref<2048xf32, #tpu.memory_space<vmem>>, vector<16xf32>,
    %bitcast3A_1323 = vector.bitcast %get3A_1322 : vector<16xf32> to vector<16xi32>
    %get3A_1324 = arith.constant 816 : index
    %get3A_1325 = tpu.vector_load %arg8[%get3A_1324] {strides = array<i32>} : memref<2048xf32, #tpu.memory_space<vmem>>, vector<16xf32>,
    %get3A_1326 = arith.constant 1328 : index
    %get3A_1327 = tpu.vector_load %arg8[%get3A_1326] {strides = array<i32>} : memref<2048xf32, #tpu.memory_space<vmem>>, vector<16xf32>,
    %get3A_1328 = arith.constant 1840 : index
    %get3A_1329 = tpu.vector_load %arg8[%get3A_1328] {strides = array<i32>} : memref<2048xf32, #tpu.memory_space<vmem>>, vector<16xf32>,
    %shift_right_logical3A_1330 = arith.constant 7 : i32
    %shift_right_logical3A_1331 = vector.broadcast %shift_right_logical3A_1330 : i32 to vector<16xi32>
    %shift_right_logical3A_1332 = arith.shrui %bitcast3A_1323, %shift_right_logical3A_1331 : vector<16xi32>
    %and3A_1333 = arith.constant 127 : i32
    %and3A_1334 = vector.broadcast %and3A_1333 : i32 to vector<16xi32>
    %and3A_1335 = arith.andi %bitcast3A_1323, %and3A_1334 : vector<16xi32>
    %gather3A_1336 = tpu.vector_load_idx %arg6[%broadcast_in_dim3A_26, %shift_right_logical3A_1332, %and3A_1335] : memref<2x128x128xf32, #tpu.memory_space<vmem>>[vector<16xi32>, vector<16xi32>, vector<16xi32>], vector<16xf32>,
    %gather3A_1337 = tpu.vector_load_idx %arg6[%add3A_29, %shift_right_logical3A_1332, %and3A_1335] : memref<2x128x128xf32, #tpu.memory_space<vmem>>[vector<16xi32>, vector<16xi32>, vector<16xi32>], vector<16xf32>,
    %sub3A_1338 = arith.subf %gather3A_1336, %get3A_1327 : vector<16xf32>
    %abs3A_1339 = math.absf %sub3A_1338 : vector<16xf32>
    %sub3A_1340 = arith.subf %gather3A_1337, %get3A_1329 : vector<16xf32>
    %abs3A_1341 = math.absf %sub3A_1340 : vector<16xf32>
    %add3A_1342 = arith.addf %abs3A_1339, %abs3A_1341 : vector<16xf32>
    %mul3A_1343 = arith.mulf %get3A_1325, %add3A_1342 : vector<16xf32>
    %add3A_1344 = arith.addf %add3A_1319, %mul3A_1343 : vector<16xf32>
    %add3A_1345 = arith.addf %add3A_1320, %get3A_1325 : vector<16xf32>
    %get3A_1346 = arith.constant 320 : index
    %get3A_1347 = tpu.vector_load %arg8[%get3A_1346] {strides = array<i32>} : memref<2048xf32, #tpu.memory_space<vmem>>, vector<16xf32>,
    %bitcast3A_1348 = vector.bitcast %get3A_1347 : vector<16xf32> to vector<16xi32>
    %get3A_1349 = arith.constant 832 : index
    %get3A_1350 = tpu.vector_load %arg8[%get3A_1349] {strides = array<i32>} : memref<2048xf32, #tpu.memory_space<vmem>>, vector<16xf32>,
    %get3A_1351 = arith.constant 1344 : index
    %get3A_1352 = tpu.vector_load %arg8[%get3A_1351] {strides = array<i32>} : memref<2048xf32, #tpu.memory_space<vmem>>, vector<16xf32>,
    %get3A_1353 = arith.constant 1856 : index
    %get3A_1354 = tpu.vector_load %arg8[%get3A_1353] {strides = array<i32>} : memref<2048xf32, #tpu.memory_space<vmem>>, vector<16xf32>,
    %shift_right_logical3A_1355 = arith.constant 7 : i32
    %shift_right_logical3A_1356 = vector.broadcast %shift_right_logical3A_1355 : i32 to vector<16xi32>
    %shift_right_logical3A_1357 = arith.shrui %bitcast3A_1348, %shift_right_logical3A_1356 : vector<16xi32>
    %and3A_1358 = arith.constant 127 : i32
    %and3A_1359 = vector.broadcast %and3A_1358 : i32 to vector<16xi32>
    %and3A_1360 = arith.andi %bitcast3A_1348, %and3A_1359 : vector<16xi32>
    %gather3A_1361 = tpu.vector_load_idx %arg6[%broadcast_in_dim3A_26, %shift_right_logical3A_1357, %and3A_1360] : memref<2x128x128xf32, #tpu.memory_space<vmem>>[vector<16xi32>, vector<16xi32>, vector<16xi32>], vector<16xf32>,
    %gather3A_1362 = tpu.vector_load_idx %arg6[%add3A_29, %shift_right_logical3A_1357, %and3A_1360] : memref<2x128x128xf32, #tpu.memory_space<vmem>>[vector<16xi32>, vector<16xi32>, vector<16xi32>], vector<16xf32>,
    %sub3A_1363 = arith.subf %gather3A_1361, %get3A_1352 : vector<16xf32>
    %abs3A_1364 = math.absf %sub3A_1363 : vector<16xf32>
    %sub3A_1365 = arith.subf %gather3A_1362, %get3A_1354 : vector<16xf32>
    %abs3A_1366 = math.absf %sub3A_1365 : vector<16xf32>
    %add3A_1367 = arith.addf %abs3A_1364, %abs3A_1366 : vector<16xf32>
    %mul3A_1368 = arith.mulf %get3A_1350, %add3A_1367 : vector<16xf32>
    %add3A_1369 = arith.addf %add3A_1344, %mul3A_1368 : vector<16xf32>
    %add3A_1370 = arith.addf %add3A_1345, %get3A_1350 : vector<16xf32>
    %get3A_1371 = arith.constant 336 : index
    %get3A_1372 = tpu.vector_load %arg8[%get3A_1371] {strides = array<i32>} : memref<2048xf32, #tpu.memory_space<vmem>>, vector<16xf32>,
    %bitcast3A_1373 = vector.bitcast %get3A_1372 : vector<16xf32> to vector<16xi32>
    %get3A_1374 = arith.constant 848 : index
    %get3A_1375 = tpu.vector_load %arg8[%get3A_1374] {strides = array<i32>} : memref<2048xf32, #tpu.memory_space<vmem>>, vector<16xf32>,
    %get3A_1376 = arith.constant 1360 : index
    %get3A_1377 = tpu.vector_load %arg8[%get3A_1376] {strides = array<i32>} : memref<2048xf32, #tpu.memory_space<vmem>>, vector<16xf32>,
    %get3A_1378 = arith.constant 1872 : index
    %get3A_1379 = tpu.vector_load %arg8[%get3A_1378] {strides = array<i32>} : memref<2048xf32, #tpu.memory_space<vmem>>, vector<16xf32>,
    %shift_right_logical3A_1380 = arith.constant 7 : i32
    %shift_right_logical3A_1381 = vector.broadcast %shift_right_logical3A_1380 : i32 to vector<16xi32>
    %shift_right_logical3A_1382 = arith.shrui %bitcast3A_1373, %shift_right_logical3A_1381 : vector<16xi32>
    %and3A_1383 = arith.constant 127 : i32
    %and3A_1384 = vector.broadcast %and3A_1383 : i32 to vector<16xi32>
    %and3A_1385 = arith.andi %bitcast3A_1373, %and3A_1384 : vector<16xi32>
    %gather3A_1386 = tpu.vector_load_idx %arg6[%broadcast_in_dim3A_26, %shift_right_logical3A_1382, %and3A_1385] : memref<2x128x128xf32, #tpu.memory_space<vmem>>[vector<16xi32>, vector<16xi32>, vector<16xi32>], vector<16xf32>,
    %gather3A_1387 = tpu.vector_load_idx %arg6[%add3A_29, %shift_right_logical3A_1382, %and3A_1385] : memref<2x128x128xf32, #tpu.memory_space<vmem>>[vector<16xi32>, vector<16xi32>, vector<16xi32>], vector<16xf32>,
    %sub3A_1388 = arith.subf %gather3A_1386, %get3A_1377 : vector<16xf32>
    %abs3A_1389 = math.absf %sub3A_1388 : vector<16xf32>
    %sub3A_1390 = arith.subf %gather3A_1387, %get3A_1379 : vector<16xf32>
    %abs3A_1391 = math.absf %sub3A_1390 : vector<16xf32>
    %add3A_1392 = arith.addf %abs3A_1389, %abs3A_1391 : vector<16xf32>
    %mul3A_1393 = arith.mulf %get3A_1375, %add3A_1392 : vector<16xf32>
    %add3A_1394 = arith.addf %add3A_1369, %mul3A_1393 : vector<16xf32>
    %add3A_1395 = arith.addf %add3A_1370, %get3A_1375 : vector<16xf32>
    %get3A_1396 = arith.constant 352 : index
    %get3A_1397 = tpu.vector_load %arg8[%get3A_1396] {strides = array<i32>} : memref<2048xf32, #tpu.memory_space<vmem>>, vector<16xf32>,
    %bitcast3A_1398 = vector.bitcast %get3A_1397 : vector<16xf32> to vector<16xi32>
    %get3A_1399 = arith.constant 864 : index
    %get3A_1400 = tpu.vector_load %arg8[%get3A_1399] {strides = array<i32>} : memref<2048xf32, #tpu.memory_space<vmem>>, vector<16xf32>,
    %get3A_1401 = arith.constant 1376 : index
    %get3A_1402 = tpu.vector_load %arg8[%get3A_1401] {strides = array<i32>} : memref<2048xf32, #tpu.memory_space<vmem>>, vector<16xf32>,
    %get3A_1403 = arith.constant 1888 : index
    %get3A_1404 = tpu.vector_load %arg8[%get3A_1403] {strides = array<i32>} : memref<2048xf32, #tpu.memory_space<vmem>>, vector<16xf32>,
    %shift_right_logical3A_1405 = arith.constant 7 : i32
    %shift_right_logical3A_1406 = vector.broadcast %shift_right_logical3A_1405 : i32 to vector<16xi32>
    %shift_right_logical3A_1407 = arith.shrui %bitcast3A_1398, %shift_right_logical3A_1406 : vector<16xi32>
    %and3A_1408 = arith.constant 127 : i32
    %and3A_1409 = vector.broadcast %and3A_1408 : i32 to vector<16xi32>
    %and3A_1410 = arith.andi %bitcast3A_1398, %and3A_1409 : vector<16xi32>
    %gather3A_1411 = tpu.vector_load_idx %arg6[%broadcast_in_dim3A_26, %shift_right_logical3A_1407, %and3A_1410] : memref<2x128x128xf32, #tpu.memory_space<vmem>>[vector<16xi32>, vector<16xi32>, vector<16xi32>], vector<16xf32>,
    %gather3A_1412 = tpu.vector_load_idx %arg6[%add3A_29, %shift_right_logical3A_1407, %and3A_1410] : memref<2x128x128xf32, #tpu.memory_space<vmem>>[vector<16xi32>, vector<16xi32>, vector<16xi32>], vector<16xf32>,
    %sub3A_1413 = arith.subf %gather3A_1411, %get3A_1402 : vector<16xf32>
    %abs3A_1414 = math.absf %sub3A_1413 : vector<16xf32>
    %sub3A_1415 = arith.subf %gather3A_1412, %get3A_1404 : vector<16xf32>
    %abs3A_1416 = math.absf %sub3A_1415 : vector<16xf32>
    %add3A_1417 = arith.addf %abs3A_1414, %abs3A_1416 : vector<16xf32>
    %mul3A_1418 = arith.mulf %get3A_1400, %add3A_1417 : vector<16xf32>
    %add3A_1419 = arith.addf %add3A_1394, %mul3A_1418 : vector<16xf32>
    %add3A_1420 = arith.addf %add3A_1395, %get3A_1400 : vector<16xf32>
    %get3A_1421 = arith.constant 368 : index
    %get3A_1422 = tpu.vector_load %arg8[%get3A_1421] {strides = array<i32>} : memref<2048xf32, #tpu.memory_space<vmem>>, vector<16xf32>,
    %bitcast3A_1423 = vector.bitcast %get3A_1422 : vector<16xf32> to vector<16xi32>
    %get3A_1424 = arith.constant 880 : index
    %get3A_1425 = tpu.vector_load %arg8[%get3A_1424] {strides = array<i32>} : memref<2048xf32, #tpu.memory_space<vmem>>, vector<16xf32>,
    %get3A_1426 = arith.constant 1392 : index
    %get3A_1427 = tpu.vector_load %arg8[%get3A_1426] {strides = array<i32>} : memref<2048xf32, #tpu.memory_space<vmem>>, vector<16xf32>,
    %get3A_1428 = arith.constant 1904 : index
    %get3A_1429 = tpu.vector_load %arg8[%get3A_1428] {strides = array<i32>} : memref<2048xf32, #tpu.memory_space<vmem>>, vector<16xf32>,
    %shift_right_logical3A_1430 = arith.constant 7 : i32
    %shift_right_logical3A_1431 = vector.broadcast %shift_right_logical3A_1430 : i32 to vector<16xi32>
    %shift_right_logical3A_1432 = arith.shrui %bitcast3A_1423, %shift_right_logical3A_1431 : vector<16xi32>
    %and3A_1433 = arith.constant 127 : i32
    %and3A_1434 = vector.broadcast %and3A_1433 : i32 to vector<16xi32>
    %and3A_1435 = arith.andi %bitcast3A_1423, %and3A_1434 : vector<16xi32>
    %gather3A_1436 = tpu.vector_load_idx %arg6[%broadcast_in_dim3A_26, %shift_right_logical3A_1432, %and3A_1435] : memref<2x128x128xf32, #tpu.memory_space<vmem>>[vector<16xi32>, vector<16xi32>, vector<16xi32>], vector<16xf32>,
    %gather3A_1437 = tpu.vector_load_idx %arg6[%add3A_29, %shift_right_logical3A_1432, %and3A_1435] : memref<2x128x128xf32, #tpu.memory_space<vmem>>[vector<16xi32>, vector<16xi32>, vector<16xi32>], vector<16xf32>,
    %sub3A_1438 = arith.subf %gather3A_1436, %get3A_1427 : vector<16xf32>
    %abs3A_1439 = math.absf %sub3A_1438 : vector<16xf32>
    %sub3A_1440 = arith.subf %gather3A_1437, %get3A_1429 : vector<16xf32>
    %abs3A_1441 = math.absf %sub3A_1440 : vector<16xf32>
    %add3A_1442 = arith.addf %abs3A_1439, %abs3A_1441 : vector<16xf32>
    %mul3A_1443 = arith.mulf %get3A_1425, %add3A_1442 : vector<16xf32>
    %add3A_1444 = arith.addf %add3A_1419, %mul3A_1443 : vector<16xf32>
    %add3A_1445 = arith.addf %add3A_1420, %get3A_1425 : vector<16xf32>
    %get3A_1446 = arith.constant 384 : index
    %get3A_1447 = tpu.vector_load %arg8[%get3A_1446] {strides = array<i32>} : memref<2048xf32, #tpu.memory_space<vmem>>, vector<16xf32>,
    %bitcast3A_1448 = vector.bitcast %get3A_1447 : vector<16xf32> to vector<16xi32>
    %get3A_1449 = arith.constant 896 : index
    %get3A_1450 = tpu.vector_load %arg8[%get3A_1449] {strides = array<i32>} : memref<2048xf32, #tpu.memory_space<vmem>>, vector<16xf32>,
    %get3A_1451 = arith.constant 1408 : index
    %get3A_1452 = tpu.vector_load %arg8[%get3A_1451] {strides = array<i32>} : memref<2048xf32, #tpu.memory_space<vmem>>, vector<16xf32>,
    %get3A_1453 = arith.constant 1920 : index
    %get3A_1454 = tpu.vector_load %arg8[%get3A_1453] {strides = array<i32>} : memref<2048xf32, #tpu.memory_space<vmem>>, vector<16xf32>,
    %shift_right_logical3A_1455 = arith.constant 7 : i32
    %shift_right_logical3A_1456 = vector.broadcast %shift_right_logical3A_1455 : i32 to vector<16xi32>
    %shift_right_logical3A_1457 = arith.shrui %bitcast3A_1448, %shift_right_logical3A_1456 : vector<16xi32>
    %and3A_1458 = arith.constant 127 : i32
    %and3A_1459 = vector.broadcast %and3A_1458 : i32 to vector<16xi32>
    %and3A_1460 = arith.andi %bitcast3A_1448, %and3A_1459 : vector<16xi32>
    %gather3A_1461 = tpu.vector_load_idx %arg6[%broadcast_in_dim3A_26, %shift_right_logical3A_1457, %and3A_1460] : memref<2x128x128xf32, #tpu.memory_space<vmem>>[vector<16xi32>, vector<16xi32>, vector<16xi32>], vector<16xf32>,
    %gather3A_1462 = tpu.vector_load_idx %arg6[%add3A_29, %shift_right_logical3A_1457, %and3A_1460] : memref<2x128x128xf32, #tpu.memory_space<vmem>>[vector<16xi32>, vector<16xi32>, vector<16xi32>], vector<16xf32>,
    %sub3A_1463 = arith.subf %gather3A_1461, %get3A_1452 : vector<16xf32>
    %abs3A_1464 = math.absf %sub3A_1463 : vector<16xf32>
    %sub3A_1465 = arith.subf %gather3A_1462, %get3A_1454 : vector<16xf32>
    %abs3A_1466 = math.absf %sub3A_1465 : vector<16xf32>
    %add3A_1467 = arith.addf %abs3A_1464, %abs3A_1466 : vector<16xf32>
    %mul3A_1468 = arith.mulf %get3A_1450, %add3A_1467 : vector<16xf32>
    %add3A_1469 = arith.addf %add3A_1444, %mul3A_1468 : vector<16xf32>
    %add3A_1470 = arith.addf %add3A_1445, %get3A_1450 : vector<16xf32>
    %get3A_1471 = arith.constant 400 : index
    %get3A_1472 = tpu.vector_load %arg8[%get3A_1471] {strides = array<i32>} : memref<2048xf32, #tpu.memory_space<vmem>>, vector<16xf32>,
    %bitcast3A_1473 = vector.bitcast %get3A_1472 : vector<16xf32> to vector<16xi32>
    %get3A_1474 = arith.constant 912 : index
    %get3A_1475 = tpu.vector_load %arg8[%get3A_1474] {strides = array<i32>} : memref<2048xf32, #tpu.memory_space<vmem>>, vector<16xf32>,
    %get3A_1476 = arith.constant 1424 : index
    %get3A_1477 = tpu.vector_load %arg8[%get3A_1476] {strides = array<i32>} : memref<2048xf32, #tpu.memory_space<vmem>>, vector<16xf32>,
    %get3A_1478 = arith.constant 1936 : index
    %get3A_1479 = tpu.vector_load %arg8[%get3A_1478] {strides = array<i32>} : memref<2048xf32, #tpu.memory_space<vmem>>, vector<16xf32>,
    %shift_right_logical3A_1480 = arith.constant 7 : i32
    %shift_right_logical3A_1481 = vector.broadcast %shift_right_logical3A_1480 : i32 to vector<16xi32>
    %shift_right_logical3A_1482 = arith.shrui %bitcast3A_1473, %shift_right_logical3A_1481 : vector<16xi32>
    %and3A_1483 = arith.constant 127 : i32
    %and3A_1484 = vector.broadcast %and3A_1483 : i32 to vector<16xi32>
    %and3A_1485 = arith.andi %bitcast3A_1473, %and3A_1484 : vector<16xi32>
    %gather3A_1486 = tpu.vector_load_idx %arg6[%broadcast_in_dim3A_26, %shift_right_logical3A_1482, %and3A_1485] : memref<2x128x128xf32, #tpu.memory_space<vmem>>[vector<16xi32>, vector<16xi32>, vector<16xi32>], vector<16xf32>,
    %gather3A_1487 = tpu.vector_load_idx %arg6[%add3A_29, %shift_right_logical3A_1482, %and3A_1485] : memref<2x128x128xf32, #tpu.memory_space<vmem>>[vector<16xi32>, vector<16xi32>, vector<16xi32>], vector<16xf32>,
    %sub3A_1488 = arith.subf %gather3A_1486, %get3A_1477 : vector<16xf32>
    %abs3A_1489 = math.absf %sub3A_1488 : vector<16xf32>
    %sub3A_1490 = arith.subf %gather3A_1487, %get3A_1479 : vector<16xf32>
    %abs3A_1491 = math.absf %sub3A_1490 : vector<16xf32>
    %add3A_1492 = arith.addf %abs3A_1489, %abs3A_1491 : vector<16xf32>
    %mul3A_1493 = arith.mulf %get3A_1475, %add3A_1492 : vector<16xf32>
    %add3A_1494 = arith.addf %add3A_1469, %mul3A_1493 : vector<16xf32>
    %add3A_1495 = arith.addf %add3A_1470, %get3A_1475 : vector<16xf32>
    %get3A_1496 = arith.constant 416 : index
    %get3A_1497 = tpu.vector_load %arg8[%get3A_1496] {strides = array<i32>} : memref<2048xf32, #tpu.memory_space<vmem>>, vector<16xf32>,
    %bitcast3A_1498 = vector.bitcast %get3A_1497 : vector<16xf32> to vector<16xi32>
    %get3A_1499 = arith.constant 928 : index
    %get3A_1500 = tpu.vector_load %arg8[%get3A_1499] {strides = array<i32>} : memref<2048xf32, #tpu.memory_space<vmem>>, vector<16xf32>,
    %get3A_1501 = arith.constant 1440 : index
    %get3A_1502 = tpu.vector_load %arg8[%get3A_1501] {strides = array<i32>} : memref<2048xf32, #tpu.memory_space<vmem>>, vector<16xf32>,
    %get3A_1503 = arith.constant 1952 : index
    %get3A_1504 = tpu.vector_load %arg8[%get3A_1503] {strides = array<i32>} : memref<2048xf32, #tpu.memory_space<vmem>>, vector<16xf32>,
    %shift_right_logical3A_1505 = arith.constant 7 : i32
    %shift_right_logical3A_1506 = vector.broadcast %shift_right_logical3A_1505 : i32 to vector<16xi32>
    %shift_right_logical3A_1507 = arith.shrui %bitcast3A_1498, %shift_right_logical3A_1506 : vector<16xi32>
    %and3A_1508 = arith.constant 127 : i32
    %and3A_1509 = vector.broadcast %and3A_1508 : i32 to vector<16xi32>
    %and3A_1510 = arith.andi %bitcast3A_1498, %and3A_1509 : vector<16xi32>
    %gather3A_1511 = tpu.vector_load_idx %arg6[%broadcast_in_dim3A_26, %shift_right_logical3A_1507, %and3A_1510] : memref<2x128x128xf32, #tpu.memory_space<vmem>>[vector<16xi32>, vector<16xi32>, vector<16xi32>], vector<16xf32>,
    %gather3A_1512 = tpu.vector_load_idx %arg6[%add3A_29, %shift_right_logical3A_1507, %and3A_1510] : memref<2x128x128xf32, #tpu.memory_space<vmem>>[vector<16xi32>, vector<16xi32>, vector<16xi32>], vector<16xf32>,
    %sub3A_1513 = arith.subf %gather3A_1511, %get3A_1502 : vector<16xf32>
    %abs3A_1514 = math.absf %sub3A_1513 : vector<16xf32>
    %sub3A_1515 = arith.subf %gather3A_1512, %get3A_1504 : vector<16xf32>
    %abs3A_1516 = math.absf %sub3A_1515 : vector<16xf32>
    %add3A_1517 = arith.addf %abs3A_1514, %abs3A_1516 : vector<16xf32>
    %mul3A_1518 = arith.mulf %get3A_1500, %add3A_1517 : vector<16xf32>
    %add3A_1519 = arith.addf %add3A_1494, %mul3A_1518 : vector<16xf32>
    %add3A_1520 = arith.addf %add3A_1495, %get3A_1500 : vector<16xf32>
    %get3A_1521 = arith.constant 432 : index
    %get3A_1522 = tpu.vector_load %arg8[%get3A_1521] {strides = array<i32>} : memref<2048xf32, #tpu.memory_space<vmem>>, vector<16xf32>,
    %bitcast3A_1523 = vector.bitcast %get3A_1522 : vector<16xf32> to vector<16xi32>
    %get3A_1524 = arith.constant 944 : index
    %get3A_1525 = tpu.vector_load %arg8[%get3A_1524] {strides = array<i32>} : memref<2048xf32, #tpu.memory_space<vmem>>, vector<16xf32>,
    %get3A_1526 = arith.constant 1456 : index
    %get3A_1527 = tpu.vector_load %arg8[%get3A_1526] {strides = array<i32>} : memref<2048xf32, #tpu.memory_space<vmem>>, vector<16xf32>,
    %get3A_1528 = arith.constant 1968 : index
    %get3A_1529 = tpu.vector_load %arg8[%get3A_1528] {strides = array<i32>} : memref<2048xf32, #tpu.memory_space<vmem>>, vector<16xf32>,
    %shift_right_logical3A_1530 = arith.constant 7 : i32
    %shift_right_logical3A_1531 = vector.broadcast %shift_right_logical3A_1530 : i32 to vector<16xi32>
    %shift_right_logical3A_1532 = arith.shrui %bitcast3A_1523, %shift_right_logical3A_1531 : vector<16xi32>
    %and3A_1533 = arith.constant 127 : i32
    %and3A_1534 = vector.broadcast %and3A_1533 : i32 to vector<16xi32>
    %and3A_1535 = arith.andi %bitcast3A_1523, %and3A_1534 : vector<16xi32>
    %gather3A_1536 = tpu.vector_load_idx %arg6[%broadcast_in_dim3A_26, %shift_right_logical3A_1532, %and3A_1535] : memref<2x128x128xf32, #tpu.memory_space<vmem>>[vector<16xi32>, vector<16xi32>, vector<16xi32>], vector<16xf32>,
    %gather3A_1537 = tpu.vector_load_idx %arg6[%add3A_29, %shift_right_logical3A_1532, %and3A_1535] : memref<2x128x128xf32, #tpu.memory_space<vmem>>[vector<16xi32>, vector<16xi32>, vector<16xi32>], vector<16xf32>,
    %sub3A_1538 = arith.subf %gather3A_1536, %get3A_1527 : vector<16xf32>
    %abs3A_1539 = math.absf %sub3A_1538 : vector<16xf32>
    %sub3A_1540 = arith.subf %gather3A_1537, %get3A_1529 : vector<16xf32>
    %abs3A_1541 = math.absf %sub3A_1540 : vector<16xf32>
    %add3A_1542 = arith.addf %abs3A_1539, %abs3A_1541 : vector<16xf32>
    %mul3A_1543 = arith.mulf %get3A_1525, %add3A_1542 : vector<16xf32>
    %add3A_1544 = arith.addf %add3A_1519, %mul3A_1543 : vector<16xf32>
    %add3A_1545 = arith.addf %add3A_1520, %get3A_1525 : vector<16xf32>
    %get3A_1546 = arith.constant 448 : index
    %get3A_1547 = tpu.vector_load %arg8[%get3A_1546] {strides = array<i32>} : memref<2048xf32, #tpu.memory_space<vmem>>, vector<16xf32>,
    %bitcast3A_1548 = vector.bitcast %get3A_1547 : vector<16xf32> to vector<16xi32>
    %get3A_1549 = arith.constant 960 : index
    %get3A_1550 = tpu.vector_load %arg8[%get3A_1549] {strides = array<i32>} : memref<2048xf32, #tpu.memory_space<vmem>>, vector<16xf32>,
    %get3A_1551 = arith.constant 1472 : index
    %get3A_1552 = tpu.vector_load %arg8[%get3A_1551] {strides = array<i32>} : memref<2048xf32, #tpu.memory_space<vmem>>, vector<16xf32>,
    %get3A_1553 = arith.constant 1984 : index
    %get3A_1554 = tpu.vector_load %arg8[%get3A_1553] {strides = array<i32>} : memref<2048xf32, #tpu.memory_space<vmem>>, vector<16xf32>,
    %shift_right_logical3A_1555 = arith.constant 7 : i32
    %shift_right_logical3A_1556 = vector.broadcast %shift_right_logical3A_1555 : i32 to vector<16xi32>
    %shift_right_logical3A_1557 = arith.shrui %bitcast3A_1548, %shift_right_logical3A_1556 : vector<16xi32>
    %and3A_1558 = arith.constant 127 : i32
    %and3A_1559 = vector.broadcast %and3A_1558 : i32 to vector<16xi32>
    %and3A_1560 = arith.andi %bitcast3A_1548, %and3A_1559 : vector<16xi32>
    %gather3A_1561 = tpu.vector_load_idx %arg6[%broadcast_in_dim3A_26, %shift_right_logical3A_1557, %and3A_1560] : memref<2x128x128xf32, #tpu.memory_space<vmem>>[vector<16xi32>, vector<16xi32>, vector<16xi32>], vector<16xf32>,
    %gather3A_1562 = tpu.vector_load_idx %arg6[%add3A_29, %shift_right_logical3A_1557, %and3A_1560] : memref<2x128x128xf32, #tpu.memory_space<vmem>>[vector<16xi32>, vector<16xi32>, vector<16xi32>], vector<16xf32>,
    %sub3A_1563 = arith.subf %gather3A_1561, %get3A_1552 : vector<16xf32>
    %abs3A_1564 = math.absf %sub3A_1563 : vector<16xf32>
    %sub3A_1565 = arith.subf %gather3A_1562, %get3A_1554 : vector<16xf32>
    %abs3A_1566 = math.absf %sub3A_1565 : vector<16xf32>
    %add3A_1567 = arith.addf %abs3A_1564, %abs3A_1566 : vector<16xf32>
    %mul3A_1568 = arith.mulf %get3A_1550, %add3A_1567 : vector<16xf32>
    %add3A_1569 = arith.addf %add3A_1544, %mul3A_1568 : vector<16xf32>
    %add3A_1570 = arith.addf %add3A_1545, %get3A_1550 : vector<16xf32>
    %get3A_1571 = arith.constant 464 : index
    %get3A_1572 = tpu.vector_load %arg8[%get3A_1571] {strides = array<i32>} : memref<2048xf32, #tpu.memory_space<vmem>>, vector<16xf32>,
    %bitcast3A_1573 = vector.bitcast %get3A_1572 : vector<16xf32> to vector<16xi32>
    %get3A_1574 = arith.constant 976 : index
    %get3A_1575 = tpu.vector_load %arg8[%get3A_1574] {strides = array<i32>} : memref<2048xf32, #tpu.memory_space<vmem>>, vector<16xf32>,
    %get3A_1576 = arith.constant 1488 : index
    %get3A_1577 = tpu.vector_load %arg8[%get3A_1576] {strides = array<i32>} : memref<2048xf32, #tpu.memory_space<vmem>>, vector<16xf32>,
    %get3A_1578 = arith.constant 2000 : index
    %get3A_1579 = tpu.vector_load %arg8[%get3A_1578] {strides = array<i32>} : memref<2048xf32, #tpu.memory_space<vmem>>, vector<16xf32>,
    %shift_right_logical3A_1580 = arith.constant 7 : i32
    %shift_right_logical3A_1581 = vector.broadcast %shift_right_logical3A_1580 : i32 to vector<16xi32>
    %shift_right_logical3A_1582 = arith.shrui %bitcast3A_1573, %shift_right_logical3A_1581 : vector<16xi32>
    %and3A_1583 = arith.constant 127 : i32
    %and3A_1584 = vector.broadcast %and3A_1583 : i32 to vector<16xi32>
    %and3A_1585 = arith.andi %bitcast3A_1573, %and3A_1584 : vector<16xi32>
    %gather3A_1586 = tpu.vector_load_idx %arg6[%broadcast_in_dim3A_26, %shift_right_logical3A_1582, %and3A_1585] : memref<2x128x128xf32, #tpu.memory_space<vmem>>[vector<16xi32>, vector<16xi32>, vector<16xi32>], vector<16xf32>,
    %gather3A_1587 = tpu.vector_load_idx %arg6[%add3A_29, %shift_right_logical3A_1582, %and3A_1585] : memref<2x128x128xf32, #tpu.memory_space<vmem>>[vector<16xi32>, vector<16xi32>, vector<16xi32>], vector<16xf32>,
    %sub3A_1588 = arith.subf %gather3A_1586, %get3A_1577 : vector<16xf32>
    %abs3A_1589 = math.absf %sub3A_1588 : vector<16xf32>
    %sub3A_1590 = arith.subf %gather3A_1587, %get3A_1579 : vector<16xf32>
    %abs3A_1591 = math.absf %sub3A_1590 : vector<16xf32>
    %add3A_1592 = arith.addf %abs3A_1589, %abs3A_1591 : vector<16xf32>
    %mul3A_1593 = arith.mulf %get3A_1575, %add3A_1592 : vector<16xf32>
    %add3A_1594 = arith.addf %add3A_1569, %mul3A_1593 : vector<16xf32>
    %add3A_1595 = arith.addf %add3A_1570, %get3A_1575 : vector<16xf32>
    %get3A_1596 = arith.constant 480 : index
    %get3A_1597 = tpu.vector_load %arg8[%get3A_1596] {strides = array<i32>} : memref<2048xf32, #tpu.memory_space<vmem>>, vector<16xf32>,
    %bitcast3A_1598 = vector.bitcast %get3A_1597 : vector<16xf32> to vector<16xi32>
    %get3A_1599 = arith.constant 992 : index
    %get3A_1600 = tpu.vector_load %arg8[%get3A_1599] {strides = array<i32>} : memref<2048xf32, #tpu.memory_space<vmem>>, vector<16xf32>,
    %get3A_1601 = arith.constant 1504 : index
    %get3A_1602 = tpu.vector_load %arg8[%get3A_1601] {strides = array<i32>} : memref<2048xf32, #tpu.memory_space<vmem>>, vector<16xf32>,
    %get3A_1603 = arith.constant 2016 : index
    %get3A_1604 = tpu.vector_load %arg8[%get3A_1603] {strides = array<i32>} : memref<2048xf32, #tpu.memory_space<vmem>>, vector<16xf32>,
    %shift_right_logical3A_1605 = arith.constant 7 : i32
    %shift_right_logical3A_1606 = vector.broadcast %shift_right_logical3A_1605 : i32 to vector<16xi32>
    %shift_right_logical3A_1607 = arith.shrui %bitcast3A_1598, %shift_right_logical3A_1606 : vector<16xi32>
    %and3A_1608 = arith.constant 127 : i32
    %and3A_1609 = vector.broadcast %and3A_1608 : i32 to vector<16xi32>
    %and3A_1610 = arith.andi %bitcast3A_1598, %and3A_1609 : vector<16xi32>
    %gather3A_1611 = tpu.vector_load_idx %arg6[%broadcast_in_dim3A_26, %shift_right_logical3A_1607, %and3A_1610] : memref<2x128x128xf32, #tpu.memory_space<vmem>>[vector<16xi32>, vector<16xi32>, vector<16xi32>], vector<16xf32>,
    %gather3A_1612 = tpu.vector_load_idx %arg6[%add3A_29, %shift_right_logical3A_1607, %and3A_1610] : memref<2x128x128xf32, #tpu.memory_space<vmem>>[vector<16xi32>, vector<16xi32>, vector<16xi32>], vector<16xf32>,
    %sub3A_1613 = arith.subf %gather3A_1611, %get3A_1602 : vector<16xf32>
    %abs3A_1614 = math.absf %sub3A_1613 : vector<16xf32>
    %sub3A_1615 = arith.subf %gather3A_1612, %get3A_1604 : vector<16xf32>
    %abs3A_1616 = math.absf %sub3A_1615 : vector<16xf32>
    %add3A_1617 = arith.addf %abs3A_1614, %abs3A_1616 : vector<16xf32>
    %mul3A_1618 = arith.mulf %get3A_1600, %add3A_1617 : vector<16xf32>
    %add3A_1619 = arith.addf %add3A_1594, %mul3A_1618 : vector<16xf32>
    %add3A_1620 = arith.addf %add3A_1595, %get3A_1600 : vector<16xf32>
    %get3A_1621 = arith.constant 496 : index
    %get3A_1622 = tpu.vector_load %arg8[%get3A_1621] {strides = array<i32>} : memref<2048xf32, #tpu.memory_space<vmem>>, vector<16xf32>,
    %bitcast3A_1623 = vector.bitcast %get3A_1622 : vector<16xf32> to vector<16xi32>
    %get3A_1624 = arith.constant 1008 : index
    %get3A_1625 = tpu.vector_load %arg8[%get3A_1624] {strides = array<i32>} : memref<2048xf32, #tpu.memory_space<vmem>>, vector<16xf32>,
    %get3A_1626 = arith.constant 1520 : index
    %get3A_1627 = tpu.vector_load %arg8[%get3A_1626] {strides = array<i32>} : memref<2048xf32, #tpu.memory_space<vmem>>, vector<16xf32>,
    %get3A_1628 = arith.constant 2032 : index
    %get3A_1629 = tpu.vector_load %arg8[%get3A_1628] {strides = array<i32>} : memref<2048xf32, #tpu.memory_space<vmem>>, vector<16xf32>,
    %shift_right_logical3A_1630 = arith.constant 7 : i32
    %shift_right_logical3A_1631 = vector.broadcast %shift_right_logical3A_1630 : i32 to vector<16xi32>
    %shift_right_logical3A_1632 = arith.shrui %bitcast3A_1623, %shift_right_logical3A_1631 : vector<16xi32>
    %and3A_1633 = arith.constant 127 : i32
    %and3A_1634 = vector.broadcast %and3A_1633 : i32 to vector<16xi32>
    %and3A_1635 = arith.andi %bitcast3A_1623, %and3A_1634 : vector<16xi32>
    %gather3A_1636 = tpu.vector_load_idx %arg6[%broadcast_in_dim3A_26, %shift_right_logical3A_1632, %and3A_1635] : memref<2x128x128xf32, #tpu.memory_space<vmem>>[vector<16xi32>, vector<16xi32>, vector<16xi32>], vector<16xf32>,
    %gather3A_1637 = tpu.vector_load_idx %arg6[%add3A_29, %shift_right_logical3A_1632, %and3A_1635] : memref<2x128x128xf32, #tpu.memory_space<vmem>>[vector<16xi32>, vector<16xi32>, vector<16xi32>], vector<16xf32>,
    %sub3A_1638 = arith.subf %gather3A_1636, %get3A_1627 : vector<16xf32>
    %abs3A_1639 = math.absf %sub3A_1638 : vector<16xf32>
    %sub3A_1640 = arith.subf %gather3A_1637, %get3A_1629 : vector<16xf32>
    %abs3A_1641 = math.absf %sub3A_1640 : vector<16xf32>
    %add3A_1642 = arith.addf %abs3A_1639, %abs3A_1641 : vector<16xf32>
    %mul3A_1643 = arith.mulf %get3A_1625, %add3A_1642 : vector<16xf32>
    %add3A_1644 = arith.addf %add3A_1619, %mul3A_1643 : vector<16xf32>
    %add3A_1645 = arith.addf %add3A_1620, %get3A_1625 : vector<16xf32>
    %swap3A = arith.constant 0 : index
    %swap3A_1646 = tpu.vector_load %arg9[%swap3A] {strides = array<i32>} : memref<32xf32, #tpu.memory_space<vmem>>, vector<16xf32>,
    tpu.vector_store %arg9[%swap3A], %add3A_1644 {strides = array<i32>} : memref<32xf32, #tpu.memory_space<vmem>>, vector<16xf32>,
    %swap3A_1647 = arith.constant 16 : index
    %swap3A_1648 = tpu.vector_load %arg9[%swap3A_1647] {strides = array<i32>} : memref<32xf32, #tpu.memory_space<vmem>>, vector<16xf32>,
    tpu.vector_store %arg9[%swap3A_1647], %add3A_1645 {strides = array<i32>} : memref<32xf32, #tpu.memory_space<vmem>>, vector<16xf32>,
    "tpu.region"() ({
      %run_scoped3A = tpu.sem_alloc : memref<!tpu.dma_semaphore, #tpu.memory_space<semaphore_mem>>
      %dma_start3A_1649 = arith.constant 0 : i32
      %dma_start3A_1650 = tpu.memref_slice %arg4[%add3A, %dma_start3A_1649] : memref<32x32xf32, #tpu.memory_space<hbm>> -> memref<1x32xf32, #tpu.memory_space<hbm>>
      %dma_start3A_1651 = tpu.memref_squeeze %dma_start3A_1650 : memref<1x32xf32, #tpu.memory_space<hbm>> -> memref<32xf32, #tpu.memory_space<hbm>>
      %dma_start3A_1652 = arith.constant 0 : i32
      %dma_start3A_1653 = tpu.memref_slice %arg4[%add3A, %dma_start3A_1652] : memref<32x32xf32, #tpu.memory_space<hbm>> -> memref<1x32xf32, #tpu.memory_space<hbm>>
      %dma_start3A_1654 = tpu.memref_squeeze %dma_start3A_1653 : memref<1x32xf32, #tpu.memory_space<hbm>> -> memref<32xf32, #tpu.memory_space<hbm>>
      tpu.enqueue_dma source(%arg9 : memref<32xf32, #tpu.memory_space<vmem>>) target(%dma_start3A_1654 : memref<32xf32, #tpu.memory_space<hbm>>) target_semaphore(%run_scoped3A : memref<!tpu.dma_semaphore, #tpu.memory_space<semaphore_mem>>)
      %dma_wait3A_1655 = arith.constant 0 : i32
      %dma_wait3A_1656 = tpu.memref_slice %arg4[%add3A, %dma_wait3A_1655] : memref<32x32xf32, #tpu.memory_space<hbm>> -> memref<1x32xf32, #tpu.memory_space<hbm>>
      %dma_wait3A_1657 = tpu.memref_squeeze %dma_wait3A_1656 : memref<1x32xf32, #tpu.memory_space<hbm>> -> memref<32xf32, #tpu.memory_space<hbm>>
      %dma_wait3A_1658 = arith.constant 0 : i32
      %dma_wait3A_1659 = tpu.memref_slice %arg4[%add3A, %dma_wait3A_1658] : memref<32x32xf32, #tpu.memory_space<hbm>> -> memref<1x32xf32, #tpu.memory_space<hbm>>
      %dma_wait3A_1660 = tpu.memref_squeeze %dma_wait3A_1659 : memref<1x32xf32, #tpu.memory_space<hbm>> -> memref<32xf32, #tpu.memory_space<hbm>>
      tpu.wait_dma2 semaphore(%run_scoped3A : memref<!tpu.dma_semaphore, #tpu.memory_space<semaphore_mem>>) src(%arg9 : memref<32xf32, #tpu.memory_space<vmem>>) dst(%dma_wait3A_1660 : memref<32xf32, #tpu.memory_space<hbm>>)
      tpu.yield
    }) : () -> ()
    return
  }
}

</mosaic_0001>

<sc_bundles>
// kernel: kernel.3.cloned.1.call-start
scs
__scs_entry_jumppad:
0x0: {  	(pc) =	sbr.rel $0x88, $3  }
0x1: {  	(tag) =	ssettag $0x0;
	lr =	simm.s32 $0x1  }
0x2: {  	[smem:$0x3F9D] =	sst lr;
	_ =	strace $0xD0000000  }
0x3: {  	_ = 	snop  }
0x4: {  	_ = 	snop  }
0x5: {  	_ = 	snop  }
0x6: {  	_ = 	snop  }
0x7: {  	_ = 	snop  }
__scs_overlays_trampoline_lowered:
0x8: {  	[smem:$0x3FAC] =	sst s0  }
0x9: {  	[smem:$0x3FAD] =	sst s1  }
0xa: {  	[smem:$0x3FAE] =	sst s2  }
0xb: {  	[smem:$0x3FAF] =	sst s3  }
0xc: {  	[smem:$0x3FB0] =	sst s4  }
0xd: {  	[smem:$0x3FB1] =	sst s5  }
0xe: {  	[smem:$0x3FB2] =	sst s6  }
0xf: {  	[smem:$0x3FB3] =	sst s7  }
0x10: {  	[smem:$0x3FB4] =	sst s8  }
0x11: {  	[smem:$0x3FB5] =	sst s9;
	s0 =	simm.s32 @!p0 $0x0  }
0x12: {  	s1 =	sld [smem:$0x3F9B];
	s0 =	simm.s32 @p0 $0x1  }
0x13: {  	[smem:$0x3FB6] =	sst s0;
	s0 =	simm.s32 @!p1 $0x0  }
0x14: {  	s2 =	sld [smem:$0x3F9A];
	s0 =	simm.s32 @p1 $0x1  }
0x15: {  	[smem:$0x3FB7] =	sst s0;
	s0 =	simm.s32 @!p2 $0x0  }
0x16: {  	s3 =	sld [smem:$0x3FDB];
	s0 =	simm.s32 @p2 $0x1  }
0x17: {  	s4 =	simm.s32 $0x1BF5;
	[smem:$0x3FB9] =	sst s0  }
0x18: {  	s0 =	sld [smem:$0x3F9C];
	_ =	swait.ge [sflag:s4], $0x0  }
0x19: {  	s7 =	sld [smem:$0x3F9D]  }
0x1a: {  	s8 =	sadd.s32 $0xFFFFE003, lr  }
0x1b: {  	s9 =	sadd.s32 $0xFFFFFEF7, lr;
	s5 =	simm.s32 $0xFFFFFFFF;
	p2 =	slt.u32 s8, $0xFFFFF086  }
0x1c: {  	p1 =	slt.u32 s9, $0xF7A;
	s5 =	simm.s32 @!p2 $0x0  }
0x1d: {  	s5 =	simm.s32 @p1 $0x1;
	p0 =	seq.s32 s7, s2  }
0x1e: {  	s7 =	smul.u32 @!p0 $0xF7A, s2;
	p2 =	seq.s32 @!p0 s5, $0x0  }
0x1f: {  	s9 =	smul.u32 $0xF7A, s1;
	s8 =	simm.s32 @!p0 $0x1BF5;
	p2 =	por !p2, p0  }
0x20: {  	[sflag:s8] =	ssyncset.s32 @!p0 $0xFFFFF086;
	s6 =	sadd.s32 @!p0 s3, s7;
	s7 =	simm.s32 @!p0 $0x108  }
0x21: {  	s3 =	sadd.s32 s3, s9;
	s6 =	sadd.s32 @!p0 $0x88, s6;
	s7 =	simm.s32 @p2 $0x1082  }
0x22: {  	[simem:s7], [sflag:s8] =	dma.local @!p0 [hbm:s6], $0xF7A  }
0x23: {  	s9 =	sor.u32 $0xD0000000, s2;
	s6 =	simm.s32 $0x108;
	_ =	swait.ge @!p0 [sflag:s8], $0x0  }
0x24: {  	s3 =	sadd.s32 $0x88, s3;
	s6 =	simm.s32 @!p1 $0x1082;
	[sflag:s4] =	ssyncset.s32 $0xFFFFF086  }
0x25: {  	[simem:s6], [sflag:s4] =	dma.local [hbm:s3], $0xF7A  }
0x26: {  	[smem:$0x3F9D] =	sst s1;
	(tag) =	ssettag s2;
	_ =	strace s9  }
0x27: {  	s1 =	sld [smem:$0x3FAD]  }
0x28: {  	s2 =	sld [smem:$0x3FAE]  }
0x29: {  	s4 =	sld [smem:$0x3FB0]  }
0x2a: {  	p0 =	seq.s32 s5, $0x0;
	s5 =	sld [smem:$0x3FB1]  }
0x2b: {  	s6 =	sld [smem:$0x3FB2]  }
0x2c: {  	s7 =	sld [smem:$0x3FB3]  }
0x2d: {  	s3 =	simm.s32 $0x108;
	s8 =	sld [smem:$0x3FB4]  }
0x2e: {  	s3 =	simm.s32 @!p0 $0x1082;
	s9 =	sld [smem:$0x3FB5]  }
0x2f: {  	lr =	sadd.s32 s0, s3;
	s0 =	sld [smem:$0x3FAC]  }
0x30: {  	s3 =	sld [smem:$0x3FAF]  }
0x31: {  	[smem:$0x3FB8] =	sst s10  }
0x32: {  	s10 =	sld [smem:$0x3FB6];
	_ =	sdelay $0x3  }
0x33: {  	p0 =	seq.s32 s10, $0x1;
	s10 =	sld [smem:$0x3FB8];
	_ =	sdelay $0x3  }
0x34: {  	[smem:$0x3FB8] =	sst s10  }
0x35: {  	s10 =	sld [smem:$0x3FB7];
	_ =	sdelay $0x3  }
0x36: {  	p1 =	seq.s32 s10, $0x1;
	s10 =	sld [smem:$0x3FB8];
	_ =	sdelay $0x3  }
0x37: {  	[smem:$0x3FB8] =	sst s10  }
0x38: {  	s10 =	sld [smem:$0x3FB9]  }
0x39: {  	_ = 	snop;
	(pc) =	sbr.ind lr, $3  }
0x3a: {  	_ = 	snop  }
0x3b: {  	_ = 	snop  }
0x3c: {  	p2 =	seq.s32 s10, $0x1;
	s10 =	sld [smem:$0x3FB8]  }
0x3d: {  	_ =	shalt  }
0x3e: {  	_ =	shalt  }
0x3f: {  	_ =	shalt  }
0x40: {  	_ =	shalt  }
0x41: {  	_ =	shalt  }
0x42: {  	_ =	shalt  }
0x43: {  	_ =	shalt  }
0x44: {  	_ =	shalt  }
0x45: {  	_ =	shalt  }
0x46: {  	_ =	shalt  }
0x47: {  	_ =	shalt  }
0x48: {  	_ =	shalt  }
0x49: {  	_ =	shalt  }
0x4a: {  	_ =	shalt  }
0x4b: {  	_ =	shalt  }
0x4c: {  	_ =	shalt  }
0x4d: {  	_ =	shalt  }
0x4e: {  	_ =	shalt  }
0x4f: {  	_ =	shalt  }
0x50: {  	_ =	shalt  }
0x51: {  	_ =	shalt  }
0x52: {  	_ =	shalt  }
0x53: {  	_ =	shalt  }
0x54: {  	_ =	shalt  }
0x55: {  	_ =	shalt  }
0x56: {  	_ =	shalt  }
0x57: {  	_ =	shalt  }
0x58: {  	_ =	shalt  }
0x59: {  	_ =	shalt  }
0x5a: {  	_ =	shalt  }
0x5b: {  	_ =	shalt  }
0x5c: {  	_ =	shalt  }
0x5d: {  	_ =	shalt  }
0x5e: {  	_ =	shalt  }
0x5f: {  	_ =	shalt  }
0x60: {  	_ =	shalt  }
0x61: {  	_ =	shalt  }
0x62: {  	_ =	shalt  }
0x63: {  	_ =	shalt  }
0x64: {  	_ =	shalt  }
0x65: {  	_ =	shalt  }
0x66: {  	_ =	shalt  }
0x67: {  	_ =	shalt  }
0x68: {  	_ =	shalt  }
0x69: {  	_ =	shalt  }
0x6a: {  	_ =	shalt  }
0x6b: {  	_ =	shalt  }
0x6c: {  	_ =	shalt  }
0x6d: {  	_ =	shalt  }
0x6e: {  	_ =	shalt  }
0x6f: {  	_ =	shalt  }
0x70: {  	_ =	shalt  }
0x71: {  	_ =	shalt  }
0x72: {  	_ =	shalt  }
0x73: {  	_ =	shalt  }
0x74: {  	_ =	shalt  }
0x75: {  	_ =	shalt  }
0x76: {  	_ =	shalt  }
0x77: {  	_ =	shalt  }
0x78: {  	_ =	shalt  }
0x79: {  	_ =	shalt  }
0x7a: {  	_ =	shalt  }
0x7b: {  	_ =	shalt  }
0x7c: {  	_ =	shalt  }
0x7d: {  	_ =	shalt  }
0x7e: {  	_ =	shalt  }
0x7f: {  	_ =	shalt  }
0x80: {  	_ =	shalt  }
0x81: {  	_ =	shalt  }
0x82: {  	_ =	shalt  }
0x83: {  	_ =	shalt  }
0x84: {  	_ =	shalt  }
0x85: {  	_ =	shalt  }
0x86: {  	_ =	shalt  }
0x87: {  	_ =	shalt  }
.Lfunc_end0:
.L_simem_size_0:
called_computation_lowered:
.L_overlay_start_0:
0x88: {  	s2 =	sld [smem:$0x3FD9]  }
0x89: {  	s3 =	sld [smem:$0x3FFE];
	_ =	sdelay $0x1  }
0x8a: {  	s1 =	srdreg.scid  }
0x8b: {  	s0 =	sand.u32 $0x1, s1  }
0x8c: {  	s17 =	sshll.u32 s0, $0xA;
	s2 =	sadd.s32 s3, s2  }
0x8d: {  	s2 =	sadd.s32 s2, s17  }
0x8e: {  	[smem:$0x3FC4] =	sst s2  }
0x8f: {  	_ = 	snop  }
0x90: {  	s2 =	sld [smem:$0x3FC9];
	(tm) =	ssettm $0x1  }
0x91: {  	s18 =	sld [smem:$0x3FFB];
	_ =	sdelay $0x3  }
0x92: {  	_ =	strace s18  }
0x93: {  	s3 =	sld [smem:$0x3FFC];
	_ =	sdelay $0x3  }
0x94: {  	_ =	strace s3  }
0x95: {  	s3 =	sld [smem:$0x3FFD];
	_ =	sdelay $0x3  }
0x96: {  	_ =	strace s3  }
0x97: {  	_ =	strace $0x8FFFFFFF  }
0x98: {  	s19 =	sld [smem:$0x3FDB];
	_ =	sdelay $0x1  }
0x99: {  	s4 =	simm.s32 $_scs_section_size  }
0x9a: {  	s5 =	simm.s32 $_size__tile_overlayer_lowered;
	s6 =	simm.s32 $_tile_overlayer_lowered  }
0x9b: {  	s22 =	simm.s32 $0x1BFF;
	s21 =	sshll.u32 s6, $0x1;
	s3 =	sadd.s32 s4, s19  }
0x9c: {  	s7 =	simm.s32 $0x0;
	s20 =	sshll.u32 s5, $0x1;
	s5 =	sadd.s32 s21, s3  }
0x9d: {  	[timem:s7], [sflag:s22] =	dma.local [hbm:s5], s20  }
0x9e: {  	_ =	swait.ge [sflag:s22], s20  }
0x9f: {  	s4 =	ssub.s32 $0x0, s20;
	[sflag:s22] =	ssyncset.done $0x0  }
0xa0: {  	[sflag:s22] =	ssyncadd.s32 s4;
	_ =	sdelay $0x1  }
0xa1: {  	s23 =	simm.s32 $0x1B8B  }
0xa2: {  	_ =	swait.ge [sflag:s23], $0x1  }
0xa3: {  	[sflag:s23] =	ssyncset.done $0x0  }
0xa4: {  	s25 =	simm.s32 $0x1B8E;
	s24 =	sld [smem:$0x3FFE];
	[sflag:s23] =	ssyncadd.s32 $0xFFFFFFFF  }
0xa5: {  	s26 =	simm.s32 $execute0_lowered;
	[smem:$0x3FD2] =	sst s25  }
0xa6: {  	s5 =	sshll.u32 s26, $0x1;
	_ =	strace $0x80000046;
	[dreg:$0x1] =	wrdreg $0xFFFFFFFF  }
0xa7: {  	s28 =	simm.s32 $_size_execute0_lowered;
	s3 =	sadd.s32 s3, s5;
	[dreg:$0x0] =	wrdreg $0x0  }
0xa8: {  	s5 =	sshll.u32 s28, $0x1;
	[dreg:$0x2] =	wrdreg s3  }
0xa9: {  	[dreg:$0x3] =	wrdreg s5  }
0xaa: {  	[dreg:$0x4] =	wrdreg $0xC0  }
0xab: {  	_ =	task [dreg:s7], $0x5FFFF  }
0xac: {  	[dreg:$0x1] =	wrdreg $0xFFFFFFFF  }
0xad: {  	[dreg:$0x0] =	wrdreg $0x60  }
0xae: {  	[dreg:$0x2] =	wrdreg s2  }
0xaf: {  	[dreg:$0x3] =	wrdreg s24  }
0xb0: {  	[dreg:$0x4] =	wrdreg $0x9  }
0xb1: {  	_ =	task.clear_ibuf [dreg:s7], $0x5FFFF;
	_ =	strace $0x90000046  }
0xb2: {  	s29 =	simm.s32 $0x9;
	_ =	strace $0x80000048  }
0xb3: {  	_ =	swait.ge [sflag:s29], $0x1  }
0xb4: {  	[sflag:s29] =	ssyncadd.s32 $0xFFFFFFFF  }
0xb5: {  	_ =	strace $0x90000048  }
0xb6: {  	_ =	sfence  }
0xb7: {  	s30 =	sld [smem:$0x0];
	_ =	sdelay $0x2  }
0xb8: {  	s31 =	sshll.u32 s1, $0xD;
	s1 =	sshrl.u32 s1, $0x2  }
0xb9: {  	s3 =	sand.u32 $0x4000, s31;
	s1 =	sadd.s32 s1, s30  }
0xba: {  	s0 =	sor.u32 s3, s0;
	s1 =	sshll.u32 s1, $0x11  }
0xbb: {  	s0 =	sor.u32 s1, s0  }
0xbc: {  	s0 =	sadd.s32 $0x8F2B, s0  }
0xbd: {  	[sflag:s0] =	ssyncadd.remote.s32 $0x1  }
0xbe: {  	_ =	sfence.sel $0xFFFF  }
0xbf: {  	[dreg:$0x0] =	wrdreg $0xFFFFFFFF;
	(pc) =	sbr.abs _section_cstart, $3  }
0xc0: {  	[dreg:$0x1] =	wrdreg $0xFFFFFFFF  }
0xc1: {  	_ =	task.clear_ibuf [dreg:s7], $0x2FFFF;
	_ =	strace $0x9FFFFFFF  }
0xc2: {  	(tm) =	ssettm $0x7FFFFFFF  }
0xc3: {  	_ =	shalt  }
tec
execute0_lowered:
.L_overlay_start_1:
0x0: {  	(tag) =	ssettag $0x1  }
0x1: {  	s4 =	rddreg [dreg:$0x0]  }
0x2: {  	s6 =	rddreg [dreg:$0x1]  }
0x3: {  	s2 =	srdreg.scid;
	s1 =	stileid.u32  }
0x4: {  	s0 =	rddreg [dreg:$0x2];
	s13 =	simm.s32 $0x3;
	s14 =	simm.s32 $0x10800  }
0x5: {  	s15 =	simm.s32 $0x1;
	s16 =	simm.s32 $0x2;
	s17 =	simm.s32 $0x11000  }
0x6: {  	s3 =	sand.u32 $0x1, s2;
	s5 =	sshll.u32 s1, $0x1;
	s2 =	simm.s32 $0x0  }
0x7: {  	s10 =	sshll.u32 s1, $0xD;
	s5 =	sor.u32 s3, s5;
	s3 =	ssub.s32 $0x2, s3  }
0x8: {  	[smem:$0x7FF] =	sst s2;
	s7 =	sshll.u32 s5, $0x4;
	s8 =	sshrl.u32 s3, $0x1  }
0x9: {  	_ =	strace $0x80000047;
	s9 =	sshllo.u32 s5, $0x1;
	s29 =	sshll.u32 s5, $0x8  }
0xa: {  	s5 =	sshll.u32 s5, $0xD;
	s7 =	sadd.s32 s7, s6;
	s8 =	ssub.s32 s3, s8  }
0xb: {  	s11 =	sor.u32 s10, s29;
	s12 =	sshll.u32 s9, $0x7;
	s3 =	sadd.s32 s4, s5  }
0xc: {  	s9 =	sshll.u32 s9, $0xC;
	s30 =	sand.u32 $0x1C300, s11;
	s10 =	sor.u32 s10, s12  }
0xd: {  	s4 =	sadd.s32 s4, s9;
	s7 =	sadd.s32 $0x4000, s7;
	s8 =	smax.u32 s8, $0x1  }
0xe: {  	s9 =	simm.s32 $0x8000;
	s11 =	simm.s32 $0x400;
	s10 =	sand.u32 $0x1C380, s10  }
0xf: {  	s12 =	simm.s32 $0x10000;
	s5 =	sshrl.u32 s30, $0x3;
	s31 =	sshrl.u32 s10, $0x3  }
0x10: {  	s5 =	sadd.s32 s6, s5;
	s10 =	simm.s32 $0x80;
	s6 =	sadd.s32 s6, s31  }
.LBB2_1:
0x11: {  	[tilespmem:s2], [sflag:$0x1] =	stream.linear.gather [hbm4b:s3+s2], $0x8000, $0x38;
	[tilespmem:$0x11080] =	vst v63  }
0x12: {  	_ = 	snop  }
0x13: {  	[tilespmem:s9], [sflag:$0x2] =	stream.linear.gather [hbm4b:s4+s2], $0x8000, $0x38;
	[tilespmem:$0x11080] =	vst v63  }
0x14: {  	_ = 	snop  }
0x15: {  	[tilespmem:s12], [sflag:$0x3] =	stream.strided.gather [hbm4b:s5+s10], $0x800, s11, s10, $0x38;
	[tilespmem:$0x11080] =	vst v63  }
0x16: {  	_ =	swait.ge [sflag:s13], $0x800  }
0x17: {  	[sflag:s13] =	ssyncset.done $0x0  }
0x18: {  	[sflag:s13] =	ssyncadd.s32 $0xFFFFF800  }
0x19: {  	[tilespmem:s14], [sflag:$0x3] =	stream.strided.gather [hbm4b:s6+s10], $0x800, s11, s10, $0x38;
	[tilespmem:$0x11080] =	vst v63  }
0x1a: {  	_ =	swait.ge [sflag:s13], $0x800  }
0x1b: {  	[sflag:s13] =	ssyncset.done $0x0  }
0x1c: {  	[sflag:s13] =	ssyncadd.s32 $0xFFFFF800  }
0x1d: {  	_ =	swait.ge [sflag:s15], $0x8000  }
0x1e: {  	[sflag:s15] =	ssyncset.done $0x0  }
0x1f: {  	[sflag:s15] =	ssyncadd.s32 $0xFFFF8000  }
0x20: {  	v0 =	vld [tilespmem:$0x10000]  }
0x21: {  	v1 =	vld [tilespmem:$0x10010]  }
0x22: {  	v3 =	vld [tilespmem:$0x10020]  }
0x23: {  	v4 =	vld [tilespmem:$0x10030]  }
0x24: {  	v16 =	vld [tilespmem:$0x10040]  }
0x25: {  	v19 =	vld [tilespmem:$0x10050]  }
0x26: {  	v22 =	vld [tilespmem:$0x10060]  }
0x27: {  	v25 =	vld [tilespmem:$0x10070]  }
0x28: {  	v28 =	vld [tilespmem:$0x10080]  }
0x29: {  	v31 =	vld [tilespmem:$0x10090]  }
0x2a: {  	v34 =	vld [tilespmem:$0x100A0]  }
0x2b: {  	v37 =	vld [tilespmem:$0x100B0]  }
0x2c: {  	v40 =	vld [tilespmem:$0x100C0]  }
0x2d: {  	v43 =	vld [tilespmem:$0x100D0]  }
0x2e: {  	v46 =	vld [tilespmem:$0x100E0]  }
0x2f: {  	v49 =	vld [tilespmem:$0x100F0]  }
0x30: {  	v56 =	vld [tilespmem:$0x10100];
	v18 =	vadd.s32 $0x4000, v4  }
0x31: {  	v59 =	vld [tilespmem:$0x10110]  }
0x32: {  	v63 =	vld [tilespmem:$0x10120]  }
0x33: {  	v8 =	vld [tilespmem:$0x10130]  }
0x34: {  	v21 =	vadd.s32 $0x4000, v16;
	v54 =	vld.idx.msk [tilespmem:v0+s2+$0x0], $0xffff  }
0x35: {  	v2 =	vadd.s32 $0x4000, v0;
	v24 =	vadd.s32 $0x4000, v19;
	v0 =	vld.idx.msk [tilespmem:v18+s2+$0x0], $0xffff  }
0x36: {  	v11 =	vld [tilespmem:$0x10140]  }
0x37: {  	v5 =	vld [tilespmem:$0x10170]  }
0x38: {  	v53 =	vld.idx.msk [tilespmem:v1+s2+$0x0], $0xffff  }
0x39: {  	v14 =	vadd.s32 $0x4000, v1;
	v27 =	vadd.s32 $0x4000, v22;
	v1 =	vld.idx.msk [tilespmem:v21+s2+$0x0], $0xffff  }
0x3a: {  	v30 =	vadd.s32 $0x4000, v25;
	[tilespmem:$0x1F960] =	vst v0;
	v0 =	vld.idx.msk [tilespmem:v24+s2+$0x0], $0xffff  }
0x3b: {  	v17 =	vld.idx.msk [tilespmem:v3+s2+$0x0], $0xffff  }
0x3c: {  	v20 =	vld.idx.msk [tilespmem:v4+s2+$0x0], $0xffff  }
0x3d: {  	v23 =	vld.idx.msk [tilespmem:v16+s2+$0x0], $0xffff  }
0x3e: {  	v33 =	vadd.s32 $0x4000, v28;
	[tilespmem:$0x1F980] =	vst v1;
	v1 =	vld.idx.msk [tilespmem:v27+s2+$0x0], $0xffff  }
0x3f: {  	v36 =	vadd.s32 $0x4000, v31;
	[tilespmem:$0x1F9A0] =	vst v0;
	v0 =	vld.idx.msk [tilespmem:v30+s2+$0x0], $0xffff  }
0x40: {  	v26 =	vld.idx.msk [tilespmem:v19+s2+$0x0], $0xffff  }
0x41: {  	v29 =	vld.idx.msk [tilespmem:v22+s2+$0x0], $0xffff  }
0x42: {  	v32 =	vld.idx.msk [tilespmem:v25+s2+$0x0], $0xffff  }
0x43: {  	v39 =	vadd.s32 $0x4000, v34;
	[tilespmem:$0x1F9C0] =	vst v1;
	v1 =	vld.idx.msk [tilespmem:v33+s2+$0x0], $0xffff  }
0x44: {  	v42 =	vadd.s32 $0x4000, v37;
	[tilespmem:$0x1F9E0] =	vst v0;
	v0 =	vld.idx.msk [tilespmem:v36+s2+$0x0], $0xffff  }
0x45: {  	v35 =	vld.idx.msk [tilespmem:v28+s2+$0x0], $0xffff  }
0x46: {  	v38 =	vld.idx.msk [tilespmem:v31+s2+$0x0], $0xffff;
	[tilespmem:$0x1F940] =	vst v17  }
0x47: {  	v41 =	vld.idx.msk [tilespmem:v34+s2+$0x0], $0xffff;
	[tilespmem:$0x1F950] =	vst v20  }
0x48: {  	v45 =	vadd.s32 $0x4000, v40;
	[tilespmem:$0x1FA00] =	vst v1;
	v1 =	vld.idx.msk [tilespmem:v39+s2+$0x0], $0xffff  }
0x49: {  	v48 =	vadd.s32 $0x4000, v43;
	[tilespmem:$0x1FA20] =	vst v0;
	v0 =	vld.idx.msk [tilespmem:v42+s2+$0x0], $0xffff  }
0x4a: {  	v44 =	vld.idx.msk [tilespmem:v37+s2+$0x0], $0xffff;
	[tilespmem:$0x1F970] =	vst v23  }
0x4b: {  	v47 =	vld.idx.msk [tilespmem:v40+s2+$0x0], $0xffff;
	[tilespmem:$0x1F990] =	vst v26  }
0x4c: {  	v50 =	vld.idx.msk [tilespmem:v43+s2+$0x0], $0xffff;
	[tilespmem:$0x1F9B0] =	vst v29  }
0x4d: {  	v55 =	vadd.s32 $0x4000, v46;
	[tilespmem:$0x1FA40] =	vst v1;
	v1 =	vld.idx.msk [tilespmem:v45+s2+$0x0], $0xffff  }
0x4e: {  	v58 =	vadd.s32 $0x4000, v49;
	[tilespmem:$0x1FA60] =	vst v0;
	v0 =	vld.idx.msk [tilespmem:v48+s2+$0x0], $0xffff  }
0x4f: {  	v57 =	vld.idx.msk [tilespmem:v46+s2+$0x0], $0xffff;
	[tilespmem:$0x1F9D0] =	vst v32  }
0x50: {  	v60 =	vld.idx.msk [tilespmem:v49+s2+$0x0], $0xffff;
	[tilespmem:$0x1F9F0] =	vst v35  }
0x51: {  	v6 =	vld.idx.msk [tilespmem:v56+s2+$0x0], $0xffff;
	[tilespmem:$0x1FA10] =	vst v38  }
0x52: {  	v61 =	vadd.s32 $0x4000, v56;
	[tilespmem:$0x1FA80] =	vst v1;
	v1 =	vld.idx.msk [tilespmem:v55+s2+$0x0], $0xffff  }
0x53: {  	v7 =	vadd.s32 $0x4000, v59;
	[tilespmem:$0x1FAA0] =	vst v0;
	v0 =	vld.idx.msk [tilespmem:v58+s2+$0x0], $0xffff  }
0x54: {  	v9 =	vld.idx.msk [tilespmem:v59+s2+$0x0], $0xffff;
	[tilespmem:$0x1FA30] =	vst v41  }
0x55: {  	v51 =	vld.idx.msk [tilespmem:v14+s2+$0x0], $0xffff;
	[tilespmem:$0x1FA50] =	vst v44  }
0x56: {  	v15 =	vadd.s32 $0x4000, v3;
	v14 =	vld [tilespmem:$0x10150];
	[tilespmem:$0x1FA70] =	vst v47  }
0x57: {  	v10 =	vadd.s32 $0x4000, v63;
	[tilespmem:$0x1FAC0] =	vst v1;
	v1 =	vld.idx.msk [tilespmem:v61+s2+$0x0], $0xffff  }
0x58: {  	v13 =	vadd.s32 $0x4000, v8;
	[tilespmem:$0x1FAE0] =	vst v0;
	v0 =	vld.idx.msk [tilespmem:v7+s2+$0x0], $0xffff  }
0x59: {  	v12 =	vld.idx.msk [tilespmem:v63+s2+$0x0], $0xffff;
	[tilespmem:$0x1FA90] =	vst v50  }
0x5a: {  	v3 =	vld.idx.msk [tilespmem:v11+s2+$0x0], $0xffff;
	[tilespmem:$0x1FAB0] =	vst v57  }
0x5b: {  	v62 =	vld.idx.msk [tilespmem:v15+s2+$0x0], $0xffff;
	[tilespmem:$0x1FAD0] =	vst v60  }
0x5c: {  	v16 =	vadd.s32 $0x4000, v11;
	[tilespmem:$0x1FB10] =	vst v1;
	v1 =	vld.idx.msk [tilespmem:v10+s2+$0x0], $0xffff  }
0x5d: {  	v18 =	vadd.s32 $0x4000, v14;
	[tilespmem:$0x1FB50] =	vst v0;
	v0 =	vld.idx.msk [tilespmem:v13+s2+$0x0], $0xffff  }
0x5e: {  	v15 =	vld.idx.msk [tilespmem:v8+s2+$0x0], $0xffff;
	[tilespmem:$0x1FAF0] =	vst v6  }
0x5f: {  	[tilespmem:$0x1FB30] =	vst v9;
	v17 =	vld [tilespmem:$0x10160]  }
0x60: {  	[tilespmem:$0x1FB70] =	vst v12;
	v4 =	vld.idx.msk [tilespmem:v14+s2+$0x0], $0xffff  }
0x61: {  	[tilespmem:$0x1FB90] =	vst v1;
	v1 =	vld.idx.msk [tilespmem:v16+s2+$0x0], $0xffff  }
0x62: {  	[tilespmem:$0x1FBD0] =	vst v0;
	v0 =	vld.idx.msk [tilespmem:v18+s2+$0x0], $0xffff  }
0x63: {  	[tilespmem:$0x1FBF0] =	vst v3  }
0x64: {  	[tilespmem:$0x1FBB0] =	vst v15  }
0x65: {  	v19 =	vadd.s32 $0x4000, v17;
	[tilespmem:$0x1FC30] =	vst v4  }
0x66: {  	v20 =	vld [tilespmem:$0x10180];
	[tilespmem:$0x1FC10] =	vst v1  }
0x67: {  	v52 =	vld.idx.msk [tilespmem:v2+s2+$0x0], $0xffff;
	v21 =	vadd.s32 $0x4000, v5;
	[tilespmem:$0x1FC50] =	vst v0  }
0x68: {  	v2 =	vld.idx.msk [tilespmem:v17+s2+$0x0], $0xffff  }
0x69: {  	v22 =	vld [tilespmem:$0x10190]  }
0x6a: {  	v1 =	vld.idx.msk [tilespmem:v19+s2+$0x0], $0xffff  }
0x6b: {  	v24 =	vld.idx.msk [tilespmem:v5+s2+$0x0], $0xffff  }
0x6c: {  	v0 =	vld.idx.msk [tilespmem:v21+s2+$0x0], $0xffff  }
0x6d: {  	v25 =	vld [tilespmem:$0x101A0]  }
0x6e: {  	v3 =	vld.idx.msk [tilespmem:v20+s2+$0x0], $0xffff  }
0x6f: {  	v27 =	vld [tilespmem:$0x101B0]  }
0x70: {  	v29 =	vld [tilespmem:$0x101C0]  }
0x71: {  	v30 =	vld [tilespmem:$0x101D0]  }
0x72: {  	v32 =	vld [tilespmem:$0x101E0]  }
0x73: {  	v6 =	vld [tilespmem:$0x101F0]  }
0x74: {  	v4 =	vld [tilespmem:$0x10400]  }
0x75: {  	v5 =	vld [tilespmem:$0x10410]  }
0x76: {  	v7 =	vld [tilespmem:$0x10610]  }
0x77: {  	v9 =	vld [tilespmem:$0x10420]  }
0x78: {  	v11 =	vld [tilespmem:$0x10620]  }
0x79: {  	v14 =	vld [tilespmem:$0x10430]  }
0x7a: {  	v16 =	vld [tilespmem:$0x10630]  }
0x7b: {  	v8 =	vld [tilespmem:$0x10240]  }
0x7c: {  	v15 =	vld [tilespmem:$0x10440]  }
0x7d: {  	v17 =	vld [tilespmem:$0x10640]  }
0x7e: {  	v10 =	vld [tilespmem:$0x10250]  }
0x7f: {  	v23 =	vadd.s32 $0x4000, v20;
	v20 =	vld [tilespmem:$0x10450]  }
0x80: {  	v21 =	vld [tilespmem:$0x10650]  }
0x81: {  	v12 =	vld [tilespmem:$0x10260]  }
0x82: {  	v13 =	vld [tilespmem:$0x10270]  }
0x83: {  	v18 =	vld [tilespmem:$0x10280]  }
0x84: {  	v19 =	vld [tilespmem:$0x10290]  }
0x85: {  	v50 =	vld [tilespmem:$0x102D0]  }
0x86: {  	v44 =	vld [tilespmem:$0x106D0]  }
0x87: {  	v57 =	vld [tilespmem:$0x102E0]  }
0x88: {  	v48 =	vld [tilespmem:$0x104E0]  }
0x89: {  	v49 =	vld [tilespmem:$0x106E0]  }
0x8a: {  	v45 =	vld [tilespmem:$0x102F0]  }
0x8b: {  	v61 =	vld [tilespmem:$0x104F0]  }
0x8c: {  	v60 =	vld [tilespmem:$0x106F0]  }
0x8d: {  	v46 =	vld [tilespmem:$0x10300]  }
0x8e: {  	v42 =	vld [tilespmem:$0x10700]  }
0x8f: {  	v43 =	vld [tilespmem:$0x10710]  }
0x90: {  	v47 =	vld [tilespmem:$0x10520]  }
0x91: {  	v55 =	vld [tilespmem:$0x10720]  }
0x92: {  	v56 =	vld [tilespmem:$0x10730]  }
0x93: {  	v58 =	vld [tilespmem:$0x10740]  }
0x94: {  	v59 =	vld [tilespmem:$0x10750]  }
0x95: {  	v63 =	vld [tilespmem:$0x10560]  }
0x96: {  	[tilespmem:$0x1FC90] =	vst v1;
	v1 =	vld.idx.msk [tilespmem:v23+s2+$0x0], $0xffff  }
0x97: {  	v23 =	vld [tilespmem:$0x10460]  }
0x98: {  	[tilespmem:$0x1FCB0] =	vst v24;
	v24 =	vld [tilespmem:$0x10660]  }
0x99: {  	[tilespmem:$0x1FB60] =	vst v43;
	v43 =	vld [tilespmem:$0x10320]  }
0x9a: {  	[tilespmem:$0x1FB20] =	vst v42;
	v42 =	vld [tilespmem:$0x10530]  }
0x9b: {  	[tilespmem:$0x1FB80] =	vst v47;
	v47 =	vld [tilespmem:$0x10540]  }
0x9c: {  	[tilespmem:$0x1FBA0] =	vst v55;
	v55 =	vld [tilespmem:$0x10550]  }
0x9d: {  	[tilespmem:$0x1FC60] =	vst v59;
	v59 =	vld [tilespmem:$0x10360]  }
0x9e: {  	[tilespmem:$0x1FC20] =	vst v58;
	v58 =	vld [tilespmem:$0x10760]  }
0x9f: {  	[tilespmem:$0x1FBE0] =	vst v56;
	v56 =	vld [tilespmem:$0x10570]  }
0xa0: {  	[tilespmem:$0x1FC80] =	vst v63;
	v63 =	vld [tilespmem:$0x10770]  }
0xa1: {  	v54 =	vsub.f32 v54, v4;
	v4 =	vld [tilespmem:$0x103C0]  }
0xa2: {  	v5 =	vsub.f32 v53, v5;
	v53 =	vld [tilespmem:$0x1F940]  }
0xa3: {  	v11 =	vsub.f32 v62, v11;
	v62 =	vld [tilespmem:$0x107E0]  }
0xa4: {  	v7 =	vsub.f32 v51, v7;
	v51 =	vand.u32 $0x7FFFFFFF, v54;
	v54 =	vld [tilespmem:$0x105D0]  }
0xa5: {  	[tilespmem:$0x1FC70] =	vst v2;
	v2 =	vld.idx.msk [tilespmem:v22+s2+$0x0], $0xffff  }
0xa6: {  	[tilespmem:$0x1FCD0] =	vst v0;
	v0 =	vld.idx.msk [tilespmem:v25+s2+$0x0], $0xffff  }
0xa7: {  	v35 =	vld.idx.msk [tilespmem:v29+s2+$0x0], $0xffff  }
0xa8: {  	v37 =	vld.idx.msk [tilespmem:v30+s2+$0x0], $0xffff  }
0xa9: {  	v39 =	vld.idx.msk [tilespmem:v32+s2+$0x0], $0xffff  }
0xaa: {  	v40 =	vld.idx.msk [tilespmem:v6+s2+$0x0], $0xffff  }
0xab: {  	v38 =	vadd.s32 $0x4000, v6;
	v6 =	vld [tilespmem:$0x10600]  }
0xac: {  	v26 =	vadd.s32 $0x4000, v22;
	v28 =	vadd.s32 $0x4000, v25;
	v25 =	vld [tilespmem:$0x10470]  }
0xad: {  	v33 =	vadd.s32 $0x4000, v29;
	v29 =	vld [tilespmem:$0x10480]  }
0xae: {  	v34 =	vadd.s32 $0x4000, v30;
	v30 =	vld [tilespmem:$0x10680]  }
0xaf: {  	v36 =	vadd.s32 $0x4000, v32;
	v32 =	vld [tilespmem:$0x10690]  }
0xb0: {  	v22 =	vld [tilespmem:$0x102A0]  }
0xb1: {  	[tilespmem:$0x1FCF0] =	vst v3;
	v3 =	vld.idx.msk [tilespmem:v26+s2+$0x0], $0xffff  }
0xb2: {  	[tilespmem:$0x1FD10] =	vst v1;
	v1 =	vld.idx.msk [tilespmem:v27+s2+$0x0], $0xffff  }
0xb3: {  	v41 =	vld.idx.msk [tilespmem:v38+s2+$0x0], $0xffff  }
0xb4: {  	v26 =	vld [tilespmem:$0x10670]  }
0xb5: {  	v31 =	vadd.s32 $0x4000, v27;
	v27 =	vld [tilespmem:$0x102B0]  }
0xb6: {  	v38 =	vld [tilespmem:$0x10510]  }
0xb7: {  	[tilespmem:$0x1FBC0] =	vst v42;
	v42 =	vld [tilespmem:$0x10340]  }
0xb8: {  	[tilespmem:$0x1FC00] =	vst v47;
	v47 =	vld [tilespmem:$0x10350]  }
0xb9: {  	[tilespmem:$0x1FCE0] =	vst v63;
	v63 =	vld [tilespmem:$0x10780]  }
0xba: {  	[tilespmem:$0x1FC40] =	vst v55;
	v55 =	vld [tilespmem:$0x10370]  }
0xbb: {  	[tilespmem:$0x1FCC0] =	vst v56;
	v56 =	vld [tilespmem:$0x10380]  }
0xbc: {  	v5 =	vand.u32 $0x7FFFFFFF, v5;
	v7 =	vand.u32 $0x7FFFFFFF, v7;
	[tilespmem:$0x1FCA0] =	vst v58;
	v58 =	vld [tilespmem:$0x10580]  }
0xbd: {  	v5 =	vadd.f32 v7, v5;
	v7 =	vsub.f32 v53, v9;
	v9 =	vld [tilespmem:$0x103E0]  }
0xbe: {  	[tilespmem:$0x1FD20] =	vst v63;
	v63 =	vld [tilespmem:$0x10590]  }
0xbf: {  	v53 =	vand.u32 $0x7FFFFFFF, v11;
	v11 =	vld [tilespmem:$0x103F0]  }
0xc0: {  	[tilespmem:$0x1FEB0] =	vst v62;
	v62 =	vld [tilespmem:$0x105F0]  }
0xc1: {  	[tilespmem:$0x1FE40] =	vst v54;
	v54 =	vld [tilespmem:$0x105E0]  }
0xc2: {  	[tilespmem:$0x1FD30] =	vst v2;
	v2 =	vld.idx.msk [tilespmem:v28+s2+$0x0], $0xffff  }
0xc3: {  	[tilespmem:$0x1FD40] =	vst v63;
	v63 =	vld [tilespmem:$0x10790]  }
0xc4: {  	[tilespmem:$0x1FD70] =	vst v0;
	v0 =	vld.idx.msk [tilespmem:v31+s2+$0x0], $0xffff  }
0xc5: {  	v31 =	vld [tilespmem:$0x10490]  }
0xc6: {  	[tilespmem:$0x1FE00] =	vst v35;
	v35 =	vld [tilespmem:$0x106A0]  }
0xc7: {  	v28 =	vld [tilespmem:$0x102C0]  }
0xc8: {  	[tilespmem:$0x1FD60] =	vst v63;
	v63 =	vld [tilespmem:$0x103A0]  }
0xc9: {  	[tilespmem:$0x1FE80] =	vst v39;
	v39 =	vld [tilespmem:$0x104C0]  }
0xca: {  	[tilespmem:$0x1FEC0] =	vst v40;
	v40 =	vld [tilespmem:$0x106C0]  }
0xcb: {  	[tilespmem:$0x1FE30] =	vst v37;
	v37 =	vld [tilespmem:$0x10500]  }
0xcc: {  	v6 =	vsub.f32 v52, v6;
	v52 =	vld [tilespmem:$0x107C0]  }
0xcd: {  	[tilespmem:$0x1FDF0] =	vst v63;
	v63 =	vld [tilespmem:$0x105A0]  }
0xce: {  	[tilespmem:$0x1FDB0] =	vst v1;
	v1 =	vld.idx.msk [tilespmem:v34+s2+$0x0], $0xffff  }
0xcf: {  	[tilespmem:$0x1FD50] =	vst v3;
	v3 =	vld [tilespmem:$0x10230]  }
0xd0: {  	v34 =	vld [tilespmem:$0x104A0]  }
0xd1: {  	[tilespmem:$0x1FDD0] =	vst v0;
	v0 =	vld.idx.msk [tilespmem:v36+s2+$0x0], $0xffff  }
0xd2: {  	[tilespmem:$0x1FD80] =	vst v63;
	v63 =	vld [tilespmem:$0x107A0]  }
0xd3: {  	[tilespmem:$0x1FEE0] =	vst v41;
	v41 =	vld [tilespmem:$0x104D0]  }
0xd4: {  	[tilespmem:$0x1FB40] =	vst v38;
	v38 =	vld [tilespmem:$0x10330]  }
0xd5: {  	[tilespmem:$0x1FD00] =	vst v58;
	v58 =	vld [tilespmem:$0x10390]  }
0xd6: {  	[tilespmem:$0x1FEA0] =	vst v0;
	v0 =	vld [tilespmem:$0x10200]  }
0xd7: {  	v6 =	vand.u32 $0x7FFFFFFF, v6;
	[tilespmem:$0x1FDA0] =	vst v63;
	v63 =	vld [tilespmem:$0x103B0]  }
0xd8: {  	v6 =	vadd.f32 v6, v51;
	v51 =	vld [tilespmem:$0x107D0]  }
0xd9: {  	[tilespmem:$0x1FE50] =	vst v1;
	v1 =	vld [tilespmem:$0x10210]  }
0xda: {  	[tilespmem:$0x1FE90] =	vst v54;
	v54 =	vld [tilespmem:$0x1F950]  }
0xdb: {  	[tilespmem:$0x1FED0] =	vst v62;
	v62 =	vld [tilespmem:$0x1F980]  }
0xdc: {  	v6 =	vmul.f32 v6, v0;
	[tilespmem:$0x1FE70] =	vst v63;
	v63 =	vld [tilespmem:$0x105B0]  }
0xdd: {  	[tilespmem:$0x1FD90] =	vst v2;
	v2 =	vld.idx.msk [tilespmem:v33+s2+$0x0], $0xffff  }
0xde: {  	v36 =	vld [tilespmem:$0x104B0];
	v5 =	vmul.f32 v5, v1;
	v6 =	vadd.f32 $0.0e+00, v6  }
0xdf: {  	[tilespmem:$0x1FE60] =	vst v51;
	v51 =	vand.u32 $0x7FFFFFFF, v7;
	v7 =	vsub.f32 v54, v14;
	v54 =	vld [tilespmem:$0x107F0]  }
0xe0: {  	v5 =	vadd.f32 v5, v6;
	v6 =	vadd.f32 v53, v51;
	v51 =	vld [tilespmem:$0x1F960]  }
0xe1: {  	[tilespmem:$0x1FDC0] =	vst v63;
	v63 =	vld [tilespmem:$0x107B0]  }
0xe2: {  	[tilespmem:$0x1FB00] =	vst v37;
	v53 =	vld [tilespmem:$0x1F970]  }
0xe3: {  	[tilespmem:$0x1FE10] =	vst v2;
	v2 =	vld [tilespmem:$0x10220]  }
0xe4: {  	v33 =	vld [tilespmem:$0x106B0];
	[tilespmem:$0x1FE20] =	vst v52  }
0xe5: {  	v37 =	vld [tilespmem:$0x10310];
	[tilespmem:$0x1FEF0] =	vst v54  }
0xe6: {  	v52 =	vld [tilespmem:$0x103D0];
	v14 =	vsub.f32 v51, v16;
	[tilespmem:$0x1FDE0] =	vst v63  }
0xe7: {  	v7 =	vand.u32 $0x7FFFFFFF, v7;
	v15 =	vsub.f32 v53, v15;
	v16 =	vsub.f32 v62, v17;
	v63 =	vld [tilespmem:$0x105C0];
	_ =	swait.ge [sflag:s16], $0x8000  }
0xe8: {  	v0 =	vadd.f32 $0.0e+00, v0;
	v6 =	vmul.f32 v6, v2;
	v14 =	vand.u32 $0x7FFFFFFF, v14;
	v62 =	vld [tilespmem:$0x1F990]  }
0xe9: {  	v51 =	vand.u32 $0x7FFFFFFF, v15;
	v53 =	vand.u32 $0x7FFFFFFF, v16;
	v17 =	vadd.f32 v14, v7;
	v15 =	vld [tilespmem:$0x1F9A0]  }
0xea: {  	v0 =	vadd.f32 v1, v0;
	v54 =	vadd.f32 v53, v51;
	[sflag:s16] =	ssyncset.done $0x0;
	v51 =	vld [tilespmem:$0x1F9C0]  }
0xeb: {  	v5 =	vadd.f32 v6, v5;
	v1 =	vmul.f32 v17, v3;
	v53 =	vld [tilespmem:$0x1F9D0];
	[sflag:s16] =	ssyncadd.s32 $0xFFFF8000  }
0xec: {  	v0 =	vadd.f32 v2, v0;
	v14 =	vld [tilespmem:$0x10800]  }
0xed: {  	v1 =	vadd.f32 v1, v5;
	v5 =	vld [tilespmem:$0x10810]  }
0xee: {  	v0 =	vadd.f32 v3, v0;
	v2 =	vmul.f32 v54, v8;
	v54 =	vld [tilespmem:$0x1F9E0];
	v6 =	vsub.f32 v62, v20  }
0xef: {  	v7 =	vsub.f32 v15, v21;
	v21 =	vld [tilespmem:$0x1F9B0]  }
0xf0: {  	v8 =	vadd.f32 v8, v0;
	v15 =	vld [tilespmem:$0x10820];
	v16 =	vand.u32 $0x7FFFFFFF, v6  }
0xf1: {  	v17 =	vand.u32 $0x7FFFFFFF, v7;
	v3 =	vadd.s32 $0x4000, v14;
	v7 =	vsub.f32 v51, v24;
	v51 =	vld [tilespmem:$0x1FA00]  }
0xf2: {  	v20 =	vadd.f32 v17, v16;
	v16 =	vsub.f32 v53, v25;
	v25 =	vld [tilespmem:$0x1F9F0]  }
0xf3: {  	v8 =	vadd.f32 v10, v8;
	v17 =	vsub.f32 v54, v26;
	v54 =	vld [tilespmem:$0x10840]  }
0xf4: {  	v6 =	vsub.f32 v21, v23;
	v24 =	vld.idx.msk [tilespmem:v14+s9+$0x0], $0xffff  }
0xf5: {  	v1 =	vadd.f32 v2, v1;
	v8 =	vadd.f32 v12, v8;
	v7 =	vand.u32 $0x7FFFFFFF, v7;
	v23 =	vld.idx.msk [tilespmem:v5+s9+$0x0], $0xffff  }
0xf6: {  	v2 =	vmul.f32 v20, v10;
	v20 =	vadd.s32 $0x4000, v5;
	v6 =	vand.u32 $0x7FFFFFFF, v6;
	v14 =	vld.idx.msk [tilespmem:v3+s9+$0x0], $0xffff  }
0xf7: {  	v62 =	vand.u32 $0x7FFFFFFF, v16;
	v0 =	vand.u32 $0x7FFFFFFF, v17;
	v6 =	vadd.f32 v7, v6;
	v7 =	vld [tilespmem:$0x10830]  }
0xf8: {  	v5 =	vadd.s32 $0x4000, v15;
	v1 =	vadd.f32 v2, v1;
	v2 =	vadd.f32 v0, v62;
	v16 =	vld.idx.msk [tilespmem:v15+s9+$0x0], $0xffff  }
0xf9: {  	v26 =	vsub.f32 v25, v29;
	v25 =	vld [tilespmem:$0x1FA20]  }
0xfa: {  	v8 =	vadd.f32 v13, v8;
	v2 =	vmul.f32 v2, v13;
	v13 =	vld [tilespmem:$0x10860]  }
0xfb: {  	v53 =	vsub.f32 v51, v30;
	v29 =	vld.idx.msk [tilespmem:v20+s9+$0x0], $0xffff  }
0xfc: {  	v21 =	vmul.f32 v6, v12;
	v12 =	vld [tilespmem:$0x10850]  }
0xfd: {  	v62 =	vand.u32 $0x7FFFFFFF, v53;
	v6 =	vand.u32 $0x7FFFFFFF, v26;
	v51 =	vld.idx.msk [tilespmem:v5+s9+$0x0], $0xffff  }
0xfe: {  	v6 =	vadd.f32 v62, v6;
	v62 =	vld.idx.msk [tilespmem:v54+s9+$0x0], $0xffff  }
0xff: {  	v3 =	vadd.f32 v21, v1;
	v21 =	vld [tilespmem:$0x1FA10]  }
0x100: {  	v26 =	vsub.f32 v25, v32;
	v25 =	vld [tilespmem:$0x1FA40]  }
0x101: {  	v8 =	vadd.f32 v18, v8;
	v6 =	vmul.f32 v6, v18;
	v18 =	vld [tilespmem:$0x10870];
	v3 =	vadd.f32 v2, v3  }
0x102: {  	v20 =	vadd.s32 $0x4000, v7;
	v32 =	vadd.s32 $0x4000, v54;
	v54 =	vld [tilespmem:$0x1FA60]  }
0x103: {  	v3 =	vadd.f32 v6, v3;
	v6 =	vld [tilespmem:$0x1FA30]  }
0x104: {  	[tilespmem:$0x1FF00] =	vst v23;
	v23 =	vsub.f32 v21, v31;
	v31 =	vld.idx.msk [tilespmem:v7+s9+$0x0], $0xffff  }
0x105: {  	v21 =	vld [tilespmem:$0x108E0]  }
0x106: {  	v7 =	vld [tilespmem:$0x1FBD0]  }
0x107: {  	v2 =	vld.idx.msk [tilespmem:v20+s9+$0x0], $0xffff  }
0x108: {  	v5 =	vand.u32 $0x7FFFFFFF, v26;
	v26 =	vsub.f32 v25, v35;
	v35 =	vld [tilespmem:$0x1FA50]  }
0x109: {  	[tilespmem:$0x1FF10] =	vst v16;
	v15 =	vadd.s32 $0x4000, v12;
	v32 =	vld.idx.msk [tilespmem:v32+s9+$0x0], $0xffff  }
0x10a: {  	[tilespmem:$0x1FF20] =	vst v62;
	v62 =	vsub.f32 v54, v33;
	v25 =	vld.idx.msk [tilespmem:v12+s9+$0x0], $0xffff;
	v16 =	vand.u32 $0x7FFFFFFF, v23  }
0x10b: {  	v33 =	vadd.f32 v19, v8;
	v8 =	vld [tilespmem:$0x1FA70];
	v5 =	vadd.f32 v5, v16  }
0x10c: {  	v23 =	vld [tilespmem:$0x108B0]  }
0x10d: {  	v5 =	vmul.f32 v5, v19;
	v19 =	vld [tilespmem:$0x10890]  }
0x10e: {  	v10 =	vsub.f32 v6, v34;
	v53 =	vsub.f32 v35, v36;
	v35 =	vand.u32 $0x7FFFFFFF, v62;
	v62 =	vld.idx.msk [tilespmem:v15+s9+$0x0], $0xffff  }
0x10f: {  	v17 =	vand.u32 $0x7FFFFFFF, v26;
	v26 =	vadd.s32 $0x4000, v13;
	[tilespmem:$0x1FF30] =	vst v25;
	v25 =	vld [tilespmem:$0x1FA80]  }
0x110: {  	v16 =	vand.u32 $0x7FFFFFFF, v10;
	v10 =	vsub.f32 v8, v39;
	v39 =	vld [tilespmem:$0x1FAA0]  }
0x111: {  	v8 =	vld [tilespmem:$0x1FAC0]  }
0x112: {  	v30 =	vadd.f32 v17, v16;
	v16 =	vld [tilespmem:$0x10880]  }
0x113: {  	v34 =	vand.u32 $0x7FFFFFFF, v53;
	v53 =	vld.idx.msk [tilespmem:v13+s9+$0x0], $0xffff  }
0x114: {  	v3 =	vadd.f32 v5, v3;
	v5 =	vmul.f32 v30, v22;
	v30 =	vld.idx.msk [tilespmem:v26+s9+$0x0], $0xffff  }
0x115: {  	v17 =	vadd.f32 v22, v33;
	v36 =	vadd.f32 v35, v34;
	v22 =	vld [tilespmem:$0x108A0]  }
0x116: {  	v54 =	vadd.s32 $0x4000, v18;
	v34 =	vld [tilespmem:$0x1FA90]  }
0x117: {  	v15 =	vmul.f32 v36, v27;
	v36 =	vld.idx.msk [tilespmem:v18+s9+$0x0], $0xffff  }
0x118: {  	v26 =	vsub.f32 v25, v40;
	v40 =	vsub.f32 v39, v44;
	v44 =	vld [tilespmem:$0x1FAB0];
	v39 =	vadd.s32 $0x4000, v23  }
0x119: {  	v12 =	vand.u32 $0x7FFFFFFF, v10;
	v17 =	vadd.f32 v27, v17;
	v27 =	vld.idx.msk [tilespmem:v23+s9+$0x0], $0xffff  }
0x11a: {  	v33 =	vadd.s32 $0x4000, v16;
	v20 =	vand.u32 $0x7FFFFFFF, v26;
	v18 =	vand.u32 $0x7FFFFFFF, v40;
	v40 =	vld.idx.msk [tilespmem:v19+s9+$0x0], $0xffff  }
0x11b: {  	v35 =	vsub.f32 v34, v41;
	v41 =	vld.idx.msk [tilespmem:v54+s9+$0x0], $0xffff;
	v12 =	vadd.f32 v20, v12  }
0x11c: {  	v16 =	vld.idx.msk [tilespmem:v16+s9+$0x0], $0xffff  }
0x11d: {  	v17 =	vadd.f32 v28, v17;
	v12 =	vmul.f32 v12, v28;
	v28 =	vld.idx.msk [tilespmem:v39+s9+$0x0], $0xffff  }
0x11e: {  	v5 =	vadd.f32 v5, v3;
	v39 =	vld [tilespmem:$0x1FB20]  }
0x11f: {  	v54 =	vadd.s32 $0x4000, v19;
	v26 =	vld.idx.msk [tilespmem:v33+s9+$0x0], $0xffff  }
0x120: {  	v5 =	vadd.f32 v15, v5;
	v48 =	vsub.f32 v44, v48;
	v15 =	vand.u32 $0x7FFFFFFF, v35;
	v44 =	vld.idx.msk [tilespmem:v22+s9+$0x0], $0xffff  }
0x121: {  	v15 =	vadd.f32 v18, v15;
	v33 =	vadd.s32 $0x4000, v22;
	v22 =	vld [tilespmem:$0x10920]  }
0x122: {  	v13 =	vand.u32 $0x7FFFFFFF, v48;
	v48 =	vld [tilespmem:$0x1FAD0]  }
0x123: {  	v10 =	vsub.f32 v8, v49;
	[tilespmem:$0x1FF40] =	vst v36;
	v36 =	vmul.f32 v15, v50;
	v15 =	vld [tilespmem:$0x108C0]  }
0x124: {  	[tilespmem:$0x1FF50] =	vst v41;
	v41 =	vld.idx.msk [tilespmem:v54+s9+$0x0], $0xffff  }
0x125: {  	v34 =	vand.u32 $0x7FFFFFFF, v10;
	v54 =	vld [tilespmem:$0x1FAE0]  }
0x126: {  	v5 =	vadd.f32 v12, v5;
	v35 =	vadd.f32 v34, v13;
	v34 =	vld [tilespmem:$0x1FB00]  }
0x127: {  	v10 =	vadd.f32 v50, v17;
	v50 =	vld [tilespmem:$0x1FB40]  }
0x128: {  	v5 =	vadd.f32 v36, v5;
	v36 =	vld [tilespmem:$0x1FB10]  }
0x129: {  	v12 =	vmul.f32 v35, v57;
	v8 =	vld.idx.msk [tilespmem:v33+s9+$0x0], $0xffff  }
0x12a: {  	v33 =	vld [tilespmem:$0x1FAF0]  }
0x12b: {  	v49 =	vsub.f32 v48, v61;
	v5 =	vadd.f32 v12, v5;
	v12 =	vld [tilespmem:$0x108D0]  }
0x12c: {  	v61 =	vsub.f32 v54, v60;
	v60 =	vld [tilespmem:$0x1FB50]  }
0x12d: {  	v25 =	vand.u32 $0x7FFFFFFF, v49;
	v49 =	vld [tilespmem:$0x1FB30]  }
0x12e: {  	[tilespmem:$0x1FF70] =	vst v26;
	v20 =	vadd.s32 $0x4000, v15;
	v26 =	vand.u32 $0x7FFFFFFF, v61;
	v61 =	vld [tilespmem:$0x1FB60]  }
0x12f: {  	[tilespmem:$0x1FF80] =	vst v44;
	v44 =	vsub.f32 v36, v39;
	v39 =	vld [tilespmem:$0x1FB90]  }
0x130: {  	v17 =	vadd.f32 v26, v25;
	v26 =	vld [tilespmem:$0x108F0]  }
0x131: {  	v35 =	vsub.f32 v33, v34;
	v34 =	vld [tilespmem:$0x1FB70]  }
0x132: {  	[tilespmem:$0x1FF90] =	vst v8;
	v8 =	vand.u32 $0x7FFFFFFF, v44;
	v44 =	vld [tilespmem:$0x1FBA0]  }
0x133: {  	[tilespmem:$0x1FF60] =	vst v16;
	v16 =	vadd.f32 v57, v10;
	v57 =	vld.idx.msk [tilespmem:v20+s9+$0x0], $0xffff  }
0x134: {  	v20 =	vld [tilespmem:$0x10900]  }
0x135: {  	v1 =	vand.u32 $0x7FFFFFFF, v35;
	v35 =	vld [tilespmem:$0x1FB80]  }
0x136: {  	v54 =	vsub.f32 v49, v50;
	v50 =	vld.idx.msk [tilespmem:v15+s9+$0x0], $0xffff  }
0x137: {  	v33 =	vadd.s32 $0x4000, v21;
	v15 =	vadd.f32 v8, v1;
	v8 =	vld [tilespmem:$0x1FBE0]  }
0x138: {  	v16 =	vadd.f32 v45, v16;
	v17 =	vmul.f32 v17, v45;
	v45 =	vld.idx.msk [tilespmem:v12+s9+$0x0], $0xffff  }
0x139: {  	v10 =	vadd.s32 $0x4000, v12;
	v0 =	vsub.f32 v60, v61;
	v60 =	vld [tilespmem:$0x1FBB0]  }
0x13a: {  	v61 =	vld [tilespmem:$0x1FBC0]  }
0x13b: {  	v16 =	vadd.f32 v46, v16;
	v15 =	vmul.f32 v15, v46;
	v46 =	vld.idx.msk [tilespmem:v21+s9+$0x0], $0xffff  }
0x13c: {  	v25 =	vld.idx.msk [tilespmem:v33+s9+$0x0], $0xffff  }
0x13d: {  	v33 =	vld [tilespmem:$0x1FCD0]  }
0x13e: {  	[tilespmem:$0x1FFA0] =	vst v27;
	v13 =	vld.idx.msk [tilespmem:v10+s9+$0x0], $0xffff  }
0x13f: {  	[tilespmem:$0x1FFB0] =	vst v28;
	v27 =	vand.u32 $0x7FFFFFFF, v54;
	v28 =	vand.u32 $0x7FFFFFFF, v0;
	v48 =	vsub.f32 v39, v44;
	v39 =	vld [tilespmem:$0x1FC00]  }
0x140: {  	v5 =	vadd.f32 v17, v5;
	v17 =	vadd.f32 v28, v27;
	v27 =	vld [tilespmem:$0x10910]  }
0x141: {  	v28 =	vld [tilespmem:$0x1FC30]  }
0x142: {  	v36 =	vsub.f32 v34, v35;
	v34 =	vld [tilespmem:$0x1FC40]  }
0x143: {  	v54 =	vand.u32 $0x7FFFFFFF, v48;
	v48 =	vld [tilespmem:$0x1FC10]  }
0x144: {  	v18 =	vand.u32 $0x7FFFFFFF, v36;
	v36 =	vld [tilespmem:$0x1FBF0]  }
0x145: {  	v16 =	vadd.f32 v37, v16;
	v49 =	vmul.f32 v17, v37;
	v17 =	vadd.s32 $0x4000, v26;
	v26 =	vld.idx.msk [tilespmem:v26+s9+$0x0], $0xffff  }
0x146: {  	v5 =	vadd.f32 v15, v5;
	v10 =	vsub.f32 v7, v8;
	v37 =	vld [tilespmem:$0x1FC60]  }
0x147: {  	v6 =	vsub.f32 v60, v61;
	v15 =	vadd.f32 v54, v18;
	v7 =	vld.idx.msk [tilespmem:v20+s9+$0x0], $0xffff  }
0x148: {  	v16 =	vadd.f32 v43, v16;
	v5 =	vadd.f32 v49, v5;
	v49 =	vld [tilespmem:$0x1FC20]  }
0x149: {  	v21 =	vand.u32 $0x7FFFFFFF, v10;
	v19 =	vand.u32 $0x7FFFFFFF, v6;
	v15 =	vmul.f32 v15, v43;
	v43 =	vld.idx.msk [tilespmem:v22+s9+$0x0], $0xffff  }
0x14a: {  	v61 =	vadd.f32 v21, v19;
	v19 =	vld [tilespmem:$0x10C00]  }
0x14b: {  	v8 =	vadd.s32 $0x4000, v22;
	v18 =	vadd.s32 $0x4000, v20;
	v22 =	vld [tilespmem:$0x1FCC0]  }
0x14c: {  	v35 =	vsub.f32 v28, v34;
	v34 =	vld [tilespmem:$0x1FCE0]  }
0x14d: {  	v23 =	vld.idx.msk [tilespmem:v17+s9+$0x0], $0xffff  }
0x14e: {  	v44 =	vsub.f32 v36, v39;
	v36 =	vld [tilespmem:$0x1FC50]  }
0x14f: {  	v21 =	vmul.f32 v61, v38;
	v61 =	vld [tilespmem:$0x1FC80]  }
0x150: {  	v60 =	vadd.s32 $0x4000, v27;
	v20 =	vld.idx.msk [tilespmem:v18+s9+$0x0], $0xffff  }
0x151: {  	v5 =	vadd.f32 v15, v5;
	v27 =	vld.idx.msk [tilespmem:v27+s9+$0x0], $0xffff  }
0x152: {  	[tilespmem:$0x1FFC0] =	vst v7;
	v7 =	vld [tilespmem:$0x1FC90]  }
0x153: {  	v5 =	vadd.f32 v21, v5;
	v21 =	vld [tilespmem:$0x1FCB0]  }
0x154: {  	v54 =	vsub.f32 v48, v49;
	v48 =	vadd.f32 v38, v16;
	v38 =	vld [tilespmem:$0x1FCF0]  }
0x155: {  	v12 =	vand.u32 $0x7FFFFFFF, v44;
	v44 =	vld.idx.msk [tilespmem:v60+s9+$0x0], $0xffff  }
0x156: {  	v60 =	vld [tilespmem:$0x1FC70]  }
0x157: {  	v19 =	vsub.f32 v24, v19;
	v24 =	vld [tilespmem:$0x1FF00]  }
0x158: {  	[tilespmem:$0x1FFE0] =	vst v27;
	v27 =	vld.idx.msk [tilespmem:v8+s9+$0x0], $0xffff  }
0x159: {  	v8 =	vld [tilespmem:$0x1FCA0]  }
0x15a: {  	v39 =	vsub.f32 v36, v37;
	v28 =	vsub.f32 v21, v22;
	v22 =	vld [tilespmem:$0x10E00]  }
0x15b: {  	v21 =	vld [tilespmem:$0x10A20]  }
0x15c: {  	v49 =	vand.u32 $0x7FFFFFFF, v35;
	v10 =	vand.u32 $0x7FFFFFFF, v54;
	v54 =	vand.u32 $0x7FFFFFFF, v39;
	v39 =	vld [tilespmem:$0x1FD00]  }
0x15d: {  	v12 =	vadd.f32 v10, v12;
	v16 =	vadd.f32 v54, v49;
	v54 =	vld [tilespmem:$0x10A10]  }
0x15e: {  	[tilespmem:$0x1FFF0] =	vst v44;
	v44 =	vld [tilespmem:$0x1FD10]  }
0x15f: {  	v12 =	vmul.f32 v12, v42;
	v6 =	vsub.f32 v60, v61;
	v60 =	vld [tilespmem:$0x1FD30]  }
0x160: {  	v61 =	vld [tilespmem:$0x1FD40]  }
0x161: {  	v15 =	vadd.f32 v42, v48;
	v12 =	vadd.f32 v12, v5;
	v5 =	vld [tilespmem:$0x10A00]  }
0x162: {  	v36 =	vand.u32 $0x7FFFFFFF, v28;
	v28 =	vld [tilespmem:$0x10E10]  }
0x163: {  	v35 =	vsub.f32 v33, v34;
	v15 =	vadd.f32 v47, v15;
	v16 =	vmul.f32 v16, v47;
	v47 =	vld [tilespmem:$0x1FD20]  }
0x164: {  	v10 =	vsub.f32 v7, v8;
	v7 =	vld [tilespmem:$0x1FD50]  }
0x165: {  	v37 =	vand.u32 $0x7FFFFFFF, v35;
	v8 =	vld [tilespmem:$0x1FD60]  }
0x166: {  	v12 =	vadd.f32 v16, v12;
	v16 =	vadd.f32 v37, v36;
	v37 =	vld [tilespmem:$0x10C20]  }
0x167: {  	v42 =	vsub.f32 v38, v39;
	v38 =	vld [tilespmem:$0x10E20]  }
0x168: {  	v36 =	vld [tilespmem:$0x10A40]  }
0x169: {  	v39 =	vld [tilespmem:$0x10A50]  }
0x16a: {  	v14 =	vsub.f32 v14, v22;
	v22 =	vld [tilespmem:$0x10EA0]  }
0x16b: {  	v17 =	vand.u32 $0x7FFFFFFF, v6;
	v6 =	vsub.f32 v60, v61;
	v60 =	vld [tilespmem:$0x1FD90]  }
0x16c: {  	v18 =	vand.u32 $0x7FFFFFFF, v10;
	v61 =	vld [tilespmem:$0x1FDA0]  }
0x16d: {  	v17 =	vadd.f32 v18, v17;
	v18 =	vld [tilespmem:$0x10C10]  }
0x16e: {  	v15 =	vadd.f32 v59, v15;
	v49 =	vmul.f32 v16, v55;
	v16 =	vld [tilespmem:$0x10A30]  }
0x16f: {  	[tilespmem:$0x1FFD0] =	vst v20;
	v20 =	vand.u32 $0x7FFFFFFF, v42;
	v42 =	vld [tilespmem:$0x10C30]  }
0x170: {  	v15 =	vadd.f32 v55, v15;
	v55 =	vld [tilespmem:$0x1FDD0]  }
0x171: {  	v48 =	vsub.f32 v44, v47;
	v44 =	vld [tilespmem:$0x10E30]  }
0x172: {  	v47 =	vld [tilespmem:$0x10C40]  }
0x173: {  	v10 =	vsub.f32 v7, v8;
	v7 =	vld [tilespmem:$0x1FDB0]  }
0x174: {  	v17 =	vmul.f32 v17, v59;
	v8 =	vld [tilespmem:$0x1FDC0]  }
0x175: {  	v33 =	vand.u32 $0x7FFFFFFF, v48;
	v48 =	vld [tilespmem:$0x1FD70]  }
0x176: {  	v12 =	vadd.f32 v17, v12;
	v1 =	vsub.f32 v60, v61;
	v61 =	vld [tilespmem:$0x1FE00]  }
0x177: {  	v17 =	vadd.f32 v33, v20;
	v31 =	vsub.f32 v31, v42;
	v42 =	vld [tilespmem:$0x10CF0]  }
0x178: {  	v12 =	vadd.f32 v49, v12;
	v49 =	vld [tilespmem:$0x1FD80]  }
0x179: {  	v15 =	vadd.f32 v56, v15;
	v17 =	vmul.f32 v17, v56;
	v56 =	vld [tilespmem:$0x1FDE0]  }
0x17a: {  	v20 =	vand.u32 $0x7FFFFFFF, v6;
	v33 =	vand.u32 $0x7FFFFFFF, v10;
	v10 =	vsub.f32 v7, v8;
	v7 =	vld [tilespmem:$0x1FE30]  }
0x17b: {  	v20 =	vadd.f32 v33, v20;
	v8 =	vld [tilespmem:$0x1FE40]  }
0x17c: {  	v6 =	vand.u32 $0x7FFFFFFF, v1;
	v1 =	vld [tilespmem:$0x1FDF0]  }
0x17d: {  	v15 =	vadd.f32 v58, v15;
	v20 =	vmul.f32 v20, v58;
	v58 =	vld [tilespmem:$0x10E60]  }
0x17e: {  	v59 =	vsub.f32 v48, v49;
	v48 =	vld [tilespmem:$0x10E40]  }
0x17f: {  	v12 =	vadd.f32 v17, v12;
	v33 =	vand.u32 $0x7FFFFFFF, v10;
	v49 =	vld [tilespmem:$0x10C50]  }
0x180: {  	v10 =	vsub.f32 v7, v8;
	v7 =	vld [tilespmem:$0x1FE70];
	v3 =	vand.u32 $0x7FFFFFFF, v59;
	v59 =	vsub.f32 v55, v56  }
0x181: {  	v55 =	vld [tilespmem:$0x10E50]  }
0x182: {  	v12 =	vadd.f32 v20, v12;
	v17 =	vadd.f32 v6, v3;
	v6 =	vld [tilespmem:$0x1FE20];
	v34 =	vand.u32 $0x7FFFFFFF, v59  }
0x183: {  	v20 =	vadd.f32 v34, v33;
	v33 =	vsub.f32 v61, v63;
	v63 =	vld [tilespmem:$0x1FE10]  }
0x184: {  	v56 =	vld [tilespmem:$0x10C60]  }
0x185: {  	v3 =	vld [tilespmem:$0x10E90]  }
0x186: {  	v60 =	vmul.f32 v17, v1;
	v17 =	vld [tilespmem:$0x10A60]  }
0x187: {  	v61 =	vld [tilespmem:$0x1FE50]  }
0x188: {  	v35 =	vsub.f32 v63, v6;
	v63 =	vld [tilespmem:$0x1FE60]  }
0x189: {  	v15 =	vadd.f32 v1, v15;
	v34 =	vld [tilespmem:$0x10A70]  }
0x18a: {  	v12 =	vadd.f32 v60, v12;
	v60 =	vld [tilespmem:$0x10C80]  }
0x18b: {  	v15 =	vadd.f32 v7, v15;
	v20 =	vmul.f32 v20, v7;
	v33 =	vand.u32 $0x7FFFFFFF, v33;
	v7 =	vld [tilespmem:$0x1FE90]  }
0x18c: {  	v55 =	vsub.f32 v62, v55;
	v62 =	vsub.f32 v30, v58;
	v30 =	vld [tilespmem:$0x10D10];
	v35 =	vand.u32 $0x7FFFFFFF, v35  }
0x18d: {  	v35 =	vadd.f32 v35, v33;
	v33 =	vld [tilespmem:$0x10A80];
	v6 =	vsub.f32 v61, v63  }
0x18e: {  	v61 =	vld [tilespmem:$0x10C70]  }
0x18f: {  	v8 =	vand.u32 $0x7FFFFFFF, v10;
	v63 =	vld [tilespmem:$0x10E70];
	v10 =	vand.u32 $0x7FFFFFFF, v6  }
0x190: {  	v12 =	vadd.f32 v20, v12;
	v20 =	vadd.f32 v10, v8;
	v8 =	vld [tilespmem:$0x1FEA0]  }
0x191: {  	v10 =	vld [tilespmem:$0x1FEB0]  }
0x192: {  	v59 =	vmul.f32 v35, v4;
	v35 =	vld [tilespmem:$0x1FE80]  }
0x193: {  	v4 =	vadd.f32 v4, v15;
	v15 =	vld [tilespmem:$0x1FEC0]  }
0x194: {  	v6 =	vld [tilespmem:$0x10E80]  }
0x195: {  	v12 =	vadd.f32 v59, v12;
	v59 =	vld [tilespmem:$0x10C90]  }
0x196: {  	v1 =	vsub.f32 v8, v10;
	v10 =	vld [tilespmem:$0x1FED0]  }
0x197: {  	v0 =	vsub.f32 v35, v7;
	v35 =	vld [tilespmem:$0x10A90]  }
0x198: {  	v20 =	vmul.f32 v20, v52;
	v7 =	vld [tilespmem:$0x1FEE0]  }
0x199: {  	v3 =	vsub.f32 v41, v3;
	v4 =	vadd.f32 v52, v4;
	v52 =	vld [tilespmem:$0x10CB0];
	v0 =	vand.u32 $0x7FFFFFFF, v0  }
0x19a: {  	v12 =	vadd.f32 v20, v12;
	v20 =	vld [tilespmem:$0x10AA0];
	v40 =	vsub.f32 v40, v59;
	v1 =	vand.u32 $0x7FFFFFFF, v1  }
0x19b: {  	v0 =	vadd.f32 v1, v0;
	v1 =	vsub.f32 v15, v10;
	v15 =	vld [tilespmem:$0x1FEF0]  }
0x19c: {  	v59 =	vld [tilespmem:$0x1FF80]  }
0x19d: {  	v3 =	vand.u32 $0x7FFFFFFF, v3;
	v8 =	vld [tilespmem:$0x10EB0];
	v40 =	vand.u32 $0x7FFFFFFF, v40  }
0x19e: {  	v19 =	vand.u32 $0x7FFFFFFF, v19;
	v14 =	vand.u32 $0x7FFFFFFF, v14;
	v3 =	vadd.f32 v3, v40;
	v40 =	vld [tilespmem:$0x10F40]  }
0x19f: {  	v4 =	vadd.f32 v9, v4;
	v0 =	vmul.f32 v0, v9;
	v9 =	vadd.f32 v14, v19;
	v14 =	vld [tilespmem:$0x10AC0]  }
0x1a0: {  	v19 =	vld [tilespmem:$0x10AD0];
	v10 =	vsub.f32 v7, v15  }
0x1a1: {  	v7 =	vld [tilespmem:$0x10CA0]  }
0x1a2: {  	v1 =	vand.u32 $0x7FFFFFFF, v1;
	v15 =	vld [tilespmem:$0x10AB0];
	v10 =	vand.u32 $0x7FFFFFFF, v10  }
0x1a3: {  	v1 =	vadd.f32 v10, v1;
	v10 =	vsub.f32 v24, v18;
	v24 =	vld [tilespmem:$0x10CC0]  }
0x1a4: {  	v4 =	vadd.f32 v11, v4;
	v18 =	vsub.f32 v29, v28;
	v29 =	vld [tilespmem:$0x10EC0]  }
0x1a5: {  	v0 =	vadd.f32 v0, v12;
	v1 =	vmul.f32 v1, v11;
	v28 =	vand.u32 $0x7FFFFFFF, v10;
	v10 =	vld [tilespmem:$0x10CD0]  }
0x1a6: {  	v12 =	vand.u32 $0x7FFFFFFF, v18;
	v18 =	vld [tilespmem:$0x10AE0]  }
0x1a7: {  	v4 =	vadd.f32 v5, v4;
	v0 =	vadd.f32 v1, v0;
	v1 =	vmul.f32 v9, v5;
	v5 =	vld [tilespmem:$0x10AF0]  }
0x1a8: {  	v24 =	vsub.f32 v50, v24;
	v50 =	vld [tilespmem:$0x10F50]  }
0x1a9: {  	v0 =	vadd.f32 v1, v0;
	v1 =	vadd.f32 v12, v28;
	v28 =	vld [tilespmem:$0x1FF10]  }
0x1aa: {  	v12 =	vsub.f32 v51, v38;
	v38 =	vld [tilespmem:$0x10ED0]  }
0x1ab: {  	v2 =	vsub.f32 v2, v44;
	v51 =	vld [tilespmem:$0x1FF20]  }
0x1ac: {  	v10 =	vsub.f32 v45, v10;
	v45 =	vld [tilespmem:$0x1FFD0];
	v1 =	vmul.f32 v1, v54  }
0x1ad: {  	v44 =	vand.u32 $0x7FFFFFFF, v31;
	v2 =	vand.u32 $0x7FFFFFFF, v2;
	v11 =	vand.u32 $0x7FFFFFFF, v12;
	v12 =	vld [tilespmem:$0x10CE0]  }
0x1ae: {  	v0 =	vadd.f32 v1, v0;
	v1 =	vadd.f32 v2, v44;
	v44 =	vld [tilespmem:$0x10EF0]  }
0x1af: {  	v9 =	vsub.f32 v28, v37;
	v28 =	vld [tilespmem:$0x10EE0];
	v37 =	vsub.f32 v32, v48  }
0x1b0: {  	v4 =	vadd.f32 v54, v4;
	v54 =	vsub.f32 v51, v47;
	v32 =	vld [tilespmem:$0x10D00]  }
0x1b1: {  	v48 =	vand.u32 $0x7FFFFFFF, v37;
	v37 =	vld [tilespmem:$0x10F00]  }
0x1b2: {  	v9 =	vand.u32 $0x7FFFFFFF, v9;
	v47 =	vand.u32 $0x7FFFFFFF, v54;
	v54 =	vld [tilespmem:$0x1FF30]  }
0x1b3: {  	v9 =	vadd.f32 v11, v9;
	v11 =	vld [tilespmem:$0x10B10]  }
0x1b4: {  	v51 =	vadd.f32 v48, v47;
	v48 =	vld [tilespmem:$0x10930]  }
0x1b5: {  	v47 =	vld [tilespmem:$0x10D20]  }
0x1b6: {  	v23 =	vsub.f32 v23, v44;
	v44 =	vld [tilespmem:$0x1FFC0];
	v2 =	vmul.f32 v9, v21  }
0x1b7: {  	v9 =	vld [tilespmem:$0x10B00]  }
0x1b8: {  	v26 =	vsub.f32 v26, v42;
	v42 =	vand.u32 $0x7FFFFFFF, v23;
	v23 =	vld [tilespmem:$0x10F70];
	v0 =	vadd.f32 v2, v0  }
0x1b9: {  	v1 =	vmul.f32 v1, v16;
	v2 =	vadd.f32 v21, v4;
	v4 =	vsub.f32 v54, v49;
	v54 =	vld [tilespmem:$0x1FF40]  }
0x1ba: {  	v56 =	vsub.f32 v53, v56;
	v21 =	vand.u32 $0x7FFFFFFF, v55;
	v55 =	vld [tilespmem:$0x1FF50]  }
0x1bb: {  	v0 =	vadd.f32 v1, v0;
	v2 =	vadd.f32 v16, v2;
	v16 =	vld [tilespmem:$0x10B20]  }
0x1bc: {  	v1 =	vmul.f32 v51, v36;
	v4 =	vand.u32 $0x7FFFFFFF, v4;
	v51 =	vand.u32 $0x7FFFFFFF, v62;
	v62 =	vld [tilespmem:$0x1FF70]  }
0x1bd: {  	v49 =	vand.u32 $0x7FFFFFFF, v56;
	v4 =	vadd.f32 v21, v4;
	v21 =	vld [tilespmem:$0x10F10]  }
0x1be: {  	v0 =	vadd.f32 v1, v0;
	v1 =	vadd.f32 v51, v49;
	v49 =	vld [tilespmem:$0x10F20]  }
0x1bf: {  	v36 =	vadd.f32 v36, v2;
	v2 =	vld [tilespmem:$0x10B30]  }
0x1c0: {  	v41 =	vld.idx.msk [tilespmem:v48+s9+$0x0], $0xffff  }
0x1c1: {  	v56 =	vadd.s32 $0x4000, v48;
	v51 =	vld [tilespmem:$0x1FFB0]  }
0x1c2: {  	v53 =	vmul.f32 v4, v39;
	v4 =	vsub.f32 v54, v61;
	v31 =	vsub.f32 v55, v63;
	v61 =	vld [tilespmem:$0x1FF60]  }
0x1c3: {  	v36 =	vadd.f32 v39, v36;
	v39 =	vld [tilespmem:$0x10940]  }
0x1c4: {  	v0 =	vadd.f32 v53, v0;
	v4 =	vand.u32 $0x7FFFFFFF, v4;
	v31 =	vand.u32 $0x7FFFFFFF, v31;
	v53 =	vld [tilespmem:$0x10F30]  }
0x1c5: {  	v6 =	vsub.f32 v62, v6;
	v58 =	vadd.f32 v31, v4;
	v31 =	vld [tilespmem:$0x10D30]  }
0x1c6: {  	v1 =	vmul.f32 v1, v17;
	v17 =	vadd.f32 v17, v36;
	v36 =	vld [tilespmem:$0x1FFA0]  }
0x1c7: {  	v55 =	vand.u32 $0x7FFFFFFF, v6;
	v6 =	vld.idx.msk [tilespmem:v56+s9+$0x0], $0xffff  }
0x1c8: {  	v4 =	vsub.f32 v61, v60;
	v60 =	vld [tilespmem:$0x1FF90]  }
0x1c9: {  	v0 =	vadd.f32 v1, v0;
	v1 =	vld [tilespmem:$0x10B40]  }
0x1ca: {  	v63 =	vmul.f32 v58, v34;
	v58 =	vld [tilespmem:$0x10950];
	v56 =	vadd.s32 $0x4000, v39  }
0x1cb: {  	v17 =	vadd.f32 v34, v17;
	v34 =	vld [tilespmem:$0x10D40];
	v54 =	vand.u32 $0x7FFFFFFF, v4  }
0x1cc: {  	v0 =	vadd.f32 v63, v0;
	v4 =	vadd.f32 v55, v54;
	v39 =	vld.idx.msk [tilespmem:v39+s9+$0x0], $0xffff  }
0x1cd: {  	v6 =	vsub.f32 v6, v53;
	v53 =	vld [tilespmem:$0x10FB0];
	v22 =	vsub.f32 v60, v22  }
0x1ce: {  	v61 =	vadd.f32 v33, v17;
	v4 =	vmul.f32 v4, v33;
	v33 =	vsub.f32 v36, v52;
	v52 =	vld [tilespmem:$0x10960]  }
0x1cf: {  	v29 =	vsub.f32 v57, v29;
	v8 =	vsub.f32 v51, v8;
	v62 =	vand.u32 $0x7FFFFFFF, v22;
	v22 =	vld.idx.msk [tilespmem:v56+s9+$0x0], $0xffff  }
0x1d0: {  	v3 =	vmul.f32 v3, v35;
	v0 =	vadd.f32 v4, v0;
	v4 =	vadd.f32 v35, v61;
	v35 =	vld [tilespmem:$0x10D50]  }
0x1d1: {  	v8 =	vand.u32 $0x7FFFFFFF, v8;
	v33 =	vand.u32 $0x7FFFFFFF, v33;
	v61 =	vsub.f32 v25, v28;
	v28 =	vld [tilespmem:$0x10B70]  }
0x1d2: {  	v7 =	vsub.f32 v59, v7;
	v54 =	vadd.f32 v8, v33;
	v8 =	vld.idx.msk [tilespmem:v58+s9+$0x0], $0xffff  }
0x1d3: {  	v55 =	vand.u32 $0x7FFFFFFF, v24;
	v63 =	vadd.s32 $0x4000, v58;
	v56 =	vand.u32 $0x7FFFFFFF, v29;
	v58 =	vld [tilespmem:$0x10970]  }
0x1d4: {  	v13 =	vsub.f32 v13, v38;
	v24 =	vadd.f32 v56, v55;
	v55 =	vld [tilespmem:$0x1FFE0]  }
0x1d5: {  	v7 =	vand.u32 $0x7FFFFFFF, v7;
	v56 =	vld [tilespmem:$0x1FFF0]  }
0x1d6: {  	v10 =	vand.u32 $0x7FFFFFFF, v10;
	v13 =	vand.u32 $0x7FFFFFFF, v13;
	v3 =	vadd.f32 v3, v0;
	v0 =	vld [tilespmem:$0x10B50]  }
0x1d7: {  	v60 =	vadd.f32 v13, v10;
	v7 =	vadd.f32 v62, v7;
	v13 =	vand.u32 $0x7FFFFFFF, v61;
	v61 =	vld [tilespmem:$0x109A0]  }
0x1d8: {  	v17 =	vld.idx.msk [tilespmem:v63+s9+$0x0], $0xffff  }
0x1d9: {  	v12 =	vsub.f32 v46, v12;
	v7 =	vmul.f32 v7, v20;
	v20 =	vadd.f32 v20, v4;
	v4 =	vld [tilespmem:$0x10B60]  }
0x1da: {  	v38 =	vand.u32 $0x7FFFFFFF, v26;
	v59 =	vmul.f32 v24, v14;
	v24 =	vld [tilespmem:$0x10D60]  }
0x1db: {  	v12 =	vand.u32 $0x7FFFFFFF, v12;
	v26 =	vsub.f32 v45, v37;
	v39 =	vsub.f32 v39, v34;
	v63 =	vld [tilespmem:$0x10980]  }
0x1dc: {  	v12 =	vadd.f32 v13, v12;
	v13 =	vld [tilespmem:$0x10D70]  }
0x1dd: {  	v51 =	vand.u32 $0x7FFFFFFF, v26;
	v57 =	vadd.s32 $0x4000, v52;
	v26 =	vand.u32 $0x7FFFFFFF, v39;
	v39 =	vld [tilespmem:$0x109F0]  }
0x1de: {  	v3 =	vadd.f32 v7, v3;
	v7 =	vmul.f32 v54, v15;
	v15 =	vadd.f32 v15, v20;
	v20 =	vld [tilespmem:$0x10F60]  }
0x1df: {  	v22 =	vsub.f32 v22, v40;
	v40 =	vld [tilespmem:$0x109B0]  }
0x1e0: {  	v10 =	vld.idx.msk [tilespmem:v52+s9+$0x0], $0xffff  }
0x1e1: {  	v52 =	vld [tilespmem:$0x10990]  }
0x1e2: {  	v8 =	vsub.f32 v8, v35;
	v35 =	vld [tilespmem:$0x109E0]  }
0x1e3: {  	v62 =	vadd.s32 $0x4000, v58;
	v25 =	vld.idx.msk [tilespmem:v57+s9+$0x0], $0xffff  }
0x1e4: {  	v45 =	vand.u32 $0x7FFFFFFF, v8;
	v8 =	vld [tilespmem:$0x10BB0]  }
0x1e5: {  	v14 =	vadd.f32 v14, v15;
	v17 =	vsub.f32 v17, v50;
	v50 =	vld [tilespmem:$0x109C0]  }
0x1e6: {  	v27 =	vsub.f32 v27, v49;
	v3 =	vadd.f32 v7, v3;
	v15 =	vld.idx.msk [tilespmem:v58+s9+$0x0], $0xffff  }
0x1e7: {  	v7 =	vmul.f32 v60, v19;
	v14 =	vadd.f32 v19, v14;
	v19 =	vsub.f32 v44, v32;
	v44 =	vld.idx.msk [tilespmem:v61+s9+$0x0], $0xffff  }
0x1e8: {  	v27 =	vand.u32 $0x7FFFFFFF, v27;
	v29 =	vld.idx.msk [tilespmem:v62+s9+$0x0], $0xffff  }
0x1e9: {  	v6 =	vand.u32 $0x7FFFFFFF, v6;
	v12 =	vmul.f32 v12, v18;
	v14 =	vadd.f32 v18, v14;
	v18 =	vld [tilespmem:$0x10D80]  }
0x1ea: {  	v21 =	vsub.f32 v56, v21;
	v48 =	vand.u32 $0x7FFFFFFF, v19;
	v19 =	vsub.f32 v55, v30;
	v30 =	vld [tilespmem:$0x10F80]  }
0x1eb: {  	v22 =	vand.u32 $0x7FFFFFFF, v22;
	v46 =	vadd.s32 $0x4000, v63;
	v57 =	vsub.f32 v43, v47;
	v36 =	vld.idx.msk [tilespmem:v63+s9+$0x0], $0xffff  }
0x1ec: {  	v21 =	vand.u32 $0x7FFFFFFF, v21;
	v3 =	vadd.f32 v59, v3;
	v63 =	vsub.f32 v41, v31;
	v31 =	vld [tilespmem:$0x10F90]  }
0x1ed: {  	v43 =	vadd.f32 v22, v26;
	v60 =	vand.u32 $0x7FFFFFFF, v57;
	v47 =	vadd.s32 $0x4000, v40;
	v41 =	vld [tilespmem:$0x10DA0]  }
0x1ee: {  	v3 =	vadd.f32 v7, v3;
	v7 =	vadd.f32 v42, v38;
	v59 =	vadd.s32 $0x4000, v52;
	v42 =	vld [tilespmem:$0x10FA0]  }
0x1ef: {  	v38 =	vadd.s32 $0x4000, v61;
	v10 =	vsub.f32 v10, v24;
	v54 =	vadd.f32 v51, v48;
	v48 =	vld [tilespmem:$0x10DB0]  }
0x1f0: {  	v3 =	vadd.f32 v12, v3;
	v7 =	vmul.f32 v7, v5;
	v12 =	vld [tilespmem:$0x10B80];
	v19 =	vand.u32 $0x7FFFFFFF, v19  }
0x1f1: {  	v32 =	vld.idx.msk [tilespmem:v46+s9+$0x0], $0xffff;
	v5 =	vadd.f32 v5, v14;
	v37 =	vand.u32 $0x7FFFFFFF, v63;
	v46 =	vand.u32 $0x7FFFFFFF, v17  }
0x1f2: {  	v14 =	vld [tilespmem:$0x10D90];
	v20 =	vsub.f32 v25, v20;
	v10 =	vand.u32 $0x7FFFFFFF, v10;
	v61 =	vadd.s32 $0x4000, v50  }
0x1f3: {  	v55 =	vld.idx.msk [tilespmem:v40+s9+$0x0], $0xffff;
	v40 =	vadd.s32 $0x4000, v35;
	v58 =	vadd.f32 v21, v19;
	v6 =	vadd.f32 v6, v37  }
0x1f4: {  	v63 =	vld [tilespmem:$0x10DC0];
	v49 =	vsub.f32 v15, v13;
	v3 =	vadd.f32 v7, v3;
	v7 =	vmul.f32 v54, v9  }
0x1f5: {  	v19 =	vld [tilespmem:$0x10B90];
	v5 =	vadd.f32 v9, v5;
	v51 =	vand.u32 $0x7FFFFFFF, v20;
	v62 =	vmul.f32 v58, v11  }
0x1f6: {  	v9 =	vld.idx.msk [tilespmem:v52+s9+$0x0], $0xffff;
	v6 =	vmul.f32 v6, v2;
	v52 =	vsub.f32 v29, v23;
	v54 =	vadd.f32 v51, v10  }
0x1f7: {  	v37 =	vld [tilespmem:$0x10DD0];
	v56 =	vand.u32 $0x7FFFFFFF, v49;
	v25 =	vsub.f32 v36, v18;
	v3 =	vadd.f32 v7, v3  }
0x1f8: {  	v21 =	vld.idx.msk [tilespmem:v59+s9+$0x0], $0xffff;
	v49 =	vadd.s32 $0x4000, v39;
	v7 =	vadd.f32 v27, v60;
	v5 =	vadd.f32 v11, v5  }
0x1f9: {  	v58 =	vld.idx.msk [tilespmem:v47+s9+$0x0], $0xffff;
	v57 =	vand.u32 $0x7FFFFFFF, v52;
	v26 =	vsub.f32 v32, v30;
	v10 =	vsub.f32 v55, v48  }
0x1fa: {  	v11 =	vld.idx.msk [tilespmem:v38+s9+$0x0], $0xffff;
	v3 =	vadd.f32 v62, v3;
	v7 =	vmul.f32 v7, v16;
	v5 =	vadd.f32 v16, v5  }
0x1fb: {  	v59 =	vmul.f32 v54, v4;
	v60 =	vadd.f32 v57, v56;
	v62 =	vld [tilespmem:$0x109D0];
	v16 =	vsub.f32 v44, v41  }
0x1fc: {  	v47 =	vld [tilespmem:$0x10FE0];
	v29 =	vsub.f32 v9, v14;
	v32 =	vand.u32 $0x7FFFFFFF, v26;
	v3 =	vadd.f32 v7, v3  }
0x1fd: {  	v48 =	vld.idx.msk [tilespmem:v35+s9+$0x0], $0xffff;
	v10 =	vand.u32 $0x7FFFFFFF, v10;
	v2 =	vadd.f32 v2, v5;
	v5 =	vadd.f32 v46, v45  }
0x1fe: {  	v44 =	vld [tilespmem:$0x10DE0];
	v33 =	vsub.f32 v21, v31;
	v3 =	vadd.f32 v6, v3;
	v6 =	vmul.f32 v43, v1  }
0x1ff: {  	v27 =	vld [tilespmem:$0x10FC0];
	v16 =	vand.u32 $0x7FFFFFFF, v16;
	v15 =	vsub.f32 v58, v53;
	v1 =	vadd.f32 v1, v2  }
0x200: {  	v38 =	vld [tilespmem:$0x10FD0];
	v11 =	vsub.f32 v11, v42;
	v5 =	vmul.f32 v5, v0;
	v3 =	vadd.f32 v6, v3  }
0x201: {  	v30 =	vld.idx.msk [tilespmem:v50+s9+$0x0], $0xffff;
	v2 =	vmul.f32 v60, v28;
	v43 =	vand.u32 $0x7FFFFFFF, v15;
	v0 =	vadd.f32 v0, v1  }
0x202: {  	v36 =	vadd.s32 $0x4000, v62;
	v46 =	vadd.f32 v43, v10;
	v6 =	vld.idx.msk [tilespmem:v61+s9+$0x0], $0xffff;
	v3 =	vadd.f32 v5, v3  }
0x203: {  	v11 =	vand.u32 $0x7FFFFFFF, v11;
	v58 =	vsub.f32 v48, v44;
	v0 =	vadd.f32 v4, v0;
	v17 =	vld.idx.msk [tilespmem:v62+s9+$0x0], $0xffff  }
0x204: {  	v51 =	vld.idx.msk [tilespmem:v40+s9+$0x0], $0xffff;
	v41 =	vadd.f32 v11, v16;
	v4 =	vand.u32 $0x7FFFFFFF, v25;
	v1 =	vadd.f32 v59, v3  }
0x205: {  	v52 =	vld [tilespmem:$0x10DF0];
	v14 =	vand.u32 $0x7FFFFFFF, v33;
	v4 =	vadd.f32 v32, v4;
	v0 =	vadd.f32 v28, v0  }
0x206: {  	v7 =	vld [tilespmem:$0x10BA0];
	v3 =	vsub.f32 v30, v63;
	v1 =	vadd.f32 v2, v1;
	v2 =	vand.u32 $0x7FFFFFFF, v29  }
0x207: {  	v42 =	vld.idx.msk [tilespmem:v36+s9+$0x0], $0xffff;
	v4 =	vmul.f32 v4, v12;
	v6 =	vsub.f32 v6, v27;
	v2 =	vadd.f32 v14, v2  }
0x208: {  	v54 =	vld.idx.msk [tilespmem:v39+s9+$0x0], $0xffff;
	v0 =	vadd.f32 v12, v0;
	v3 =	vand.u32 $0x7FFFFFFF, v3;
	v55 =	vsub.f32 v17, v37  }
0x209: {  	v53 =	vld [tilespmem:$0x10FF0];
	v6 =	vand.u32 $0x7FFFFFFF, v6;
	v1 =	vadd.f32 v4, v1;
	v2 =	vmul.f32 v2, v19  }
0x20a: {  	v5 =	vld [tilespmem:$0x10BC0];
	v0 =	vadd.f32 v19, v0;
	v3 =	vadd.f32 v6, v3  }
0x20b: {  	v56 =	vld.idx.msk [tilespmem:v49+s9+$0x0], $0xffff;
	v45 =	vmul.f32 v41, v7;
	v4 =	vsub.f32 v51, v47;
	v1 =	vadd.f32 v2, v1  }
0x20c: {  	v57 =	vld [tilespmem:$0x10BD0];
	v50 =	vmul.f32 v46, v8;
	v11 =	vsub.f32 v42, v38;
	v0 =	vadd.f32 v7, v0  }
0x20d: {  	v6 =	vand.u32 $0x7FFFFFFF, v58;
	v7 =	vsub.f32 v54, v52;
	v1 =	vadd.f32 v45, v1  }
0x20e: {  	v59 =	vld [tilespmem:$0x10BE0];
	v11 =	vand.u32 $0x7FFFFFFF, v11;
	v0 =	vadd.f32 v8, v0;
	v8 =	vand.u32 $0x7FFFFFFF, v55  }
0x20f: {  	v3 =	vmul.f32 v3, v5;
	v8 =	vadd.f32 v11, v8;
	v1 =	vadd.f32 v50, v1  }
0x210: {  	v60 =	vld [tilespmem:$0x10BF0];
	v4 =	vand.u32 $0x7FFFFFFF, v4;
	v2 =	vsub.f32 v56, v53;
	v0 =	vadd.f32 v5, v0  }
0x211: {  	v61 =	vadd.f32 v4, v6;
	v62 =	vmul.f32 v8, v57;
	v1 =	vadd.f32 v3, v1  }
0x212: {  	v63 =	vand.u32 $0x7FFFFFFF, v7;
	v2 =	vand.u32 $0x7FFFFFFF, v2;
	v0 =	vadd.f32 v57, v0  }
0x213: {  	v2 =	vadd.f32 v2, v63;
	v3 =	vmul.f32 v61, v59;
	v1 =	vadd.f32 v62, v1  }
0x214: {  	v0 =	vadd.f32 v59, v0  }
0x215: {  	v2 =	vmul.f32 v2, v60;
	v1 =	vadd.f32 v3, v1  }
0x216: {  	v0 =	vadd.f32 v60, v0  }
0x217: {  	v1 =	vadd.f32 v2, v1  }
0x218: {  	p0 =	sne.s32 s8, $0x1;
	[tilespmem:$0x11010] =	vst v0  }
.Ltmp0:
0x219: {  	[tilespmem:$0x11000] =	vst v1;
	(pc) =	sbr.rel @p0 .LBB2_1-.Ltmp0, $4  }
0x21a: {  	[hbm4b:s7+s2] =	stream.linear.scatter [tilespmem:s17], [sflag:$0x3], $0x80, $0x38;
	[tilespmem:$0x11080] =	vst v63  }
0x21b: {  	_ =	swait.ge [sflag:s13], $0x80  }
0x21c: {  	[sflag:s13] =	ssyncset.done $0x0  }
0x21d: {  	s8 =	sadd.s32 $0xFFFFFFFF, s8;
	[sflag:s13] =	ssyncadd.s32 $0xFFFFFF80  }
0x21e: {  	_ =	sfence.sel $0x180000  }
0x21f: {  	[bflag:$0x0] =	sbarrier.arrive $0xFFFF  }
0x220: {  	p0 =	sne.s32 s1, $0x0;
	_ =	strace $0x90000047  }
0x221: {  	s0 =	sadd.s32 @!p0 $0x100000, s0;
	[bflag:$0x2] =	sbarrier.arrive $0xFFFF  }
0x222: {  	[sflag:s0] =	ssyncadd.tile.s32 @!p0 $0x1;
	_ =	shalt  }
.Lfunc_end2:
_tile_overlayer_lowered:
.L_overlay_start_2:
0x223: {  	(tag) =	ssettag $0x2  }
0x224: {  	s0 =	rddreg [dreg:$0x0];
	s2 =	stileid.u32  }
0x225: {  	s1 =	rddreg [dreg:$0x1];
	p0 =	sne.s32 s2, $0x0  }
0x226: {  	s3 =	rddreg [dreg:$0x2];
	[bflag:$0x3] =	sbarrier.arrive $0xFFFF;
	s2 =	simm.s32 @!p0 $0x1C03  }
0x227: {  	[timem:s3], [sflag:s2] =	dma.local @!p0 [hbm:s0], s1  }
0x228: {  	s0 =	simm.s32 @!p0 $0x3  }
0x229: {  	_ =	swait.ge @!p0 [sflag:s0], s1  }
0x22a: {  	s1 =	ssub.s32 @!p0 $0x0, s1;
	[sflag:s0] =	ssyncset.done @!p0 $0x0  }
0x22b: {  	[sflag:s0] =	ssyncadd.s32 @!p0 s1  }
0x22c: {  	[bflag:$0x3] =	sbarrier.arrive $0xFFFF  }
0x22d: {  	_ =	shalt  }

</sc_bundles>
